<compile_context>
chip_gen: v7x
topology: tpu7x:2x2x1
jax: 0.10.2.dev20260603
libtpu: 0.0.44.dev20260713+nightly
codegen_flags: <defaults>
</compile_context>

<pallas_src>
import functools
import jax
import jax.numpy as jnp
from jax import lax
from jax.experimental import pallas as pl
from jax.experimental.pallas import tpu as pltpu
from jax.experimental.pallas import tpu_sc as plsc

N = 10000
E = 320000
DIM = 128
DIM_D = 64
NCLASS = 16
OMEGA = 0.1

NC = 2
NS = 16
NW = NC * NS
NPAD = 10240
SLICE = NPAD // NS
EROWS = E // 128
Q = 80
HALF = 40
EROWS_PAD = Q * NW
DROWS = NPAD // 128
BR = 1000


def _zero16():
    return jnp.zeros((16,), jnp.float32)


def _fill_zeros_2d(ref, nrows, ncols):
    def row(r, _):
        for ck in range(ncols // 16):
            ref[r, pl.ds(ck * 16, 16)] = _zero16()
        return 0
    lax.fori_loop(0, nrows, row, 0)


def _fill_zeros_1d(ref, n):
    def step(i, _):
        ref[pl.ds(i * 16, 16)] = _zero16()
        return 0
    lax.fori_loop(0, n // 16, step, 0)



def _make_agg_kernel(with_pe_deg: bool):
    outs = [jax.ShapeDtypeStruct((NC, NPAD, DIM), jnp.float32)]
    if with_pe_deg:
        outs.append(jax.ShapeDtypeStruct((NC * NPAD,), jnp.float32))
        outs.append(jax.ShapeDtypeStruct((NC * NPAD,), jnp.float32))
        outs.append(jax.ShapeDtypeStruct((NPAD, DIM), jnp.float32))

    scratch = [
        pltpu.VMEM((HALF, 128), jnp.int32),
        pltpu.VMEM((HALF, 128), jnp.int32),
        pltpu.VMEM((128, DIM), jnp.float32),
        pltpu.VMEM((128, DIM), jnp.float32),
        pltpu.VMEM_SHARED((NPAD, DIM), jnp.float32),
        pltpu.SemaphoreType.DMA,
        pltpu.SemaphoreType.DMA,
    ]
    if with_pe_deg:
        scratch += [
            pltpu.VMEM((SLICE,), jnp.float32),
            pltpu.VMEM((128,), jnp.float32),
            pltpu.VMEM_SHARED((NPAD,), jnp.float32),
            pltpu.VMEM_SHARED((NPAD,), jnp.float32),
            pltpu.VMEM((128,), jnp.int32),
        ]

    mesh = plsc.VectorSubcoreMesh(core_axis_name="c", subcore_axis_name="s")

    def body(src_hbm, dst_hbm, h_hbm, d_hbm, pe_hbm, idx_hbm, agg_out, *rest):
        if with_pe_deg:
            (deg_out, cnt_out, t_out, srcb, dstb, rows, rows1, agg_sh,
             sem, sem1, dzv, ones, deg_sh, cnt_sh, pidx) = rest
        else:
            (srcb, dstb, rows, rows1, agg_sh, sem, sem1) = rest
        c = lax.axis_index("c")
        s = lax.axis_index("s")
        w = s * NC + c

        _fill_zeros_2d(rows, 128, DIM)
        base = pl.multiple_of(s * SLICE, SLICE)
        for k in range(SLICE // 128):
            pltpu.sync_copy(rows, agg_sh.at[pl.ds(base + k * 128, 128)])
        if with_pe_deg:
            _fill_zeros_1d(dzv, SLICE)
            pltpu.sync_copy(dzv, deg_sh.at[pl.ds(base, SLICE)])
            pltpu.sync_copy(dzv, cnt_sh.at[pl.ds(base, SLICE)])
            def ofill(i, _):
                ones[pl.ds(i * 16, 16)] = jnp.ones((16,), jnp.float32)
                return 0
            lax.fori_loop(0, 8, ofill, 0)
            for k in range(DROWS // NW + (1 if DROWS % NW else 0)):
                j = w + k * NW
                @pl.when(j < DROWS)
                def _():
                    off = pl.multiple_of(j * 128, 128)
                    pltpu.sync_copy(d_hbm.at[pl.ds(off, 128)], pidx)
                    pltpu.async_copy(pe_hbm.at[pidx], rows, sem).wait()
                    pltpu.sync_copy(rows, t_out.at[pl.ds(off, 128)])
        plsc.subcore_barrier()

        if with_pe_deg:
            @pl.when(w < IDXPAD // 128)
            def _():
                ioff = pl.multiple_of(w * 128, 128)
                pltpu.sync_copy(idx_hbm.at[pl.ds(ioff, 128)], pidx)
                pltpu.sync_copy(ones, cnt_sh.at[pidx], add=True)

        start = pl.multiple_of(w * Q, Q)
        for phase in range(Q // HALF):
            poff = pl.multiple_of(start + phase * HALF, 8)
            pltpu.sync_copy(src_hbm.at[pl.ds(poff, HALF)], srcb)
            pltpu.sync_copy(dst_hbm.at[pl.ds(poff, HALF)], dstb)

            g0 = pltpu.async_copy(h_hbm.at[srcb.at[0]], rows, sem)

            def pair(k, _):
                j0 = 2 * k
                pltpu.async_copy(h_hbm.at[srcb.at[j0 + 1]], rows1, sem1)
                g0.wait()
                pltpu.sync_copy(rows, agg_sh.at[dstb.at[j0]], add=True)
                if with_pe_deg:
                    pltpu.sync_copy(ones, deg_sh.at[dstb.at[j0]], add=True)

                @pl.when(j0 + 2 < HALF)
                def _():
                    pltpu.async_copy(h_hbm.at[srcb.at[j0 + 2]], rows, sem)
                pltpu.make_async_copy(h_hbm.at[srcb.at[j0 + 1]], rows1,
                                      sem1).wait()
                pltpu.sync_copy(rows1, agg_sh.at[dstb.at[j0 + 1]], add=True)
                if with_pe_deg:
                    pltpu.sync_copy(ones, deg_sh.at[dstb.at[j0 + 1]],
                                    add=True)
                return 0
            lax.fori_loop(0, HALF // 2, pair, 0)

        plsc.subcore_barrier()
        pltpu.sync_copy(agg_sh.at[pl.ds(base, SLICE)],
                        agg_out.at[c, pl.ds(base, SLICE)])
        if with_pe_deg:
            dbase = pl.multiple_of(c * NPAD + base, SLICE)
            pltpu.sync_copy(deg_sh.at[pl.ds(base, SLICE)],
                            deg_out.at[pl.ds(dbase, SLICE)])
            pltpu.sync_copy(cnt_sh.at[pl.ds(base, SLICE)],
                            cnt_out.at[pl.ds(dbase, SLICE)])

    return pl.kernel(body, out_type=tuple(outs) if with_pe_deg else outs[0],
                     mesh=mesh, scratch_types=scratch)


_make_agg_kernel = functools.lru_cache(None)(_make_agg_kernel)



IDXPAD = 1024



def _mm_body(x_ref, w_ref, o_ref):
    o_ref[...] = jnp.dot(x_ref[...], w_ref[...],
                         preferred_element_type=jnp.float32)


def _matmul(x, w):
    return pl.pallas_call(
        _mm_body,
        grid=(N // BR,),
        in_specs=[
            pl.BlockSpec((BR, DIM), lambda i: (i, 0)),
            pl.BlockSpec((DIM, DIM), lambda i: (0, 0)),
        ],
        out_specs=pl.BlockSpec((BR, DIM), lambda i: (i, 0)),
        out_shape=jax.ShapeDtypeStruct((N, DIM), jnp.float32),
    )(x, w)



def _epilogue_body(final, aggp_ref, degp_ref, cntp_ref, t_ref, wg_ref, bg_ref,
                   wb_ref, bb_ref, bias_ref, wn_ref, bn_ref, h_ref, film_ref,
                   bl_ref):
    i = pl.program_id(0)
    deg = jnp.maximum(degp_ref[0] + degp_ref[1], 1.0)
    agg = (aggp_ref[0] + aggp_ref[1]) / deg
    t = t_ref[...]
    gamma = jnp.tanh(jnp.dot(t, wg_ref[...],
                             preferred_element_type=jnp.float32) + bg_ref[...])
    beta = jnp.tanh(jnp.dot(t, wb_ref[...],
                            preferred_element_type=jnp.float32) + bb_ref[...])
    dbv = gamma * agg + beta
    out = jax.nn.relu(agg + OMEGA * dbv + bias_ref[...])

    cnt = cntp_ref[0] + cntp_ref[1]
    rowsum = jnp.sum(jnp.abs(dbv), axis=1, keepdims=True)
    bpart = jnp.sum(cnt * rowsum) * (1.0 / 1000.0)
    part = (jnp.sum(gamma * gamma) + jnp.sum(beta * beta)) * (1.0 / (N * DIM))

    @pl.when(i == 0)
    def _():
        film_ref[...] = jnp.zeros((1, 1), jnp.float32)
        bl_ref[...] = jnp.zeros((1, 1), jnp.float32)
    film_ref[...] += jnp.full((1, 1), part, jnp.float32)
    bl_ref[...] += jnp.full((1, 1), bpart, jnp.float32)

    nxt = jnp.dot(out, wn_ref[...], preferred_element_type=jnp.float32)
    if final:
        logits = nxt + bn_ref[...]
        z = logits - jnp.max(logits, axis=1, keepdims=True)
        h_ref[...] = z - jnp.log(jnp.sum(jnp.exp(z), axis=1, keepdims=True))
    else:
        h_ref[...] = nxt


def _epilogue(final, aggp, degp, cntp, t, wg, bg, wb, bb, bias, wn, bn):
    ncols = NCLASS if final else DIM
    return pl.pallas_call(
        functools.partial(_epilogue_body, final),
        grid=(N // BR,),
        in_specs=[
            pl.BlockSpec((NC, BR, DIM), lambda i: (0, i, 0)),
            pl.BlockSpec((NC, BR, 1), lambda i: (0, i, 0)),
            pl.BlockSpec((NC, BR, 1), lambda i: (0, i, 0)),
            pl.BlockSpec((BR, DIM), lambda i: (i, 0)),
            pl.BlockSpec((DIM, DIM), lambda i: (0, 0)),
            pl.BlockSpec((1, DIM), lambda i: (0, 0)),
            pl.BlockSpec((DIM, DIM), lambda i: (0, 0)),
            pl.BlockSpec((1, DIM), lambda i: (0, 0)),
            pl.BlockSpec((1, DIM), lambda i: (0, 0)),
            pl.BlockSpec((DIM, ncols), lambda i: (0, 0)),
            pl.BlockSpec((1, ncols), lambda i: (0, 0)),
        ],
        out_specs=[
            pl.BlockSpec((BR, ncols), lambda i: (i, 0)),
            pl.BlockSpec((1, 1), lambda i: (0, 0)),
            pl.BlockSpec((1, 1), lambda i: (0, 0)),
        ],
        out_shape=[
            jax.ShapeDtypeStruct((N, ncols), jnp.float32),
            jax.ShapeDtypeStruct((1, 1), jnp.float32),
            jax.ShapeDtypeStruct((1, 1), jnp.float32),
        ],
    )(aggp, degp, cntp, t, wg, bg, wb, bb, bias, wn, bn)



def kernel(x, adj, d, idx, edge, PE, W1, bias1, Wg1, bg1, Wb1, bb1, W2, bias2,
           Wg2, bg2, Wb2, bb2, fcW, fcb):
    epad = EROWS_PAD * 128 - E
    src2d = jnp.pad(adj[0], (0, epad)).reshape(EROWS_PAD, 128)
    dst2d = jnp.pad(adj[1], (0, epad), constant_values=N).reshape(EROWS_PAD, 128)
    d1 = jnp.pad(d, (0, NPAD - N))
    idxp = jnp.pad(idx, (0, IDXPAD - 1000), constant_values=N).astype(jnp.int32)
    PEp = jnp.pad(PE, ((0, 0), (0, DIM - DIM_D)))
    wpad = ((0, DIM - DIM_D), (0, 0))
    Wg1p, Wb1p = jnp.pad(Wg1, wpad), jnp.pad(Wb1, wpad)
    Wg2p, Wb2p = jnp.pad(Wg2, wpad), jnp.pad(Wb2, wpad)

    h1 = _matmul(x, W1)
    agg1p, degp, cntp, t = _make_agg_kernel(True)(src2d, dst2d, h1, d1, PEp,
                                                  idxp)
    degp3 = degp.reshape(NC, NPAD, 1)
    cntp3 = cntp.reshape(NC, NPAD, 1)

    h2, film1, bl1 = _epilogue(
        False, agg1p, degp3, cntp3, t, Wg1p, bg1.reshape(1, DIM), Wb1p,
        bb1.reshape(1, DIM), bias1.reshape(1, DIM), W2,
        jnp.zeros((1, DIM), jnp.float32))

    agg2p = _make_agg_kernel(False)(src2d, dst2d, h2, d1, PEp, idxp)

    logp, film2, bl2 = _epilogue(
        True, agg2p, degp3, cntp3, t, Wg2p, bg2.reshape(1, DIM), Wb2p,
        bb2.reshape(1, DIM), bias2.reshape(1, DIM), fcW,
        fcb.reshape(1, NCLASS))

    b_loss = bl1[0, 0] + bl2[0, 0]
    film = film1[0, 0] + film2[0, 0]
    return logp, b_loss, film

# --- scband reference (transcript-rebuilt; emitter-appended) ---
"""Pipeline reference for scband-dfair-gcn-23897198035234 (READ-ONLY COPY).

The authoritative reference and input builder live on the scoring server;
editing this copy changes nothing except your own understanding.
"""

import jax, jax.numpy as jnp
import numpy as np

N = 10000
E = 320000
NFEAT = 128
DIM = 128
DIM_D = 64
NCLASS = 16
MAX_DEGREE = 1000
OMEGA = 0.1


def make_pe(max_degree, dim_d):
    pos = np.arange(max_degree)[:, None].astype(np.float32)
    i = np.arange(dim_d)[None, :].astype(np.float32)
    angle = pos / np.power(10000.0, 2.0 * np.floor(i / 2.0) / dim_d)
    pe = np.zeros((max_degree, dim_d), dtype=np.float32)
    pe[:, 0::2] = np.sin(angle[:, 0::2])
    pe[:, 1::2] = np.cos(angle[:, 1::2])
    return jnp.asarray(pe)


def glorot(key, shape):
    limit = float(np.sqrt(6.0 / (shape[0] + shape[1])))
    return jax.random.uniform(key, shape, jnp.float32, -limit, limit)


def setup_inputs(seed: int = 0):
    key = jax.random.key(seed)
    ks = jax.random.split(key, 24)
    inp = {}
    inp["x"] = jax.random.normal(ks[0], (N, NFEAT), jnp.float32)
    adj = jax.random.randint(ks[1], (2, E), 0, N, jnp.int32)
    inp["adj"] = adj
    inp["d"] = jax.random.randint(ks[2], (N,), 0, MAX_DEGREE, jnp.int32)
    inp["idx"] = jax.random.randint(ks[3], (1000,), 0, N, jnp.int32)
    inp["edge"] = adj
    inp["PE"] = make_pe(MAX_DEGREE, DIM_D)
    inp["W1"] = glorot(ks[4], (NFEAT, DIM))
    inp["bias1"] = jnp.zeros((DIM,), jnp.float32)
    inp["Wg1"] = glorot(ks[5], (DIM_D, DIM))
    inp["bg1"] = jnp.zeros((DIM,), jnp.float32)
    inp["Wb1"] = glorot(ks[6], (DIM_D, DIM))
    inp["bb1"] = jnp.zeros((DIM,), jnp.float32)
    inp["W2"] = glorot(ks[7], (DIM, DIM))
    inp["bias2"] = jnp.zeros((DIM,), jnp.float32)
    inp["Wg2"] = glorot(ks[8], (DIM_D, DIM))
    inp["bg2"] = jnp.zeros((DIM,), jnp.float32)
    inp["Wb2"] = glorot(ks[9], (DIM_D, DIM))
    inp["bb2"] = jnp.zeros((DIM,), jnp.float32)
    inp["fcW"] = glorot(ks[10], (DIM, NCLASS))
    inp["fcb"] = jnp.zeros((NCLASS,), jnp.float32)
    return inp


def _debias_layer(x, src, dst, d, idx, PE, W, bias, Wg, bg, Wb, bb):
    # h = x W
    h = x @ W
    # mean neighbor aggregation via scatter-add (sparse adj spmm equivalent)
    ones = jnp.ones((src.shape[0],), jnp.float32)
    deg = jnp.maximum(jax.ops.segment_sum(ones, dst, num_segments=N), 1.0)
    agg = jax.ops.segment_sum(jnp.take(h, src, axis=0), dst, num_segments=N) / deg[:, None]
    # degree positional encoding -> FiLM modulation (debiasing)
    t = jnp.take(PE, d, axis=0)
    gamma = jnp.tanh(t @ Wg + bg)
    beta = jnp.tanh(t @ Wb + bb)
    dbv = gamma * agg + beta
    out = jax.nn.relu(agg + OMEGA * dbv + bias)
    # fairness/bias regularizers
    b_loss = jnp.mean(jnp.sum(jnp.abs(jnp.take(dbv, idx, axis=0)), axis=1))
    film = jnp.mean(gamma ** 2) + jnp.mean(beta ** 2)
    return out, b_loss, film


def reference(x, adj, d, idx, edge, PE, W1, bias1, Wg1, bg1, Wb1, bb1, W2, bias2, Wg2, bg2, Wb2, bb2, fcW, fcb):
    src, dst = adj[0], adj[1]
    h1, b1, f1 = _debias_layer(x, src, dst, d, idx, PE, W1, bias1, Wg1, bg1, Wb1, bb1)
    # dropout is identity in eval mode
    h2, b2, f2 = _debias_layer(h1, src, dst, d, idx, PE, W2, bias2, Wg2, bg2, Wb2, bb2)
    logits = h2 @ fcW + fcb
    return jax.nn.log_softmax(logits, axis=1), b1 + b2, f1 + f2

if __name__ == "__main__":
    import jax
    _d = setup_inputs()
    print(jax.jit(kernel)(*tuple(_d.values())))

</pallas_src>

<mosaic_0001>
#map = affine_map<(d0, d1) -> (0, 0)>
#map1 = affine_map<(d0, d1) -> (0)>
#map2 = affine_map<(d0, d1) -> (0, 0, 0)>
module attributes {stable_mosaic.version = 14 : i64} {
  func.func @body(%arg0: i32, %arg1: i32, %arg2: memref<2560x128xi32, #tpu.memory_space<hbm>>, %arg3: memref<2560x128xi32, #tpu.memory_space<hbm>>, %arg4: memref<10000x128xf32, #tpu.memory_space<hbm>>, %arg5: memref<10240xi32, #tpu.memory_space<hbm>>, %arg6: memref<1000x128xf32, #tpu.memory_space<hbm>>, %arg7: memref<1024xi32, #tpu.memory_space<hbm>>, %arg8: memref<2x10240x128xf32, #tpu.memory_space<hbm>>, %arg9: memref<20480xf32, #tpu.memory_space<hbm>>, %arg10: memref<20480xf32, #tpu.memory_space<hbm>>, %arg11: memref<10240x128xf32, #tpu.memory_space<hbm>>, %arg12: memref<40x128xi32, #tpu.memory_space<vmem>>, %arg13: memref<40x128xi32, #tpu.memory_space<vmem>>, %arg14: memref<128x128xf32, #tpu.memory_space<vmem>>, %arg15: memref<128x128xf32, #tpu.memory_space<vmem>>, %arg16: memref<10240x128xf32, #tpu.memory_space<vmem_shared>>, %arg17: memref<!tpu.dma_semaphore, #tpu.memory_space<semaphore_mem>>, %arg18: memref<!tpu.dma_semaphore, #tpu.memory_space<semaphore_mem>>, %arg19: memref<640xf32, #tpu.memory_space<vmem>>, %arg20: memref<128xf32, #tpu.memory_space<vmem>>, %arg21: memref<10240xf32, #tpu.memory_space<vmem_shared>>, %arg22: memref<10240xf32, #tpu.memory_space<vmem_shared>>, %arg23: memref<128xi32, #tpu.memory_space<vmem>>) attributes {dimension_semantics = [#tpu.dimension_semantics<core_parallel>, #tpu.dimension_semantics<subcore_parallel>], iteration_bounds = array<i64: 2, 16>, scalar_prefetch = 0 : i64, scratch_operands = 12 : i64, tpu.core_type = #tpu.core_type<sc_vector_subcore>, window_params = [{transform_indices = #map}, {transform_indices = #map}, {transform_indices = #map}, {transform_indices = #map1}, {transform_indices = #map}, {transform_indices = #map1}, {transform_indices = #map2}, {transform_indices = #map1}, {transform_indices = #map1}, {transform_indices = #map}]} {
    %mul3A = arith.constant 2 : i32
    %mul3A_0 = arith.muli %arg1, %mul3A : i32
    %add3A = arith.addi %mul3A_0, %arg0 : i32
    %scan3A = arith.constant 0 : i32
    %scan3A_1 = arith.constant 0 : i32
    %scan3A_2 = arith.constant 128 : i32
    %scan3A_3 = arith.addi %scan3A_1, %scan3A_2 : i32
    %scan3A_4 = arith.constant 1 : i32
    %scan3A_5 = scf.for %scan3A_99 = %scan3A_1 to %scan3A_3 step %scan3A_4 iter_args(%scan3A_100 = %scan3A) -> (i32)  : i32 {
      %broadcast_in_dim3A = arith.constant 0.000000e+00 : f32
      %broadcast_in_dim3A_101 = vector.broadcast %broadcast_in_dim3A : f32 to vector<16xf32>
      %swap3A = arith.index_cast %scan3A_99 : i32 to index
      %swap3A_102 = arith.constant 0 : index
      %swap3A_103 = tpu.vector_load %arg14[%swap3A, %swap3A_102] {strides = array<i32>} : memref<128x128xf32, #tpu.memory_space<vmem>>, vector<1x16xf32>,
      %swap3A_104 = vector.shape_cast %swap3A_103 : vector<1x16xf32> to vector<16xf32>
      %swap3A_105 = vector.shape_cast %broadcast_in_dim3A_101 : vector<16xf32> to vector<1x16xf32>
      tpu.vector_store %arg14[%swap3A, %swap3A_102], %swap3A_105 {strides = array<i32>} : memref<128x128xf32, #tpu.memory_space<vmem>>, vector<1x16xf32>,
      %broadcast_in_dim3A_106 = arith.constant 0.000000e+00 : f32
      %broadcast_in_dim3A_107 = vector.broadcast %broadcast_in_dim3A_106 : f32 to vector<16xf32>
      %swap3A_108 = arith.index_cast %scan3A_99 : i32 to index
      %swap3A_109 = arith.constant 16 : index
      %swap3A_110 = tpu.vector_load %arg14[%swap3A_108, %swap3A_109] {strides = array<i32>} : memref<128x128xf32, #tpu.memory_space<vmem>>, vector<1x16xf32>,
      %swap3A_111 = vector.shape_cast %swap3A_110 : vector<1x16xf32> to vector<16xf32>
      %swap3A_112 = vector.shape_cast %broadcast_in_dim3A_107 : vector<16xf32> to vector<1x16xf32>
      tpu.vector_store %arg14[%swap3A_108, %swap3A_109], %swap3A_112 {strides = array<i32>} : memref<128x128xf32, #tpu.memory_space<vmem>>, vector<1x16xf32>,
      %broadcast_in_dim3A_113 = arith.constant 0.000000e+00 : f32
      %broadcast_in_dim3A_114 = vector.broadcast %broadcast_in_dim3A_113 : f32 to vector<16xf32>
      %swap3A_115 = arith.index_cast %scan3A_99 : i32 to index
      %swap3A_116 = arith.constant 32 : index
      %swap3A_117 = tpu.vector_load %arg14[%swap3A_115, %swap3A_116] {strides = array<i32>} : memref<128x128xf32, #tpu.memory_space<vmem>>, vector<1x16xf32>,
      %swap3A_118 = vector.shape_cast %swap3A_117 : vector<1x16xf32> to vector<16xf32>
      %swap3A_119 = vector.shape_cast %broadcast_in_dim3A_114 : vector<16xf32> to vector<1x16xf32>
      tpu.vector_store %arg14[%swap3A_115, %swap3A_116], %swap3A_119 {strides = array<i32>} : memref<128x128xf32, #tpu.memory_space<vmem>>, vector<1x16xf32>,
      %broadcast_in_dim3A_120 = arith.constant 0.000000e+00 : f32
      %broadcast_in_dim3A_121 = vector.broadcast %broadcast_in_dim3A_120 : f32 to vector<16xf32>
      %swap3A_122 = arith.index_cast %scan3A_99 : i32 to index
      %swap3A_123 = arith.constant 48 : index
      %swap3A_124 = tpu.vector_load %arg14[%swap3A_122, %swap3A_123] {strides = array<i32>} : memref<128x128xf32, #tpu.memory_space<vmem>>, vector<1x16xf32>,
      %swap3A_125 = vector.shape_cast %swap3A_124 : vector<1x16xf32> to vector<16xf32>
      %swap3A_126 = vector.shape_cast %broadcast_in_dim3A_121 : vector<16xf32> to vector<1x16xf32>
      tpu.vector_store %arg14[%swap3A_122, %swap3A_123], %swap3A_126 {strides = array<i32>} : memref<128x128xf32, #tpu.memory_space<vmem>>, vector<1x16xf32>,
      %broadcast_in_dim3A_127 = arith.constant 0.000000e+00 : f32
      %broadcast_in_dim3A_128 = vector.broadcast %broadcast_in_dim3A_127 : f32 to vector<16xf32>
      %swap3A_129 = arith.index_cast %scan3A_99 : i32 to index
      %swap3A_130 = arith.constant 64 : index
      %swap3A_131 = tpu.vector_load %arg14[%swap3A_129, %swap3A_130] {strides = array<i32>} : memref<128x128xf32, #tpu.memory_space<vmem>>, vector<1x16xf32>,
      %swap3A_132 = vector.shape_cast %swap3A_131 : vector<1x16xf32> to vector<16xf32>
      %swap3A_133 = vector.shape_cast %broadcast_in_dim3A_128 : vector<16xf32> to vector<1x16xf32>
      tpu.vector_store %arg14[%swap3A_129, %swap3A_130], %swap3A_133 {strides = array<i32>} : memref<128x128xf32, #tpu.memory_space<vmem>>, vector<1x16xf32>,
      %broadcast_in_dim3A_134 = arith.constant 0.000000e+00 : f32
      %broadcast_in_dim3A_135 = vector.broadcast %broadcast_in_dim3A_134 : f32 to vector<16xf32>
      %swap3A_136 = arith.index_cast %scan3A_99 : i32 to index
      %swap3A_137 = arith.constant 80 : index
      %swap3A_138 = tpu.vector_load %arg14[%swap3A_136, %swap3A_137] {strides = array<i32>} : memref<128x128xf32, #tpu.memory_space<vmem>>, vector<1x16xf32>,
      %swap3A_139 = vector.shape_cast %swap3A_138 : vector<1x16xf32> to vector<16xf32>
      %swap3A_140 = vector.shape_cast %broadcast_in_dim3A_135 : vector<16xf32> to vector<1x16xf32>
      tpu.vector_store %arg14[%swap3A_136, %swap3A_137], %swap3A_140 {strides = array<i32>} : memref<128x128xf32, #tpu.memory_space<vmem>>, vector<1x16xf32>,
      %broadcast_in_dim3A_141 = arith.constant 0.000000e+00 : f32
      %broadcast_in_dim3A_142 = vector.broadcast %broadcast_in_dim3A_141 : f32 to vector<16xf32>
      %swap3A_143 = arith.index_cast %scan3A_99 : i32 to index
      %swap3A_144 = arith.constant 96 : index
      %swap3A_145 = tpu.vector_load %arg14[%swap3A_143, %swap3A_144] {strides = array<i32>} : memref<128x128xf32, #tpu.memory_space<vmem>>, vector<1x16xf32>,
      %swap3A_146 = vector.shape_cast %swap3A_145 : vector<1x16xf32> to vector<16xf32>
      %swap3A_147 = vector.shape_cast %broadcast_in_dim3A_142 : vector<16xf32> to vector<1x16xf32>
      tpu.vector_store %arg14[%swap3A_143, %swap3A_144], %swap3A_147 {strides = array<i32>} : memref<128x128xf32, #tpu.memory_space<vmem>>, vector<1x16xf32>,
      %broadcast_in_dim3A_148 = arith.constant 0.000000e+00 : f32
      %broadcast_in_dim3A_149 = vector.broadcast %broadcast_in_dim3A_148 : f32 to vector<16xf32>
      %swap3A_150 = arith.index_cast %scan3A_99 : i32 to index
      %swap3A_151 = arith.constant 112 : index
      %swap3A_152 = tpu.vector_load %arg14[%swap3A_150, %swap3A_151] {strides = array<i32>} : memref<128x128xf32, #tpu.memory_space<vmem>>, vector<1x16xf32>,
      %swap3A_153 = vector.shape_cast %swap3A_152 : vector<1x16xf32> to vector<16xf32>
      %swap3A_154 = vector.shape_cast %broadcast_in_dim3A_149 : vector<16xf32> to vector<1x16xf32>
      tpu.vector_store %arg14[%swap3A_150, %swap3A_151], %swap3A_154 {strides = array<i32>} : memref<128x128xf32, #tpu.memory_space<vmem>>, vector<1x16xf32>,
      %scan3A_155 = arith.constant 0 : i32
      scf.yield %scan3A_155 : i32
    }
    %scan3A_6 = arith.constant 128 : i32
    %mul3A_7 = arith.constant 640 : i32
    %mul3A_8 = arith.muli %arg1, %mul3A_7 : i32
    %multiple_of3A = tpu.assume_multiple %mul3A_8, 640 : i32
    %add3A_9 = arith.constant 0 : i32
    %add3A_10 = arith.addi %multiple_of3A, %add3A_9 : i32
    "tpu.region"() ({
      %run_scoped3A = tpu.sem_alloc : memref<!tpu.dma_semaphore, #tpu.memory_space<semaphore_mem>>
      %dma_start3A_99 = arith.constant 0 : i32
      %dma_start3A_100 = tpu.memref_slice %arg16[%add3A_10, %dma_start3A_99] : memref<10240x128xf32, #tpu.memory_space<vmem_shared>> -> memref<128x128xf32, #tpu.memory_space<vmem_shared>>
      %dma_start3A_101 = arith.constant 0 : i32
      %dma_start3A_102 = tpu.memref_slice %arg16[%add3A_10, %dma_start3A_101] : memref<10240x128xf32, #tpu.memory_space<vmem_shared>> -> memref<128x128xf32, #tpu.memory_space<vmem_shared>>
      tpu.enqueue_dma source(%arg14 : memref<128x128xf32, #tpu.memory_space<vmem>>) target(%dma_start3A_102 : memref<128x128xf32, #tpu.memory_space<vmem_shared>>) target_semaphore(%run_scoped3A : memref<!tpu.dma_semaphore, #tpu.memory_space<semaphore_mem>>)
      %dma_wait3A = arith.constant 0 : i32
      %dma_wait3A_103 = tpu.memref_slice %arg16[%add3A_10, %dma_wait3A] : memref<10240x128xf32, #tpu.memory_space<vmem_shared>> -> memref<128x128xf32, #tpu.memory_space<vmem_shared>>
      %dma_wait3A_104 = arith.constant 0 : i32
      %dma_wait3A_105 = tpu.memref_slice %arg16[%add3A_10, %dma_wait3A_104] : memref<10240x128xf32, #tpu.memory_space<vmem_shared>> -> memref<128x128xf32, #tpu.memory_space<vmem_shared>>
      tpu.wait_dma2 semaphore(%run_scoped3A : memref<!tpu.dma_semaphore, #tpu.memory_space<semaphore_mem>>) src(%arg14 : memref<128x128xf32, #tpu.memory_space<vmem>>) dst(%dma_wait3A_105 : memref<128x128xf32, #tpu.memory_space<vmem_shared>>)
      tpu.yield
    }) : () -> ()
    %add3A_11 = arith.constant 128 : i32
    %add3A_12 = arith.addi %multiple_of3A, %add3A_11 : i32
    "tpu.region"() ({
      %run_scoped3A = tpu.sem_alloc : memref<!tpu.dma_semaphore, #tpu.memory_space<semaphore_mem>>
      %dma_start3A_99 = arith.constant 0 : i32
      %dma_start3A_100 = tpu.memref_slice %arg16[%add3A_12, %dma_start3A_99] : memref<10240x128xf32, #tpu.memory_space<vmem_shared>> -> memref<128x128xf32, #tpu.memory_space<vmem_shared>>
      %dma_start3A_101 = arith.constant 0 : i32
      %dma_start3A_102 = tpu.memref_slice %arg16[%add3A_12, %dma_start3A_101] : memref<10240x128xf32, #tpu.memory_space<vmem_shared>> -> memref<128x128xf32, #tpu.memory_space<vmem_shared>>
      tpu.enqueue_dma source(%arg14 : memref<128x128xf32, #tpu.memory_space<vmem>>) target(%dma_start3A_102 : memref<128x128xf32, #tpu.memory_space<vmem_shared>>) target_semaphore(%run_scoped3A : memref<!tpu.dma_semaphore, #tpu.memory_space<semaphore_mem>>)
      %dma_wait3A = arith.constant 0 : i32
      %dma_wait3A_103 = tpu.memref_slice %arg16[%add3A_12, %dma_wait3A] : memref<10240x128xf32, #tpu.memory_space<vmem_shared>> -> memref<128x128xf32, #tpu.memory_space<vmem_shared>>
      %dma_wait3A_104 = arith.constant 0 : i32
      %dma_wait3A_105 = tpu.memref_slice %arg16[%add3A_12, %dma_wait3A_104] : memref<10240x128xf32, #tpu.memory_space<vmem_shared>> -> memref<128x128xf32, #tpu.memory_space<vmem_shared>>
      tpu.wait_dma2 semaphore(%run_scoped3A : memref<!tpu.dma_semaphore, #tpu.memory_space<semaphore_mem>>) src(%arg14 : memref<128x128xf32, #tpu.memory_space<vmem>>) dst(%dma_wait3A_105 : memref<128x128xf32, #tpu.memory_space<vmem_shared>>)
      tpu.yield
    }) : () -> ()
    %add3A_13 = arith.constant 256 : i32
    %add3A_14 = arith.addi %multiple_of3A, %add3A_13 : i32
    "tpu.region"() ({
      %run_scoped3A = tpu.sem_alloc : memref<!tpu.dma_semaphore, #tpu.memory_space<semaphore_mem>>
      %dma_start3A_99 = arith.constant 0 : i32
      %dma_start3A_100 = tpu.memref_slice %arg16[%add3A_14, %dma_start3A_99] : memref<10240x128xf32, #tpu.memory_space<vmem_shared>> -> memref<128x128xf32, #tpu.memory_space<vmem_shared>>
      %dma_start3A_101 = arith.constant 0 : i32
      %dma_start3A_102 = tpu.memref_slice %arg16[%add3A_14, %dma_start3A_101] : memref<10240x128xf32, #tpu.memory_space<vmem_shared>> -> memref<128x128xf32, #tpu.memory_space<vmem_shared>>
      tpu.enqueue_dma source(%arg14 : memref<128x128xf32, #tpu.memory_space<vmem>>) target(%dma_start3A_102 : memref<128x128xf32, #tpu.memory_space<vmem_shared>>) target_semaphore(%run_scoped3A : memref<!tpu.dma_semaphore, #tpu.memory_space<semaphore_mem>>)
      %dma_wait3A = arith.constant 0 : i32
      %dma_wait3A_103 = tpu.memref_slice %arg16[%add3A_14, %dma_wait3A] : memref<10240x128xf32, #tpu.memory_space<vmem_shared>> -> memref<128x128xf32, #tpu.memory_space<vmem_shared>>
      %dma_wait3A_104 = arith.constant 0 : i32
      %dma_wait3A_105 = tpu.memref_slice %arg16[%add3A_14, %dma_wait3A_104] : memref<10240x128xf32, #tpu.memory_space<vmem_shared>> -> memref<128x128xf32, #tpu.memory_space<vmem_shared>>
      tpu.wait_dma2 semaphore(%run_scoped3A : memref<!tpu.dma_semaphore, #tpu.memory_space<semaphore_mem>>) src(%arg14 : memref<128x128xf32, #tpu.memory_space<vmem>>) dst(%dma_wait3A_105 : memref<128x128xf32, #tpu.memory_space<vmem_shared>>)
      tpu.yield
    }) : () -> ()
    %add3A_15 = arith.constant 384 : i32
    %add3A_16 = arith.addi %multiple_of3A, %add3A_15 : i32
    "tpu.region"() ({
      %run_scoped3A = tpu.sem_alloc : memref<!tpu.dma_semaphore, #tpu.memory_space<semaphore_mem>>
      %dma_start3A_99 = arith.constant 0 : i32
      %dma_start3A_100 = tpu.memref_slice %arg16[%add3A_16, %dma_start3A_99] : memref<10240x128xf32, #tpu.memory_space<vmem_shared>> -> memref<128x128xf32, #tpu.memory_space<vmem_shared>>
      %dma_start3A_101 = arith.constant 0 : i32
      %dma_start3A_102 = tpu.memref_slice %arg16[%add3A_16, %dma_start3A_101] : memref<10240x128xf32, #tpu.memory_space<vmem_shared>> -> memref<128x128xf32, #tpu.memory_space<vmem_shared>>
      tpu.enqueue_dma source(%arg14 : memref<128x128xf32, #tpu.memory_space<vmem>>) target(%dma_start3A_102 : memref<128x128xf32, #tpu.memory_space<vmem_shared>>) target_semaphore(%run_scoped3A : memref<!tpu.dma_semaphore, #tpu.memory_space<semaphore_mem>>)
      %dma_wait3A = arith.constant 0 : i32
      %dma_wait3A_103 = tpu.memref_slice %arg16[%add3A_16, %dma_wait3A] : memref<10240x128xf32, #tpu.memory_space<vmem_shared>> -> memref<128x128xf32, #tpu.memory_space<vmem_shared>>
      %dma_wait3A_104 = arith.constant 0 : i32
      %dma_wait3A_105 = tpu.memref_slice %arg16[%add3A_16, %dma_wait3A_104] : memref<10240x128xf32, #tpu.memory_space<vmem_shared>> -> memref<128x128xf32, #tpu.memory_space<vmem_shared>>
      tpu.wait_dma2 semaphore(%run_scoped3A : memref<!tpu.dma_semaphore, #tpu.memory_space<semaphore_mem>>) src(%arg14 : memref<128x128xf32, #tpu.memory_space<vmem>>) dst(%dma_wait3A_105 : memref<128x128xf32, #tpu.memory_space<vmem_shared>>)
      tpu.yield
    }) : () -> ()
    %add3A_17 = arith.constant 512 : i32
    %add3A_18 = arith.addi %multiple_of3A, %add3A_17 : i32
    "tpu.region"() ({
      %run_scoped3A = tpu.sem_alloc : memref<!tpu.dma_semaphore, #tpu.memory_space<semaphore_mem>>
      %dma_start3A_99 = arith.constant 0 : i32
      %dma_start3A_100 = tpu.memref_slice %arg16[%add3A_18, %dma_start3A_99] : memref<10240x128xf32, #tpu.memory_space<vmem_shared>> -> memref<128x128xf32, #tpu.memory_space<vmem_shared>>
      %dma_start3A_101 = arith.constant 0 : i32
      %dma_start3A_102 = tpu.memref_slice %arg16[%add3A_18, %dma_start3A_101] : memref<10240x128xf32, #tpu.memory_space<vmem_shared>> -> memref<128x128xf32, #tpu.memory_space<vmem_shared>>
      tpu.enqueue_dma source(%arg14 : memref<128x128xf32, #tpu.memory_space<vmem>>) target(%dma_start3A_102 : memref<128x128xf32, #tpu.memory_space<vmem_shared>>) target_semaphore(%run_scoped3A : memref<!tpu.dma_semaphore, #tpu.memory_space<semaphore_mem>>)
      %dma_wait3A = arith.constant 0 : i32
      %dma_wait3A_103 = tpu.memref_slice %arg16[%add3A_18, %dma_wait3A] : memref<10240x128xf32, #tpu.memory_space<vmem_shared>> -> memref<128x128xf32, #tpu.memory_space<vmem_shared>>
      %dma_wait3A_104 = arith.constant 0 : i32
      %dma_wait3A_105 = tpu.memref_slice %arg16[%add3A_18, %dma_wait3A_104] : memref<10240x128xf32, #tpu.memory_space<vmem_shared>> -> memref<128x128xf32, #tpu.memory_space<vmem_shared>>
      tpu.wait_dma2 semaphore(%run_scoped3A : memref<!tpu.dma_semaphore, #tpu.memory_space<semaphore_mem>>) src(%arg14 : memref<128x128xf32, #tpu.memory_space<vmem>>) dst(%dma_wait3A_105 : memref<128x128xf32, #tpu.memory_space<vmem_shared>>)
      tpu.yield
    }) : () -> ()
    %scan3A_19 = arith.constant 0 : i32
    %scan3A_20 = arith.constant 0 : i32
    %scan3A_21 = arith.constant 40 : i32
    %scan3A_22 = arith.addi %scan3A_20, %scan3A_21 : i32
    %scan3A_23 = arith.constant 1 : i32
    %scan3A_24 = scf.for %scan3A_99 = %scan3A_20 to %scan3A_22 step %scan3A_23 iter_args(%scan3A_100 = %scan3A_19) -> (i32)  : i32 {
      %broadcast_in_dim3A = arith.constant 0.000000e+00 : f32
      %broadcast_in_dim3A_101 = vector.broadcast %broadcast_in_dim3A : f32 to vector<16xf32>
      %mul3A_102 = arith.constant 16 : i32
      %mul3A_103 = arith.muli %scan3A_99, %mul3A_102 : i32
      %swap3A = arith.index_cast %mul3A_103 : i32 to index
      %swap3A_104 = tpu.vector_load %arg19[%swap3A] {strides = array<i32>} : memref<640xf32, #tpu.memory_space<vmem>>, vector<16xf32>,
      %swap3A_105 = vector.shape_cast %swap3A_104 : vector<16xf32> to vector<16xf32>
      %swap3A_106 = vector.shape_cast %broadcast_in_dim3A_101 : vector<16xf32> to vector<16xf32>
      tpu.vector_store %arg19[%swap3A], %swap3A_106 {strides = array<i32>} : memref<640xf32, #tpu.memory_space<vmem>>, vector<16xf32>,
      %scan3A_107 = arith.constant 0 : i32
      scf.yield %scan3A_107 : i32
    }
    %scan3A_25 = arith.constant 40 : i32
    "tpu.region"() ({
      %run_scoped3A = tpu.sem_alloc : memref<!tpu.dma_semaphore, #tpu.memory_space<semaphore_mem>>
      %dma_start3A_99 = tpu.memref_slice %arg21[%multiple_of3A] : memref<10240xf32, #tpu.memory_space<vmem_shared>> -> memref<640xf32, #tpu.memory_space<vmem_shared>>
      %dma_start3A_100 = tpu.memref_slice %arg21[%multiple_of3A] : memref<10240xf32, #tpu.memory_space<vmem_shared>> -> memref<640xf32, #tpu.memory_space<vmem_shared>>
      tpu.enqueue_dma source(%arg19 : memref<640xf32, #tpu.memory_space<vmem>>) target(%dma_start3A_100 : memref<640xf32, #tpu.memory_space<vmem_shared>>) target_semaphore(%run_scoped3A : memref<!tpu.dma_semaphore, #tpu.memory_space<semaphore_mem>>)
      %dma_wait3A = tpu.memref_slice %arg21[%multiple_of3A] : memref<10240xf32, #tpu.memory_space<vmem_shared>> -> memref<640xf32, #tpu.memory_space<vmem_shared>>
      %dma_wait3A_101 = tpu.memref_slice %arg21[%multiple_of3A] : memref<10240xf32, #tpu.memory_space<vmem_shared>> -> memref<640xf32, #tpu.memory_space<vmem_shared>>
      tpu.wait_dma2 semaphore(%run_scoped3A : memref<!tpu.dma_semaphore, #tpu.memory_space<semaphore_mem>>) src(%arg19 : memref<640xf32, #tpu.memory_space<vmem>>) dst(%dma_wait3A_101 : memref<640xf32, #tpu.memory_space<vmem_shared>>)
      tpu.yield
    }) : () -> ()
    "tpu.region"() ({
      %run_scoped3A = tpu.sem_alloc : memref<!tpu.dma_semaphore, #tpu.memory_space<semaphore_mem>>
      %dma_start3A_99 = tpu.memref_slice %arg22[%multiple_of3A] : memref<10240xf32, #tpu.memory_space<vmem_shared>> -> memref<640xf32, #tpu.memory_space<vmem_shared>>
      %dma_start3A_100 = tpu.memref_slice %arg22[%multiple_of3A] : memref<10240xf32, #tpu.memory_space<vmem_shared>> -> memref<640xf32, #tpu.memory_space<vmem_shared>>
      tpu.enqueue_dma source(%arg19 : memref<640xf32, #tpu.memory_space<vmem>>) target(%dma_start3A_100 : memref<640xf32, #tpu.memory_space<vmem_shared>>) target_semaphore(%run_scoped3A : memref<!tpu.dma_semaphore, #tpu.memory_space<semaphore_mem>>)
      %dma_wait3A = tpu.memref_slice %arg22[%multiple_of3A] : memref<10240xf32, #tpu.memory_space<vmem_shared>> -> memref<640xf32, #tpu.memory_space<vmem_shared>>
      %dma_wait3A_101 = tpu.memref_slice %arg22[%multiple_of3A] : memref<10240xf32, #tpu.memory_space<vmem_shared>> -> memref<640xf32, #tpu.memory_space<vmem_shared>>
      tpu.wait_dma2 semaphore(%run_scoped3A : memref<!tpu.dma_semaphore, #tpu.memory_space<semaphore_mem>>) src(%arg19 : memref<640xf32, #tpu.memory_space<vmem>>) dst(%dma_wait3A_101 : memref<640xf32, #tpu.memory_space<vmem_shared>>)
      tpu.yield
    }) : () -> ()
    %scan3A_26 = arith.constant 0 : i32
    %scan3A_27 = arith.constant 0 : i32
    %scan3A_28 = arith.constant 8 : i32
    %scan3A_29 = arith.addi %scan3A_27, %scan3A_28 : i32
    %scan3A_30 = arith.constant 1 : i32
    %scan3A_31 = scf.for %scan3A_99 = %scan3A_27 to %scan3A_29 step %scan3A_30 iter_args(%scan3A_100 = %scan3A_26) -> (i32)  : i32 {
      %broadcast_in_dim3A = arith.constant 1.000000e+00 : f32
      %broadcast_in_dim3A_101 = vector.broadcast %broadcast_in_dim3A : f32 to vector<16xf32>
      %mul3A_102 = arith.constant 16 : i32
      %mul3A_103 = arith.muli %scan3A_99, %mul3A_102 : i32
      %swap3A = arith.index_cast %mul3A_103 : i32 to index
      %swap3A_104 = tpu.vector_load %arg20[%swap3A] {strides = array<i32>} : memref<128xf32, #tpu.memory_space<vmem>>, vector<16xf32>,
      %swap3A_105 = vector.shape_cast %swap3A_104 : vector<16xf32> to vector<16xf32>
      %swap3A_106 = vector.shape_cast %broadcast_in_dim3A_101 : vector<16xf32> to vector<16xf32>
      tpu.vector_store %arg20[%swap3A], %swap3A_106 {strides = array<i32>} : memref<128xf32, #tpu.memory_space<vmem>>, vector<16xf32>,
      %scan3A_107 = arith.constant 0 : i32
      scf.yield %scan3A_107 : i32
    }
    %scan3A_32 = arith.constant 8 : i32
    %add3A_33 = arith.constant 0 : i32
    %add3A_34 = arith.addi %add3A, %add3A_33 : i32
    %lt3A = arith.constant 80 : i32
    %lt3A_35 = arith.cmpi slt, %add3A_34, %lt3A : i32
    %convert_element_type3A = arith.extui %lt3A_35 : i1 to i32
    %cond3A = arith.constant 0 : i32
    %cond3A_36 = arith.cmpi ne, %convert_element_type3A, %cond3A : i32
    scf.if %cond3A_36 {
      %mul3A_99 = arith.constant 128 : i32
      %mul3A_100 = arith.muli %add3A_34, %mul3A_99 : i32
      %multiple_of3A_101 = tpu.assume_multiple %mul3A_100, 128 : i32
      "tpu.region"() ({
        %run_scoped3A = tpu.sem_alloc : memref<!tpu.dma_semaphore, #tpu.memory_space<semaphore_mem>>
        %dma_start3A_107 = tpu.memref_slice %arg5[%multiple_of3A_101] : memref<10240xi32, #tpu.memory_space<hbm>> -> memref<128xi32, #tpu.memory_space<hbm>>
        %dma_start3A_108 = tpu.memref_slice %arg5[%multiple_of3A_101] : memref<10240xi32, #tpu.memory_space<hbm>> -> memref<128xi32, #tpu.memory_space<hbm>>
        tpu.enqueue_dma source(%dma_start3A_108 : memref<128xi32, #tpu.memory_space<hbm>>) target(%arg23 : memref<128xi32, #tpu.memory_space<vmem>>) target_semaphore(%run_scoped3A : memref<!tpu.dma_semaphore, #tpu.memory_space<semaphore_mem>>)
        %dma_wait3A_109 = tpu.memref_slice %arg5[%multiple_of3A_101] : memref<10240xi32, #tpu.memory_space<hbm>> -> memref<128xi32, #tpu.memory_space<hbm>>
        %dma_wait3A_110 = tpu.memref_slice %arg5[%multiple_of3A_101] : memref<10240xi32, #tpu.memory_space<hbm>> -> memref<128xi32, #tpu.memory_space<hbm>>
        tpu.wait_dma2 semaphore(%run_scoped3A : memref<!tpu.dma_semaphore, #tpu.memory_space<semaphore_mem>>) src(%dma_wait3A_110 : memref<128xi32, #tpu.memory_space<hbm>>) dst(%arg23 : memref<128xi32, #tpu.memory_space<vmem>>)
        tpu.yield
      }) : () -> ()
      %dma_start3A_102 = arith.constant 0 : i32
      %dma_start3A_103 = arith.constant 0 : i32
      %dma_start3A_104 = tpu.memref_slice %arg6[%dma_start3A_102, %dma_start3A_103] : memref<1000x128xf32, #tpu.memory_space<hbm>> -> memref<1000x128xf32, #tpu.memory_space<hbm>>
      tpu.enqueue_indirect_dma source(%dma_start3A_104 : memref<1000x128xf32, #tpu.memory_space<hbm>>) target(%arg14 : memref<128x128xf32, #tpu.memory_space<vmem>>) offsets(%arg23 : memref<128xi32, #tpu.memory_space<vmem>>) semaphore(%arg17 : memref<!tpu.dma_semaphore, #tpu.memory_space<semaphore_mem>>)
      %dma_wait3A = arith.constant 0 : i32
      %dma_wait3A_105 = arith.constant 0 : i32
      %dma_wait3A_106 = tpu.memref_slice %arg6[%dma_wait3A, %dma_wait3A_105] : memref<1000x128xf32, #tpu.memory_space<hbm>> -> memref<1000x128xf32, #tpu.memory_space<hbm>>
      tpu.wait_indirect_dma semaphore(%arg17 : memref<!tpu.dma_semaphore, #tpu.memory_space<semaphore_mem>>) src(%dma_wait3A_106 : memref<1000x128xf32, #tpu.memory_space<hbm>>) dst(%arg14 : memref<128x128xf32, #tpu.memory_space<vmem>>)
      "tpu.region"() ({
        %run_scoped3A = tpu.sem_alloc : memref<!tpu.dma_semaphore, #tpu.memory_space<semaphore_mem>>
        %dma_start3A_107 = arith.constant 0 : i32
        %dma_start3A_108 = tpu.memref_slice %arg11[%multiple_of3A_101, %dma_start3A_107] : memref<10240x128xf32, #tpu.memory_space<hbm>> -> memref<128x128xf32, #tpu.memory_space<hbm>>
        %dma_start3A_109 = arith.constant 0 : i32
        %dma_start3A_110 = tpu.memref_slice %arg11[%multiple_of3A_101, %dma_start3A_109] : memref<10240x128xf32, #tpu.memory_space<hbm>> -> memref<128x128xf32, #tpu.memory_space<hbm>>
        tpu.enqueue_dma source(%arg14 : memref<128x128xf32, #tpu.memory_space<vmem>>) target(%dma_start3A_110 : memref<128x128xf32, #tpu.memory_space<hbm>>) target_semaphore(%run_scoped3A : memref<!tpu.dma_semaphore, #tpu.memory_space<semaphore_mem>>)
        %dma_wait3A_111 = arith.constant 0 : i32
        %dma_wait3A_112 = tpu.memref_slice %arg11[%multiple_of3A_101, %dma_wait3A_111] : memref<10240x128xf32, #tpu.memory_space<hbm>> -> memref<128x128xf32, #tpu.memory_space<hbm>>
        %dma_wait3A_113 = arith.constant 0 : i32
        %dma_wait3A_114 = tpu.memref_slice %arg11[%multiple_of3A_101, %dma_wait3A_113] : memref<10240x128xf32, #tpu.memory_space<hbm>> -> memref<128x128xf32, #tpu.memory_space<hbm>>
        tpu.wait_dma2 semaphore(%run_scoped3A : memref<!tpu.dma_semaphore, #tpu.memory_space<semaphore_mem>>) src(%arg14 : memref<128x128xf32, #tpu.memory_space<vmem>>) dst(%dma_wait3A_114 : memref<128x128xf32, #tpu.memory_space<hbm>>)
        tpu.yield
      }) : () -> ()
    } else {
    }
    %add3A_37 = arith.constant 32 : i32
    %add3A_38 = arith.addi %add3A, %add3A_37 : i32
    %lt3A_39 = arith.constant 80 : i32
    %lt3A_40 = arith.cmpi slt, %add3A_38, %lt3A_39 : i32
    %convert_element_type3A_41 = arith.extui %lt3A_40 : i1 to i32
    %cond3A_42 = arith.constant 0 : i32
    %cond3A_43 = arith.cmpi ne, %convert_element_type3A_41, %cond3A_42 : i32
    scf.if %cond3A_43 {
      %mul3A_99 = arith.constant 128 : i32
      %mul3A_100 = arith.muli %add3A_38, %mul3A_99 : i32
      %multiple_of3A_101 = tpu.assume_multiple %mul3A_100, 128 : i32
      "tpu.region"() ({
        %run_scoped3A = tpu.sem_alloc : memref<!tpu.dma_semaphore, #tpu.memory_space<semaphore_mem>>
        %dma_start3A_107 = tpu.memref_slice %arg5[%multiple_of3A_101] : memref<10240xi32, #tpu.memory_space<hbm>> -> memref<128xi32, #tpu.memory_space<hbm>>
        %dma_start3A_108 = tpu.memref_slice %arg5[%multiple_of3A_101] : memref<10240xi32, #tpu.memory_space<hbm>> -> memref<128xi32, #tpu.memory_space<hbm>>
        tpu.enqueue_dma source(%dma_start3A_108 : memref<128xi32, #tpu.memory_space<hbm>>) target(%arg23 : memref<128xi32, #tpu.memory_space<vmem>>) target_semaphore(%run_scoped3A : memref<!tpu.dma_semaphore, #tpu.memory_space<semaphore_mem>>)
        %dma_wait3A_109 = tpu.memref_slice %arg5[%multiple_of3A_101] : memref<10240xi32, #tpu.memory_space<hbm>> -> memref<128xi32, #tpu.memory_space<hbm>>
        %dma_wait3A_110 = tpu.memref_slice %arg5[%multiple_of3A_101] : memref<10240xi32, #tpu.memory_space<hbm>> -> memref<128xi32, #tpu.memory_space<hbm>>
        tpu.wait_dma2 semaphore(%run_scoped3A : memref<!tpu.dma_semaphore, #tpu.memory_space<semaphore_mem>>) src(%dma_wait3A_110 : memref<128xi32, #tpu.memory_space<hbm>>) dst(%arg23 : memref<128xi32, #tpu.memory_space<vmem>>)
        tpu.yield
      }) : () -> ()
      %dma_start3A_102 = arith.constant 0 : i32
      %dma_start3A_103 = arith.constant 0 : i32
      %dma_start3A_104 = tpu.memref_slice %arg6[%dma_start3A_102, %dma_start3A_103] : memref<1000x128xf32, #tpu.memory_space<hbm>> -> memref<1000x128xf32, #tpu.memory_space<hbm>>
      tpu.enqueue_indirect_dma source(%dma_start3A_104 : memref<1000x128xf32, #tpu.memory_space<hbm>>) target(%arg14 : memref<128x128xf32, #tpu.memory_space<vmem>>) offsets(%arg23 : memref<128xi32, #tpu.memory_space<vmem>>) semaphore(%arg17 : memref<!tpu.dma_semaphore, #tpu.memory_space<semaphore_mem>>)
      %dma_wait3A = arith.constant 0 : i32
      %dma_wait3A_105 = arith.constant 0 : i32
      %dma_wait3A_106 = tpu.memref_slice %arg6[%dma_wait3A, %dma_wait3A_105] : memref<1000x128xf32, #tpu.memory_space<hbm>> -> memref<1000x128xf32, #tpu.memory_space<hbm>>
      tpu.wait_indirect_dma semaphore(%arg17 : memref<!tpu.dma_semaphore, #tpu.memory_space<semaphore_mem>>) src(%dma_wait3A_106 : memref<1000x128xf32, #tpu.memory_space<hbm>>) dst(%arg14 : memref<128x128xf32, #tpu.memory_space<vmem>>)
      "tpu.region"() ({
        %run_scoped3A = tpu.sem_alloc : memref<!tpu.dma_semaphore, #tpu.memory_space<semaphore_mem>>
        %dma_start3A_107 = arith.constant 0 : i32
        %dma_start3A_108 = tpu.memref_slice %arg11[%multiple_of3A_101, %dma_start3A_107] : memref<10240x128xf32, #tpu.memory_space<hbm>> -> memref<128x128xf32, #tpu.memory_space<hbm>>
        %dma_start3A_109 = arith.constant 0 : i32
        %dma_start3A_110 = tpu.memref_slice %arg11[%multiple_of3A_101, %dma_start3A_109] : memref<10240x128xf32, #tpu.memory_space<hbm>> -> memref<128x128xf32, #tpu.memory_space<hbm>>
        tpu.enqueue_dma source(%arg14 : memref<128x128xf32, #tpu.memory_space<vmem>>) target(%dma_start3A_110 : memref<128x128xf32, #tpu.memory_space<hbm>>) target_semaphore(%run_scoped3A : memref<!tpu.dma_semaphore, #tpu.memory_space<semaphore_mem>>)
        %dma_wait3A_111 = arith.constant 0 : i32
        %dma_wait3A_112 = tpu.memref_slice %arg11[%multiple_of3A_101, %dma_wait3A_111] : memref<10240x128xf32, #tpu.memory_space<hbm>> -> memref<128x128xf32, #tpu.memory_space<hbm>>
        %dma_wait3A_113 = arith.constant 0 : i32
        %dma_wait3A_114 = tpu.memref_slice %arg11[%multiple_of3A_101, %dma_wait3A_113] : memref<10240x128xf32, #tpu.memory_space<hbm>> -> memref<128x128xf32, #tpu.memory_space<hbm>>
        tpu.wait_dma2 semaphore(%run_scoped3A : memref<!tpu.dma_semaphore, #tpu.memory_space<semaphore_mem>>) src(%arg14 : memref<128x128xf32, #tpu.memory_space<vmem>>) dst(%dma_wait3A_114 : memref<128x128xf32, #tpu.memory_space<hbm>>)
        tpu.yield
      }) : () -> ()
    } else {
    }
    %add3A_44 = arith.constant 64 : i32
    %add3A_45 = arith.addi %add3A, %add3A_44 : i32
    %lt3A_46 = arith.constant 80 : i32
    %lt3A_47 = arith.cmpi slt, %add3A_45, %lt3A_46 : i32
    %convert_element_type3A_48 = arith.extui %lt3A_47 : i1 to i32
    %cond3A_49 = arith.constant 0 : i32
    %cond3A_50 = arith.cmpi ne, %convert_element_type3A_48, %cond3A_49 : i32
    scf.if %cond3A_50 {
      %mul3A_99 = arith.constant 128 : i32
      %mul3A_100 = arith.muli %add3A_45, %mul3A_99 : i32
      %multiple_of3A_101 = tpu.assume_multiple %mul3A_100, 128 : i32
      "tpu.region"() ({
        %run_scoped3A = tpu.sem_alloc : memref<!tpu.dma_semaphore, #tpu.memory_space<semaphore_mem>>
        %dma_start3A_107 = tpu.memref_slice %arg5[%multiple_of3A_101] : memref<10240xi32, #tpu.memory_space<hbm>> -> memref<128xi32, #tpu.memory_space<hbm>>
        %dma_start3A_108 = tpu.memref_slice %arg5[%multiple_of3A_101] : memref<10240xi32, #tpu.memory_space<hbm>> -> memref<128xi32, #tpu.memory_space<hbm>>
        tpu.enqueue_dma source(%dma_start3A_108 : memref<128xi32, #tpu.memory_space<hbm>>) target(%arg23 : memref<128xi32, #tpu.memory_space<vmem>>) target_semaphore(%run_scoped3A : memref<!tpu.dma_semaphore, #tpu.memory_space<semaphore_mem>>)
        %dma_wait3A_109 = tpu.memref_slice %arg5[%multiple_of3A_101] : memref<10240xi32, #tpu.memory_space<hbm>> -> memref<128xi32, #tpu.memory_space<hbm>>
        %dma_wait3A_110 = tpu.memref_slice %arg5[%multiple_of3A_101] : memref<10240xi32, #tpu.memory_space<hbm>> -> memref<128xi32, #tpu.memory_space<hbm>>
        tpu.wait_dma2 semaphore(%run_scoped3A : memref<!tpu.dma_semaphore, #tpu.memory_space<semaphore_mem>>) src(%dma_wait3A_110 : memref<128xi32, #tpu.memory_space<hbm>>) dst(%arg23 : memref<128xi32, #tpu.memory_space<vmem>>)
        tpu.yield
      }) : () -> ()
      %dma_start3A_102 = arith.constant 0 : i32
      %dma_start3A_103 = arith.constant 0 : i32
      %dma_start3A_104 = tpu.memref_slice %arg6[%dma_start3A_102, %dma_start3A_103] : memref<1000x128xf32, #tpu.memory_space<hbm>> -> memref<1000x128xf32, #tpu.memory_space<hbm>>
      tpu.enqueue_indirect_dma source(%dma_start3A_104 : memref<1000x128xf32, #tpu.memory_space<hbm>>) target(%arg14 : memref<128x128xf32, #tpu.memory_space<vmem>>) offsets(%arg23 : memref<128xi32, #tpu.memory_space<vmem>>) semaphore(%arg17 : memref<!tpu.dma_semaphore, #tpu.memory_space<semaphore_mem>>)
      %dma_wait3A = arith.constant 0 : i32
      %dma_wait3A_105 = arith.constant 0 : i32
      %dma_wait3A_106 = tpu.memref_slice %arg6[%dma_wait3A, %dma_wait3A_105] : memref<1000x128xf32, #tpu.memory_space<hbm>> -> memref<1000x128xf32, #tpu.memory_space<hbm>>
      tpu.wait_indirect_dma semaphore(%arg17 : memref<!tpu.dma_semaphore, #tpu.memory_space<semaphore_mem>>) src(%dma_wait3A_106 : memref<1000x128xf32, #tpu.memory_space<hbm>>) dst(%arg14 : memref<128x128xf32, #tpu.memory_space<vmem>>)
      "tpu.region"() ({
        %run_scoped3A = tpu.sem_alloc : memref<!tpu.dma_semaphore, #tpu.memory_space<semaphore_mem>>
        %dma_start3A_107 = arith.constant 0 : i32
        %dma_start3A_108 = tpu.memref_slice %arg11[%multiple_of3A_101, %dma_start3A_107] : memref<10240x128xf32, #tpu.memory_space<hbm>> -> memref<128x128xf32, #tpu.memory_space<hbm>>
        %dma_start3A_109 = arith.constant 0 : i32
        %dma_start3A_110 = tpu.memref_slice %arg11[%multiple_of3A_101, %dma_start3A_109] : memref<10240x128xf32, #tpu.memory_space<hbm>> -> memref<128x128xf32, #tpu.memory_space<hbm>>
        tpu.enqueue_dma source(%arg14 : memref<128x128xf32, #tpu.memory_space<vmem>>) target(%dma_start3A_110 : memref<128x128xf32, #tpu.memory_space<hbm>>) target_semaphore(%run_scoped3A : memref<!tpu.dma_semaphore, #tpu.memory_space<semaphore_mem>>)
        %dma_wait3A_111 = arith.constant 0 : i32
        %dma_wait3A_112 = tpu.memref_slice %arg11[%multiple_of3A_101, %dma_wait3A_111] : memref<10240x128xf32, #tpu.memory_space<hbm>> -> memref<128x128xf32, #tpu.memory_space<hbm>>
        %dma_wait3A_113 = arith.constant 0 : i32
        %dma_wait3A_114 = tpu.memref_slice %arg11[%multiple_of3A_101, %dma_wait3A_113] : memref<10240x128xf32, #tpu.memory_space<hbm>> -> memref<128x128xf32, #tpu.memory_space<hbm>>
        tpu.wait_dma2 semaphore(%run_scoped3A : memref<!tpu.dma_semaphore, #tpu.memory_space<semaphore_mem>>) src(%arg14 : memref<128x128xf32, #tpu.memory_space<vmem>>) dst(%dma_wait3A_114 : memref<128x128xf32, #tpu.memory_space<hbm>>)
        tpu.yield
      }) : () -> ()
    } else {
    }
    %barrier3A = arith.constant 0 : index
    tpu.barrier barrier_id(%barrier3A)
    %lt3A_51 = arith.constant 8 : i32
    %lt3A_52 = arith.cmpi slt, %add3A, %lt3A_51 : i32
    %convert_element_type3A_53 = arith.extui %lt3A_52 : i1 to i32
    %cond3A_54 = arith.constant 0 : i32
    %cond3A_55 = arith.cmpi ne, %convert_element_type3A_53, %cond3A_54 : i32
    scf.if %cond3A_55 {
      %mul3A_99 = arith.constant 128 : i32
      %mul3A_100 = arith.muli %add3A, %mul3A_99 : i32
      %multiple_of3A_101 = tpu.assume_multiple %mul3A_100, 128 : i32
      "tpu.region"() ({
        %run_scoped3A = tpu.sem_alloc : memref<!tpu.dma_semaphore, #tpu.memory_space<semaphore_mem>>
        %dma_start3A_102 = tpu.memref_slice %arg7[%multiple_of3A_101] : memref<1024xi32, #tpu.memory_space<hbm>> -> memref<128xi32, #tpu.memory_space<hbm>>
        %dma_start3A_103 = tpu.memref_slice %arg7[%multiple_of3A_101] : memref<1024xi32, #tpu.memory_space<hbm>> -> memref<128xi32, #tpu.memory_space<hbm>>
        tpu.enqueue_dma source(%dma_start3A_103 : memref<128xi32, #tpu.memory_space<hbm>>) target(%arg23 : memref<128xi32, #tpu.memory_space<vmem>>) target_semaphore(%run_scoped3A : memref<!tpu.dma_semaphore, #tpu.memory_space<semaphore_mem>>)
        %dma_wait3A = tpu.memref_slice %arg7[%multiple_of3A_101] : memref<1024xi32, #tpu.memory_space<hbm>> -> memref<128xi32, #tpu.memory_space<hbm>>
        %dma_wait3A_104 = tpu.memref_slice %arg7[%multiple_of3A_101] : memref<1024xi32, #tpu.memory_space<hbm>> -> memref<128xi32, #tpu.memory_space<hbm>>
        tpu.wait_dma2 semaphore(%run_scoped3A : memref<!tpu.dma_semaphore, #tpu.memory_space<semaphore_mem>>) src(%dma_wait3A_104 : memref<128xi32, #tpu.memory_space<hbm>>) dst(%arg23 : memref<128xi32, #tpu.memory_space<vmem>>)
        tpu.yield
      }) : () -> ()
      "tpu.region"() ({
        %run_scoped3A = tpu.sem_alloc : memref<!tpu.dma_semaphore, #tpu.memory_space<semaphore_mem>>
        %dma_start3A_102 = arith.constant 0 : i32
        %dma_start3A_103 = tpu.memref_slice %arg22[%dma_start3A_102] : memref<10240xf32, #tpu.memory_space<vmem_shared>> -> memref<10240xf32, #tpu.memory_space<vmem_shared>>
        tpu.enqueue_indirect_dma source(%arg20 : memref<128xf32, #tpu.memory_space<vmem>>) target(%dma_start3A_103 : memref<10240xf32, #tpu.memory_space<vmem_shared>>) offsets(%arg23 : memref<128xi32, #tpu.memory_space<vmem>>) semaphore(%run_scoped3A : memref<!tpu.dma_semaphore, #tpu.memory_space<semaphore_mem>>) {add = true}
        %dma_wait3A = arith.constant 0 : i32
        %dma_wait3A_104 = tpu.memref_slice %arg22[%dma_wait3A] : memref<10240xf32, #tpu.memory_space<vmem_shared>> -> memref<10240xf32, #tpu.memory_space<vmem_shared>>
        tpu.wait_indirect_dma semaphore(%run_scoped3A : memref<!tpu.dma_semaphore, #tpu.memory_space<semaphore_mem>>) src(%arg20 : memref<128xf32, #tpu.memory_space<vmem>>) dst(%dma_wait3A_104 : memref<10240xf32, #tpu.memory_space<vmem_shared>>)
        tpu.yield
      }) : () -> ()
    } else {
    }
    %mul3A_56 = arith.constant 80 : i32
    %mul3A_57 = arith.muli %add3A, %mul3A_56 : i32
    %multiple_of3A_58 = tpu.assume_multiple %mul3A_57, 80 : i32
    %add3A_59 = arith.constant 0 : i32
    %add3A_60 = arith.addi %multiple_of3A_58, %add3A_59 : i32
    %multiple_of3A_61 = tpu.assume_multiple %add3A_60, 8 : i32
    "tpu.region"() ({
      %run_scoped3A = tpu.sem_alloc : memref<!tpu.dma_semaphore, #tpu.memory_space<semaphore_mem>>
      %dma_start3A_99 = arith.constant 0 : i32
      %dma_start3A_100 = tpu.memref_slice %arg2[%multiple_of3A_61, %dma_start3A_99] : memref<2560x128xi32, #tpu.memory_space<hbm>> -> memref<40x128xi32, #tpu.memory_space<hbm>>
      %dma_start3A_101 = arith.constant 0 : i32
      %dma_start3A_102 = tpu.memref_slice %arg2[%multiple_of3A_61, %dma_start3A_101] : memref<2560x128xi32, #tpu.memory_space<hbm>> -> memref<40x128xi32, #tpu.memory_space<hbm>>
      tpu.enqueue_dma source(%dma_start3A_102 : memref<40x128xi32, #tpu.memory_space<hbm>>) target(%arg12 : memref<40x128xi32, #tpu.memory_space<vmem>>) target_semaphore(%run_scoped3A : memref<!tpu.dma_semaphore, #tpu.memory_space<semaphore_mem>>)
      %dma_wait3A = arith.constant 0 : i32
      %dma_wait3A_103 = tpu.memref_slice %arg2[%multiple_of3A_61, %dma_wait3A] : memref<2560x128xi32, #tpu.memory_space<hbm>> -> memref<40x128xi32, #tpu.memory_space<hbm>>
      %dma_wait3A_104 = arith.constant 0 : i32
      %dma_wait3A_105 = tpu.memref_slice %arg2[%multiple_of3A_61, %dma_wait3A_104] : memref<2560x128xi32, #tpu.memory_space<hbm>> -> memref<40x128xi32, #tpu.memory_space<hbm>>
      tpu.wait_dma2 semaphore(%run_scoped3A : memref<!tpu.dma_semaphore, #tpu.memory_space<semaphore_mem>>) src(%dma_wait3A_105 : memref<40x128xi32, #tpu.memory_space<hbm>>) dst(%arg12 : memref<40x128xi32, #tpu.memory_space<vmem>>)
      tpu.yield
    }) : () -> ()
    "tpu.region"() ({
      %run_scoped3A = tpu.sem_alloc : memref<!tpu.dma_semaphore, #tpu.memory_space<semaphore_mem>>
      %dma_start3A_99 = arith.constant 0 : i32
      %dma_start3A_100 = tpu.memref_slice %arg3[%multiple_of3A_61, %dma_start3A_99] : memref<2560x128xi32, #tpu.memory_space<hbm>> -> memref<40x128xi32, #tpu.memory_space<hbm>>
      %dma_start3A_101 = arith.constant 0 : i32
      %dma_start3A_102 = tpu.memref_slice %arg3[%multiple_of3A_61, %dma_start3A_101] : memref<2560x128xi32, #tpu.memory_space<hbm>> -> memref<40x128xi32, #tpu.memory_space<hbm>>
      tpu.enqueue_dma source(%dma_start3A_102 : memref<40x128xi32, #tpu.memory_space<hbm>>) target(%arg13 : memref<40x128xi32, #tpu.memory_space<vmem>>) target_semaphore(%run_scoped3A : memref<!tpu.dma_semaphore, #tpu.memory_space<semaphore_mem>>)
      %dma_wait3A = arith.constant 0 : i32
      %dma_wait3A_103 = tpu.memref_slice %arg3[%multiple_of3A_61, %dma_wait3A] : memref<2560x128xi32, #tpu.memory_space<hbm>> -> memref<40x128xi32, #tpu.memory_space<hbm>>
      %dma_wait3A_104 = arith.constant 0 : i32
      %dma_wait3A_105 = tpu.memref_slice %arg3[%multiple_of3A_61, %dma_wait3A_104] : memref<2560x128xi32, #tpu.memory_space<hbm>> -> memref<40x128xi32, #tpu.memory_space<hbm>>
      tpu.wait_dma2 semaphore(%run_scoped3A : memref<!tpu.dma_semaphore, #tpu.memory_space<semaphore_mem>>) src(%dma_wait3A_105 : memref<40x128xi32, #tpu.memory_space<hbm>>) dst(%arg13 : memref<40x128xi32, #tpu.memory_space<vmem>>)
      tpu.yield
    }) : () -> ()
    %dma_start3A = arith.constant 0 : i32
    %dma_start3A_62 = arith.constant 0 : i32
    %dma_start3A_63 = tpu.memref_slice %arg12[%dma_start3A, %dma_start3A_62] : memref<40x128xi32, #tpu.memory_space<vmem>> -> memref<1x128xi32, #tpu.memory_space<vmem>>
    %dma_start3A_64 = tpu.memref_squeeze %dma_start3A_63 : memref<1x128xi32, #tpu.memory_space<vmem>> -> memref<128xi32, #tpu.memory_space<vmem>>
    %dma_start3A_65 = arith.constant 0 : i32
    %dma_start3A_66 = arith.constant 0 : i32
    %dma_start3A_67 = tpu.memref_slice %arg4[%dma_start3A_65, %dma_start3A_66] : memref<10000x128xf32, #tpu.memory_space<hbm>> -> memref<10000x128xf32, #tpu.memory_space<hbm>>
    tpu.enqueue_indirect_dma source(%dma_start3A_67 : memref<10000x128xf32, #tpu.memory_space<hbm>>) target(%arg14 : memref<128x128xf32, #tpu.memory_space<vmem>>) offsets(%dma_start3A_64 : memref<128xi32, #tpu.memory_space<vmem>>) semaphore(%arg17 : memref<!tpu.dma_semaphore, #tpu.memory_space<semaphore_mem>>)
    %scan3A_68 = arith.constant 0 : i32
    %scan3A_69 = arith.constant 0 : i32
    %scan3A_70 = arith.constant 0 : i32
    %scan3A_71 = arith.constant 20 : i32
    %scan3A_72 = arith.addi %scan3A_70, %scan3A_71 : i32
    %scan3A_73 = arith.constant 1 : i32
    %scan3A_74 = scf.for %scan3A_99 = %scan3A_70 to %scan3A_72 step %scan3A_73 iter_args(%scan3A_100 = %scan3A_69) -> (i32)  : i32 {
      %mul3A_101 = arith.constant 2 : i32
      %mul3A_102 = arith.muli %mul3A_101, %scan3A_99 : i32
      %add3A_103 = arith.constant 1 : i32
      %add3A_104 = arith.addi %mul3A_102, %add3A_103 : i32
      %dma_start3A_105 = arith.constant 0 : i32
      %dma_start3A_106 = tpu.memref_slice %arg12[%add3A_104, %dma_start3A_105] : memref<40x128xi32, #tpu.memory_space<vmem>> -> memref<1x128xi32, #tpu.memory_space<vmem>>
      %dma_start3A_107 = tpu.memref_squeeze %dma_start3A_106 : memref<1x128xi32, #tpu.memory_space<vmem>> -> memref<128xi32, #tpu.memory_space<vmem>>
      %dma_start3A_108 = arith.constant 0 : i32
      %dma_start3A_109 = arith.constant 0 : i32
      %dma_start3A_110 = tpu.memref_slice %arg4[%dma_start3A_108, %dma_start3A_109] : memref<10000x128xf32, #tpu.memory_space<hbm>> -> memref<10000x128xf32, #tpu.memory_space<hbm>>
      tpu.enqueue_indirect_dma source(%dma_start3A_110 : memref<10000x128xf32, #tpu.memory_space<hbm>>) target(%arg15 : memref<128x128xf32, #tpu.memory_space<vmem>>) offsets(%dma_start3A_107 : memref<128xi32, #tpu.memory_space<vmem>>) semaphore(%arg18 : memref<!tpu.dma_semaphore, #tpu.memory_space<semaphore_mem>>)
      %dma_wait3A = arith.constant 0 : i32
      %dma_wait3A_111 = tpu.memref_slice %arg12[%scan3A_68, %dma_wait3A] : memref<40x128xi32, #tpu.memory_space<vmem>> -> memref<1x128xi32, #tpu.memory_space<vmem>>
      %dma_wait3A_112 = tpu.memref_squeeze %dma_wait3A_111 : memref<1x128xi32, #tpu.memory_space<vmem>> -> memref<128xi32, #tpu.memory_space<vmem>>
      %dma_wait3A_113 = arith.constant 0 : i32
      %dma_wait3A_114 = arith.constant 0 : i32
      %dma_wait3A_115 = tpu.memref_slice %arg4[%dma_wait3A_113, %dma_wait3A_114] : memref<10000x128xf32, #tpu.memory_space<hbm>> -> memref<10000x128xf32, #tpu.memory_space<hbm>>
      tpu.wait_indirect_dma semaphore(%arg17 : memref<!tpu.dma_semaphore, #tpu.memory_space<semaphore_mem>>) src(%dma_wait3A_115 : memref<10000x128xf32, #tpu.memory_space<hbm>>) dst(%arg14 : memref<128x128xf32, #tpu.memory_space<vmem>>)
      "tpu.region"() ({
        %run_scoped3A = tpu.sem_alloc : memref<!tpu.dma_semaphore, #tpu.memory_space<semaphore_mem>>
        %dma_start3A_136 = arith.constant 0 : i32
        %dma_start3A_137 = tpu.memref_slice %arg13[%mul3A_102, %dma_start3A_136] : memref<40x128xi32, #tpu.memory_space<vmem>> -> memref<1x128xi32, #tpu.memory_space<vmem>>
        %dma_start3A_138 = tpu.memref_squeeze %dma_start3A_137 : memref<1x128xi32, #tpu.memory_space<vmem>> -> memref<128xi32, #tpu.memory_space<vmem>>
        %dma_start3A_139 = arith.constant 0 : i32
        %dma_start3A_140 = arith.constant 0 : i32
        %dma_start3A_141 = tpu.memref_slice %arg16[%dma_start3A_139, %dma_start3A_140] : memref<10240x128xf32, #tpu.memory_space<vmem_shared>> -> memref<10240x128xf32, #tpu.memory_space<vmem_shared>>
        tpu.enqueue_indirect_dma source(%arg14 : memref<128x128xf32, #tpu.memory_space<vmem>>) target(%dma_start3A_141 : memref<10240x128xf32, #tpu.memory_space<vmem_shared>>) offsets(%dma_start3A_138 : memref<128xi32, #tpu.memory_space<vmem>>) semaphore(%run_scoped3A : memref<!tpu.dma_semaphore, #tpu.memory_space<semaphore_mem>>) {add = true}
        %dma_wait3A_142 = arith.constant 0 : i32
        %dma_wait3A_143 = tpu.memref_slice %arg13[%mul3A_102, %dma_wait3A_142] : memref<40x128xi32, #tpu.memory_space<vmem>> -> memref<1x128xi32, #tpu.memory_space<vmem>>
        %dma_wait3A_144 = tpu.memref_squeeze %dma_wait3A_143 : memref<1x128xi32, #tpu.memory_space<vmem>> -> memref<128xi32, #tpu.memory_space<vmem>>
        %dma_wait3A_145 = arith.constant 0 : i32
        %dma_wait3A_146 = arith.constant 0 : i32
        %dma_wait3A_147 = tpu.memref_slice %arg16[%dma_wait3A_145, %dma_wait3A_146] : memref<10240x128xf32, #tpu.memory_space<vmem_shared>> -> memref<10240x128xf32, #tpu.memory_space<vmem_shared>>
        tpu.wait_indirect_dma semaphore(%run_scoped3A : memref<!tpu.dma_semaphore, #tpu.memory_space<semaphore_mem>>) src(%arg14 : memref<128x128xf32, #tpu.memory_space<vmem>>) dst(%dma_wait3A_147 : memref<10240x128xf32, #tpu.memory_space<vmem_shared>>)
        tpu.yield
      }) : () -> ()
      "tpu.region"() ({
        %run_scoped3A = tpu.sem_alloc : memref<!tpu.dma_semaphore, #tpu.memory_space<semaphore_mem>>
        %dma_start3A_136 = arith.constant 0 : i32
        %dma_start3A_137 = tpu.memref_slice %arg13[%mul3A_102, %dma_start3A_136] : memref<40x128xi32, #tpu.memory_space<vmem>> -> memref<1x128xi32, #tpu.memory_space<vmem>>
        %dma_start3A_138 = tpu.memref_squeeze %dma_start3A_137 : memref<1x128xi32, #tpu.memory_space<vmem>> -> memref<128xi32, #tpu.memory_space<vmem>>
        %dma_start3A_139 = arith.constant 0 : i32
        %dma_start3A_140 = tpu.memref_slice %arg21[%dma_start3A_139] : memref<10240xf32, #tpu.memory_space<vmem_shared>> -> memref<10240xf32, #tpu.memory_space<vmem_shared>>
        tpu.enqueue_indirect_dma source(%arg20 : memref<128xf32, #tpu.memory_space<vmem>>) target(%dma_start3A_140 : memref<10240xf32, #tpu.memory_space<vmem_shared>>) offsets(%dma_start3A_138 : memref<128xi32, #tpu.memory_space<vmem>>) semaphore(%run_scoped3A : memref<!tpu.dma_semaphore, #tpu.memory_space<semaphore_mem>>) {add = true}
        %dma_wait3A_141 = arith.constant 0 : i32
        %dma_wait3A_142 = tpu.memref_slice %arg13[%mul3A_102, %dma_wait3A_141] : memref<40x128xi32, #tpu.memory_space<vmem>> -> memref<1x128xi32, #tpu.memory_space<vmem>>
        %dma_wait3A_143 = tpu.memref_squeeze %dma_wait3A_142 : memref<1x128xi32, #tpu.memory_space<vmem>> -> memref<128xi32, #tpu.memory_space<vmem>>
        %dma_wait3A_144 = arith.constant 0 : i32
        %dma_wait3A_145 = tpu.memref_slice %arg21[%dma_wait3A_144] : memref<10240xf32, #tpu.memory_space<vmem_shared>> -> memref<10240xf32, #tpu.memory_space<vmem_shared>>
        tpu.wait_indirect_dma semaphore(%run_scoped3A : memref<!tpu.dma_semaphore, #tpu.memory_space<semaphore_mem>>) src(%arg20 : memref<128xf32, #tpu.memory_space<vmem>>) dst(%dma_wait3A_145 : memref<10240xf32, #tpu.memory_space<vmem_shared>>)
        tpu.yield
      }) : () -> ()
      %add3A_116 = arith.constant 2 : i32
      %add3A_117 = arith.addi %mul3A_102, %add3A_116 : i32
      %lt3A_118 = arith.constant 40 : i32
      %lt3A_119 = arith.cmpi slt, %add3A_117, %lt3A_118 : i32
      %convert_element_type3A_120 = arith.extui %lt3A_119 : i1 to i32
      %cond3A_121 = arith.constant 0 : i32
      %cond3A_122 = arith.cmpi ne, %convert_element_type3A_120, %cond3A_121 : i32
      scf.if %cond3A_122 {
        %add3A_136 = arith.constant 2 : i32
        %add3A_137 = arith.addi %mul3A_102, %add3A_136 : i32
        %dma_start3A_138 = arith.constant 0 : i32
        %dma_start3A_139 = tpu.memref_slice %arg12[%add3A_137, %dma_start3A_138] : memref<40x128xi32, #tpu.memory_space<vmem>> -> memref<1x128xi32, #tpu.memory_space<vmem>>
        %dma_start3A_140 = tpu.memref_squeeze %dma_start3A_139 : memref<1x128xi32, #tpu.memory_space<vmem>> -> memref<128xi32, #tpu.memory_space<vmem>>
        %dma_start3A_141 = arith.constant 0 : i32
        %dma_start3A_142 = arith.constant 0 : i32
        %dma_start3A_143 = tpu.memref_slice %arg4[%dma_start3A_141, %dma_start3A_142] : memref<10000x128xf32, #tpu.memory_space<hbm>> -> memref<10000x128xf32, #tpu.memory_space<hbm>>
        tpu.enqueue_indirect_dma source(%dma_start3A_143 : memref<10000x128xf32, #tpu.memory_space<hbm>>) target(%arg14 : memref<128x128xf32, #tpu.memory_space<vmem>>) offsets(%dma_start3A_140 : memref<128xi32, #tpu.memory_space<vmem>>) semaphore(%arg17 : memref<!tpu.dma_semaphore, #tpu.memory_space<semaphore_mem>>)
      } else {
      }
      %add3A_123 = arith.constant 1 : i32
      %add3A_124 = arith.addi %mul3A_102, %add3A_123 : i32
      %dma_wait3A_125 = arith.constant 0 : i32
      %dma_wait3A_126 = tpu.memref_slice %arg12[%add3A_124, %dma_wait3A_125] : memref<40x128xi32, #tpu.memory_space<vmem>> -> memref<1x128xi32, #tpu.memory_space<vmem>>
      %dma_wait3A_127 = tpu.memref_squeeze %dma_wait3A_126 : memref<1x128xi32, #tpu.memory_space<vmem>> -> memref<128xi32, #tpu.memory_space<vmem>>
      %dma_wait3A_128 = arith.constant 0 : i32
      %dma_wait3A_129 = arith.constant 0 : i32
      %dma_wait3A_130 = tpu.memref_slice %arg4[%dma_wait3A_128, %dma_wait3A_129] : memref<10000x128xf32, #tpu.memory_space<hbm>> -> memref<10000x128xf32, #tpu.memory_space<hbm>>
      tpu.wait_indirect_dma semaphore(%arg18 : memref<!tpu.dma_semaphore, #tpu.memory_space<semaphore_mem>>) src(%dma_wait3A_130 : memref<10000x128xf32, #tpu.memory_space<hbm>>) dst(%arg15 : memref<128x128xf32, #tpu.memory_space<vmem>>)
      %add3A_131 = arith.constant 1 : i32
      %add3A_132 = arith.addi %mul3A_102, %add3A_131 : i32
      "tpu.region"() ({
        %run_scoped3A = tpu.sem_alloc : memref<!tpu.dma_semaphore, #tpu.memory_space<semaphore_mem>>
        %dma_start3A_136 = arith.constant 0 : i32
        %dma_start3A_137 = tpu.memref_slice %arg13[%add3A_132, %dma_start3A_136] : memref<40x128xi32, #tpu.memory_space<vmem>> -> memref<1x128xi32, #tpu.memory_space<vmem>>
        %dma_start3A_138 = tpu.memref_squeeze %dma_start3A_137 : memref<1x128xi32, #tpu.memory_space<vmem>> -> memref<128xi32, #tpu.memory_space<vmem>>
        %dma_start3A_139 = arith.constant 0 : i32
        %dma_start3A_140 = arith.constant 0 : i32
        %dma_start3A_141 = tpu.memref_slice %arg16[%dma_start3A_139, %dma_start3A_140] : memref<10240x128xf32, #tpu.memory_space<vmem_shared>> -> memref<10240x128xf32, #tpu.memory_space<vmem_shared>>
        tpu.enqueue_indirect_dma source(%arg15 : memref<128x128xf32, #tpu.memory_space<vmem>>) target(%dma_start3A_141 : memref<10240x128xf32, #tpu.memory_space<vmem_shared>>) offsets(%dma_start3A_138 : memref<128xi32, #tpu.memory_space<vmem>>) semaphore(%run_scoped3A : memref<!tpu.dma_semaphore, #tpu.memory_space<semaphore_mem>>) {add = true}
        %dma_wait3A_142 = arith.constant 0 : i32
        %dma_wait3A_143 = tpu.memref_slice %arg13[%add3A_132, %dma_wait3A_142] : memref<40x128xi32, #tpu.memory_space<vmem>> -> memref<1x128xi32, #tpu.memory_space<vmem>>
        %dma_wait3A_144 = tpu.memref_squeeze %dma_wait3A_143 : memref<1x128xi32, #tpu.memory_space<vmem>> -> memref<128xi32, #tpu.memory_space<vmem>>
        %dma_wait3A_145 = arith.constant 0 : i32
        %dma_wait3A_146 = arith.constant 0 : i32
        %dma_wait3A_147 = tpu.memref_slice %arg16[%dma_wait3A_145, %dma_wait3A_146] : memref<10240x128xf32, #tpu.memory_space<vmem_shared>> -> memref<10240x128xf32, #tpu.memory_space<vmem_shared>>
        tpu.wait_indirect_dma semaphore(%run_scoped3A : memref<!tpu.dma_semaphore, #tpu.memory_space<semaphore_mem>>) src(%arg15 : memref<128x128xf32, #tpu.memory_space<vmem>>) dst(%dma_wait3A_147 : memref<10240x128xf32, #tpu.memory_space<vmem_shared>>)
        tpu.yield
      }) : () -> ()
      %add3A_133 = arith.constant 1 : i32
      %add3A_134 = arith.addi %mul3A_102, %add3A_133 : i32
      "tpu.region"() ({
        %run_scoped3A = tpu.sem_alloc : memref<!tpu.dma_semaphore, #tpu.memory_space<semaphore_mem>>
        %dma_start3A_136 = arith.constant 0 : i32
        %dma_start3A_137 = tpu.memref_slice %arg13[%add3A_134, %dma_start3A_136] : memref<40x128xi32, #tpu.memory_space<vmem>> -> memref<1x128xi32, #tpu.memory_space<vmem>>
        %dma_start3A_138 = tpu.memref_squeeze %dma_start3A_137 : memref<1x128xi32, #tpu.memory_space<vmem>> -> memref<128xi32, #tpu.memory_space<vmem>>
        %dma_start3A_139 = arith.constant 0 : i32
        %dma_start3A_140 = tpu.memref_slice %arg21[%dma_start3A_139] : memref<10240xf32, #tpu.memory_space<vmem_shared>> -> memref<10240xf32, #tpu.memory_space<vmem_shared>>
        tpu.enqueue_indirect_dma source(%arg20 : memref<128xf32, #tpu.memory_space<vmem>>) target(%dma_start3A_140 : memref<10240xf32, #tpu.memory_space<vmem_shared>>) offsets(%dma_start3A_138 : memref<128xi32, #tpu.memory_space<vmem>>) semaphore(%run_scoped3A : memref<!tpu.dma_semaphore, #tpu.memory_space<semaphore_mem>>) {add = true}
        %dma_wait3A_141 = arith.constant 0 : i32
        %dma_wait3A_142 = tpu.memref_slice %arg13[%add3A_134, %dma_wait3A_141] : memref<40x128xi32, #tpu.memory_space<vmem>> -> memref<1x128xi32, #tpu.memory_space<vmem>>
        %dma_wait3A_143 = tpu.memref_squeeze %dma_wait3A_142 : memref<1x128xi32, #tpu.memory_space<vmem>> -> memref<128xi32, #tpu.memory_space<vmem>>
        %dma_wait3A_144 = arith.constant 0 : i32
        %dma_wait3A_145 = tpu.memref_slice %arg21[%dma_wait3A_144] : memref<10240xf32, #tpu.memory_space<vmem_shared>> -> memref<10240xf32, #tpu.memory_space<vmem_shared>>
        tpu.wait_indirect_dma semaphore(%run_scoped3A : memref<!tpu.dma_semaphore, #tpu.memory_space<semaphore_mem>>) src(%arg20 : memref<128xf32, #tpu.memory_space<vmem>>) dst(%dma_wait3A_145 : memref<10240xf32, #tpu.memory_space<vmem_shared>>)
        tpu.yield
      }) : () -> ()
      %scan3A_135 = arith.constant 0 : i32
      scf.yield %scan3A_135 : i32
    }
    %scan3A_75 = arith.constant 20 : i32
    %add3A_76 = arith.constant 40 : i32
    %add3A_77 = arith.addi %multiple_of3A_58, %add3A_76 : i32
    %multiple_of3A_78 = tpu.assume_multiple %add3A_77, 8 : i32
    "tpu.region"() ({
      %run_scoped3A = tpu.sem_alloc : memref<!tpu.dma_semaphore, #tpu.memory_space<semaphore_mem>>
      %dma_start3A_99 = arith.constant 0 : i32
      %dma_start3A_100 = tpu.memref_slice %arg2[%multiple_of3A_78, %dma_start3A_99] : memref<2560x128xi32, #tpu.memory_space<hbm>> -> memref<40x128xi32, #tpu.memory_space<hbm>>
      %dma_start3A_101 = arith.constant 0 : i32
      %dma_start3A_102 = tpu.memref_slice %arg2[%multiple_of3A_78, %dma_start3A_101] : memref<2560x128xi32, #tpu.memory_space<hbm>> -> memref<40x128xi32, #tpu.memory_space<hbm>>
      tpu.enqueue_dma source(%dma_start3A_102 : memref<40x128xi32, #tpu.memory_space<hbm>>) target(%arg12 : memref<40x128xi32, #tpu.memory_space<vmem>>) target_semaphore(%run_scoped3A : memref<!tpu.dma_semaphore, #tpu.memory_space<semaphore_mem>>)
      %dma_wait3A = arith.constant 0 : i32
      %dma_wait3A_103 = tpu.memref_slice %arg2[%multiple_of3A_78, %dma_wait3A] : memref<2560x128xi32, #tpu.memory_space<hbm>> -> memref<40x128xi32, #tpu.memory_space<hbm>>
      %dma_wait3A_104 = arith.constant 0 : i32
      %dma_wait3A_105 = tpu.memref_slice %arg2[%multiple_of3A_78, %dma_wait3A_104] : memref<2560x128xi32, #tpu.memory_space<hbm>> -> memref<40x128xi32, #tpu.memory_space<hbm>>
      tpu.wait_dma2 semaphore(%run_scoped3A : memref<!tpu.dma_semaphore, #tpu.memory_space<semaphore_mem>>) src(%dma_wait3A_105 : memref<40x128xi32, #tpu.memory_space<hbm>>) dst(%arg12 : memref<40x128xi32, #tpu.memory_space<vmem>>)
      tpu.yield
    }) : () -> ()
    "tpu.region"() ({
      %run_scoped3A = tpu.sem_alloc : memref<!tpu.dma_semaphore, #tpu.memory_space<semaphore_mem>>
      %dma_start3A_99 = arith.constant 0 : i32
      %dma_start3A_100 = tpu.memref_slice %arg3[%multiple_of3A_78, %dma_start3A_99] : memref<2560x128xi32, #tpu.memory_space<hbm>> -> memref<40x128xi32, #tpu.memory_space<hbm>>
      %dma_start3A_101 = arith.constant 0 : i32
      %dma_start3A_102 = tpu.memref_slice %arg3[%multiple_of3A_78, %dma_start3A_101] : memref<2560x128xi32, #tpu.memory_space<hbm>> -> memref<40x128xi32, #tpu.memory_space<hbm>>
      tpu.enqueue_dma source(%dma_start3A_102 : memref<40x128xi32, #tpu.memory_space<hbm>>) target(%arg13 : memref<40x128xi32, #tpu.memory_space<vmem>>) target_semaphore(%run_scoped3A : memref<!tpu.dma_semaphore, #tpu.memory_space<semaphore_mem>>)
      %dma_wait3A = arith.constant 0 : i32
      %dma_wait3A_103 = tpu.memref_slice %arg3[%multiple_of3A_78, %dma_wait3A] : memref<2560x128xi32, #tpu.memory_space<hbm>> -> memref<40x128xi32, #tpu.memory_space<hbm>>
      %dma_wait3A_104 = arith.constant 0 : i32
      %dma_wait3A_105 = tpu.memref_slice %arg3[%multiple_of3A_78, %dma_wait3A_104] : memref<2560x128xi32, #tpu.memory_space<hbm>> -> memref<40x128xi32, #tpu.memory_space<hbm>>
      tpu.wait_dma2 semaphore(%run_scoped3A : memref<!tpu.dma_semaphore, #tpu.memory_space<semaphore_mem>>) src(%dma_wait3A_105 : memref<40x128xi32, #tpu.memory_space<hbm>>) dst(%arg13 : memref<40x128xi32, #tpu.memory_space<vmem>>)
      tpu.yield
    }) : () -> ()
    %dma_start3A_79 = arith.constant 0 : i32
    %dma_start3A_80 = arith.constant 0 : i32
    %dma_start3A_81 = tpu.memref_slice %arg12[%dma_start3A_79, %dma_start3A_80] : memref<40x128xi32, #tpu.memory_space<vmem>> -> memref<1x128xi32, #tpu.memory_space<vmem>>
    %dma_start3A_82 = tpu.memref_squeeze %dma_start3A_81 : memref<1x128xi32, #tpu.memory_space<vmem>> -> memref<128xi32, #tpu.memory_space<vmem>>
    %dma_start3A_83 = arith.constant 0 : i32
    %dma_start3A_84 = arith.constant 0 : i32
    %dma_start3A_85 = tpu.memref_slice %arg4[%dma_start3A_83, %dma_start3A_84] : memref<10000x128xf32, #tpu.memory_space<hbm>> -> memref<10000x128xf32, #tpu.memory_space<hbm>>
    tpu.enqueue_indirect_dma source(%dma_start3A_85 : memref<10000x128xf32, #tpu.memory_space<hbm>>) target(%arg14 : memref<128x128xf32, #tpu.memory_space<vmem>>) offsets(%dma_start3A_82 : memref<128xi32, #tpu.memory_space<vmem>>) semaphore(%arg17 : memref<!tpu.dma_semaphore, #tpu.memory_space<semaphore_mem>>)
    %scan3A_86 = arith.constant 0 : i32
    %scan3A_87 = arith.constant 0 : i32
    %scan3A_88 = arith.constant 0 : i32
    %scan3A_89 = arith.constant 20 : i32
    %scan3A_90 = arith.addi %scan3A_88, %scan3A_89 : i32
    %scan3A_91 = arith.constant 1 : i32
    %scan3A_92 = scf.for %scan3A_99 = %scan3A_88 to %scan3A_90 step %scan3A_91 iter_args(%scan3A_100 = %scan3A_87) -> (i32)  : i32 {
      %mul3A_101 = arith.constant 2 : i32
      %mul3A_102 = arith.muli %mul3A_101, %scan3A_99 : i32
      %add3A_103 = arith.constant 1 : i32
      %add3A_104 = arith.addi %mul3A_102, %add3A_103 : i32
      %dma_start3A_105 = arith.constant 0 : i32
      %dma_start3A_106 = tpu.memref_slice %arg12[%add3A_104, %dma_start3A_105] : memref<40x128xi32, #tpu.memory_space<vmem>> -> memref<1x128xi32, #tpu.memory_space<vmem>>
      %dma_start3A_107 = tpu.memref_squeeze %dma_start3A_106 : memref<1x128xi32, #tpu.memory_space<vmem>> -> memref<128xi32, #tpu.memory_space<vmem>>
      %dma_start3A_108 = arith.constant 0 : i32
      %dma_start3A_109 = arith.constant 0 : i32
      %dma_start3A_110 = tpu.memref_slice %arg4[%dma_start3A_108, %dma_start3A_109] : memref<10000x128xf32, #tpu.memory_space<hbm>> -> memref<10000x128xf32, #tpu.memory_space<hbm>>
      tpu.enqueue_indirect_dma source(%dma_start3A_110 : memref<10000x128xf32, #tpu.memory_space<hbm>>) target(%arg15 : memref<128x128xf32, #tpu.memory_space<vmem>>) offsets(%dma_start3A_107 : memref<128xi32, #tpu.memory_space<vmem>>) semaphore(%arg18 : memref<!tpu.dma_semaphore, #tpu.memory_space<semaphore_mem>>)
      %dma_wait3A = arith.constant 0 : i32
      %dma_wait3A_111 = tpu.memref_slice %arg12[%scan3A_86, %dma_wait3A] : memref<40x128xi32, #tpu.memory_space<vmem>> -> memref<1x128xi32, #tpu.memory_space<vmem>>
      %dma_wait3A_112 = tpu.memref_squeeze %dma_wait3A_111 : memref<1x128xi32, #tpu.memory_space<vmem>> -> memref<128xi32, #tpu.memory_space<vmem>>
      %dma_wait3A_113 = arith.constant 0 : i32
      %dma_wait3A_114 = arith.constant 0 : i32
      %dma_wait3A_115 = tpu.memref_slice %arg4[%dma_wait3A_113, %dma_wait3A_114] : memref<10000x128xf32, #tpu.memory_space<hbm>> -> memref<10000x128xf32, #tpu.memory_space<hbm>>
      tpu.wait_indirect_dma semaphore(%arg17 : memref<!tpu.dma_semaphore, #tpu.memory_space<semaphore_mem>>) src(%dma_wait3A_115 : memref<10000x128xf32, #tpu.memory_space<hbm>>) dst(%arg14 : memref<128x128xf32, #tpu.memory_space<vmem>>)
      "tpu.region"() ({
        %run_scoped3A = tpu.sem_alloc : memref<!tpu.dma_semaphore, #tpu.memory_space<semaphore_mem>>
        %dma_start3A_136 = arith.constant 0 : i32
        %dma_start3A_137 = tpu.memref_slice %arg13[%mul3A_102, %dma_start3A_136] : memref<40x128xi32, #tpu.memory_space<vmem>> -> memref<1x128xi32, #tpu.memory_space<vmem>>
        %dma_start3A_138 = tpu.memref_squeeze %dma_start3A_137 : memref<1x128xi32, #tpu.memory_space<vmem>> -> memref<128xi32, #tpu.memory_space<vmem>>
        %dma_start3A_139 = arith.constant 0 : i32
        %dma_start3A_140 = arith.constant 0 : i32
        %dma_start3A_141 = tpu.memref_slice %arg16[%dma_start3A_139, %dma_start3A_140] : memref<10240x128xf32, #tpu.memory_space<vmem_shared>> -> memref<10240x128xf32, #tpu.memory_space<vmem_shared>>
        tpu.enqueue_indirect_dma source(%arg14 : memref<128x128xf32, #tpu.memory_space<vmem>>) target(%dma_start3A_141 : memref<10240x128xf32, #tpu.memory_space<vmem_shared>>) offsets(%dma_start3A_138 : memref<128xi32, #tpu.memory_space<vmem>>) semaphore(%run_scoped3A : memref<!tpu.dma_semaphore, #tpu.memory_space<semaphore_mem>>) {add = true}
        %dma_wait3A_142 = arith.constant 0 : i32
        %dma_wait3A_143 = tpu.memref_slice %arg13[%mul3A_102, %dma_wait3A_142] : memref<40x128xi32, #tpu.memory_space<vmem>> -> memref<1x128xi32, #tpu.memory_space<vmem>>
        %dma_wait3A_144 = tpu.memref_squeeze %dma_wait3A_143 : memref<1x128xi32, #tpu.memory_space<vmem>> -> memref<128xi32, #tpu.memory_space<vmem>>
        %dma_wait3A_145 = arith.constant 0 : i32
        %dma_wait3A_146 = arith.constant 0 : i32
        %dma_wait3A_147 = tpu.memref_slice %arg16[%dma_wait3A_145, %dma_wait3A_146] : memref<10240x128xf32, #tpu.memory_space<vmem_shared>> -> memref<10240x128xf32, #tpu.memory_space<vmem_shared>>
        tpu.wait_indirect_dma semaphore(%run_scoped3A : memref<!tpu.dma_semaphore, #tpu.memory_space<semaphore_mem>>) src(%arg14 : memref<128x128xf32, #tpu.memory_space<vmem>>) dst(%dma_wait3A_147 : memref<10240x128xf32, #tpu.memory_space<vmem_shared>>)
        tpu.yield
      }) : () -> ()
      "tpu.region"() ({
        %run_scoped3A = tpu.sem_alloc : memref<!tpu.dma_semaphore, #tpu.memory_space<semaphore_mem>>
        %dma_start3A_136 = arith.constant 0 : i32
        %dma_start3A_137 = tpu.memref_slice %arg13[%mul3A_102, %dma_start3A_136] : memref<40x128xi32, #tpu.memory_space<vmem>> -> memref<1x128xi32, #tpu.memory_space<vmem>>
        %dma_start3A_138 = tpu.memref_squeeze %dma_start3A_137 : memref<1x128xi32, #tpu.memory_space<vmem>> -> memref<128xi32, #tpu.memory_space<vmem>>
        %dma_start3A_139 = arith.constant 0 : i32
        %dma_start3A_140 = tpu.memref_slice %arg21[%dma_start3A_139] : memref<10240xf32, #tpu.memory_space<vmem_shared>> -> memref<10240xf32, #tpu.memory_space<vmem_shared>>
        tpu.enqueue_indirect_dma source(%arg20 : memref<128xf32, #tpu.memory_space<vmem>>) target(%dma_start3A_140 : memref<10240xf32, #tpu.memory_space<vmem_shared>>) offsets(%dma_start3A_138 : memref<128xi32, #tpu.memory_space<vmem>>) semaphore(%run_scoped3A : memref<!tpu.dma_semaphore, #tpu.memory_space<semaphore_mem>>) {add = true}
        %dma_wait3A_141 = arith.constant 0 : i32
        %dma_wait3A_142 = tpu.memref_slice %arg13[%mul3A_102, %dma_wait3A_141] : memref<40x128xi32, #tpu.memory_space<vmem>> -> memref<1x128xi32, #tpu.memory_space<vmem>>
        %dma_wait3A_143 = tpu.memref_squeeze %dma_wait3A_142 : memref<1x128xi32, #tpu.memory_space<vmem>> -> memref<128xi32, #tpu.memory_space<vmem>>
        %dma_wait3A_144 = arith.constant 0 : i32
        %dma_wait3A_145 = tpu.memref_slice %arg21[%dma_wait3A_144] : memref<10240xf32, #tpu.memory_space<vmem_shared>> -> memref<10240xf32, #tpu.memory_space<vmem_shared>>
        tpu.wait_indirect_dma semaphore(%run_scoped3A : memref<!tpu.dma_semaphore, #tpu.memory_space<semaphore_mem>>) src(%arg20 : memref<128xf32, #tpu.memory_space<vmem>>) dst(%dma_wait3A_145 : memref<10240xf32, #tpu.memory_space<vmem_shared>>)
        tpu.yield
      }) : () -> ()
      %add3A_116 = arith.constant 2 : i32
      %add3A_117 = arith.addi %mul3A_102, %add3A_116 : i32
      %lt3A_118 = arith.constant 40 : i32
      %lt3A_119 = arith.cmpi slt, %add3A_117, %lt3A_118 : i32
      %convert_element_type3A_120 = arith.extui %lt3A_119 : i1 to i32
      %cond3A_121 = arith.constant 0 : i32
      %cond3A_122 = arith.cmpi ne, %convert_element_type3A_120, %cond3A_121 : i32
      scf.if %cond3A_122 {
        %add3A_136 = arith.constant 2 : i32
        %add3A_137 = arith.addi %mul3A_102, %add3A_136 : i32
        %dma_start3A_138 = arith.constant 0 : i32
        %dma_start3A_139 = tpu.memref_slice %arg12[%add3A_137, %dma_start3A_138] : memref<40x128xi32, #tpu.memory_space<vmem>> -> memref<1x128xi32, #tpu.memory_space<vmem>>
        %dma_start3A_140 = tpu.memref_squeeze %dma_start3A_139 : memref<1x128xi32, #tpu.memory_space<vmem>> -> memref<128xi32, #tpu.memory_space<vmem>>
        %dma_start3A_141 = arith.constant 0 : i32
        %dma_start3A_142 = arith.constant 0 : i32
        %dma_start3A_143 = tpu.memref_slice %arg4[%dma_start3A_141, %dma_start3A_142] : memref<10000x128xf32, #tpu.memory_space<hbm>> -> memref<10000x128xf32, #tpu.memory_space<hbm>>
        tpu.enqueue_indirect_dma source(%dma_start3A_143 : memref<10000x128xf32, #tpu.memory_space<hbm>>) target(%arg14 : memref<128x128xf32, #tpu.memory_space<vmem>>) offsets(%dma_start3A_140 : memref<128xi32, #tpu.memory_space<vmem>>) semaphore(%arg17 : memref<!tpu.dma_semaphore, #tpu.memory_space<semaphore_mem>>)
      } else {
      }
      %add3A_123 = arith.constant 1 : i32
      %add3A_124 = arith.addi %mul3A_102, %add3A_123 : i32
      %dma_wait3A_125 = arith.constant 0 : i32
      %dma_wait3A_126 = tpu.memref_slice %arg12[%add3A_124, %dma_wait3A_125] : memref<40x128xi32, #tpu.memory_space<vmem>> -> memref<1x128xi32, #tpu.memory_space<vmem>>
      %dma_wait3A_127 = tpu.memref_squeeze %dma_wait3A_126 : memref<1x128xi32, #tpu.memory_space<vmem>> -> memref<128xi32, #tpu.memory_space<vmem>>
      %dma_wait3A_128 = arith.constant 0 : i32
      %dma_wait3A_129 = arith.constant 0 : i32
      %dma_wait3A_130 = tpu.memref_slice %arg4[%dma_wait3A_128, %dma_wait3A_129] : memref<10000x128xf32, #tpu.memory_space<hbm>> -> memref<10000x128xf32, #tpu.memory_space<hbm>>
      tpu.wait_indirect_dma semaphore(%arg18 : memref<!tpu.dma_semaphore, #tpu.memory_space<semaphore_mem>>) src(%dma_wait3A_130 : memref<10000x128xf32, #tpu.memory_space<hbm>>) dst(%arg15 : memref<128x128xf32, #tpu.memory_space<vmem>>)
      %add3A_131 = arith.constant 1 : i32
      %add3A_132 = arith.addi %mul3A_102, %add3A_131 : i32
      "tpu.region"() ({
        %run_scoped3A = tpu.sem_alloc : memref<!tpu.dma_semaphore, #tpu.memory_space<semaphore_mem>>
        %dma_start3A_136 = arith.constant 0 : i32
        %dma_start3A_137 = tpu.memref_slice %arg13[%add3A_132, %dma_start3A_136] : memref<40x128xi32, #tpu.memory_space<vmem>> -> memref<1x128xi32, #tpu.memory_space<vmem>>
        %dma_start3A_138 = tpu.memref_squeeze %dma_start3A_137 : memref<1x128xi32, #tpu.memory_space<vmem>> -> memref<128xi32, #tpu.memory_space<vmem>>
        %dma_start3A_139 = arith.constant 0 : i32
        %dma_start3A_140 = arith.constant 0 : i32
        %dma_start3A_141 = tpu.memref_slice %arg16[%dma_start3A_139, %dma_start3A_140] : memref<10240x128xf32, #tpu.memory_space<vmem_shared>> -> memref<10240x128xf32, #tpu.memory_space<vmem_shared>>
        tpu.enqueue_indirect_dma source(%arg15 : memref<128x128xf32, #tpu.memory_space<vmem>>) target(%dma_start3A_141 : memref<10240x128xf32, #tpu.memory_space<vmem_shared>>) offsets(%dma_start3A_138 : memref<128xi32, #tpu.memory_space<vmem>>) semaphore(%run_scoped3A : memref<!tpu.dma_semaphore, #tpu.memory_space<semaphore_mem>>) {add = true}
        %dma_wait3A_142 = arith.constant 0 : i32
        %dma_wait3A_143 = tpu.memref_slice %arg13[%add3A_132, %dma_wait3A_142] : memref<40x128xi32, #tpu.memory_space<vmem>> -> memref<1x128xi32, #tpu.memory_space<vmem>>
        %dma_wait3A_144 = tpu.memref_squeeze %dma_wait3A_143 : memref<1x128xi32, #tpu.memory_space<vmem>> -> memref<128xi32, #tpu.memory_space<vmem>>
        %dma_wait3A_145 = arith.constant 0 : i32
        %dma_wait3A_146 = arith.constant 0 : i32
        %dma_wait3A_147 = tpu.memref_slice %arg16[%dma_wait3A_145, %dma_wait3A_146] : memref<10240x128xf32, #tpu.memory_space<vmem_shared>> -> memref<10240x128xf32, #tpu.memory_space<vmem_shared>>
        tpu.wait_indirect_dma semaphore(%run_scoped3A : memref<!tpu.dma_semaphore, #tpu.memory_space<semaphore_mem>>) src(%arg15 : memref<128x128xf32, #tpu.memory_space<vmem>>) dst(%dma_wait3A_147 : memref<10240x128xf32, #tpu.memory_space<vmem_shared>>)
        tpu.yield
      }) : () -> ()
      %add3A_133 = arith.constant 1 : i32
      %add3A_134 = arith.addi %mul3A_102, %add3A_133 : i32
      "tpu.region"() ({
        %run_scoped3A = tpu.sem_alloc : memref<!tpu.dma_semaphore, #tpu.memory_space<semaphore_mem>>
        %dma_start3A_136 = arith.constant 0 : i32
        %dma_start3A_137 = tpu.memref_slice %arg13[%add3A_134, %dma_start3A_136] : memref<40x128xi32, #tpu.memory_space<vmem>> -> memref<1x128xi32, #tpu.memory_space<vmem>>
        %dma_start3A_138 = tpu.memref_squeeze %dma_start3A_137 : memref<1x128xi32, #tpu.memory_space<vmem>> -> memref<128xi32, #tpu.memory_space<vmem>>
        %dma_start3A_139 = arith.constant 0 : i32
        %dma_start3A_140 = tpu.memref_slice %arg21[%dma_start3A_139] : memref<10240xf32, #tpu.memory_space<vmem_shared>> -> memref<10240xf32, #tpu.memory_space<vmem_shared>>
        tpu.enqueue_indirect_dma source(%arg20 : memref<128xf32, #tpu.memory_space<vmem>>) target(%dma_start3A_140 : memref<10240xf32, #tpu.memory_space<vmem_shared>>) offsets(%dma_start3A_138 : memref<128xi32, #tpu.memory_space<vmem>>) semaphore(%run_scoped3A : memref<!tpu.dma_semaphore, #tpu.memory_space<semaphore_mem>>) {add = true}
        %dma_wait3A_141 = arith.constant 0 : i32
        %dma_wait3A_142 = tpu.memref_slice %arg13[%add3A_134, %dma_wait3A_141] : memref<40x128xi32, #tpu.memory_space<vmem>> -> memref<1x128xi32, #tpu.memory_space<vmem>>
        %dma_wait3A_143 = tpu.memref_squeeze %dma_wait3A_142 : memref<1x128xi32, #tpu.memory_space<vmem>> -> memref<128xi32, #tpu.memory_space<vmem>>
        %dma_wait3A_144 = arith.constant 0 : i32
        %dma_wait3A_145 = tpu.memref_slice %arg21[%dma_wait3A_144] : memref<10240xf32, #tpu.memory_space<vmem_shared>> -> memref<10240xf32, #tpu.memory_space<vmem_shared>>
        tpu.wait_indirect_dma semaphore(%run_scoped3A : memref<!tpu.dma_semaphore, #tpu.memory_space<semaphore_mem>>) src(%arg20 : memref<128xf32, #tpu.memory_space<vmem>>) dst(%dma_wait3A_145 : memref<10240xf32, #tpu.memory_space<vmem_shared>>)
        tpu.yield
      }) : () -> ()
      %scan3A_135 = arith.constant 0 : i32
      scf.yield %scan3A_135 : i32
    }
    %scan3A_93 = arith.constant 20 : i32
    %barrier3A_94 = arith.constant 0 : index
    tpu.barrier barrier_id(%barrier3A_94)
    "tpu.region"() ({
      %run_scoped3A = tpu.sem_alloc : memref<!tpu.dma_semaphore, #tpu.memory_space<semaphore_mem>>
      %dma_start3A_99 = arith.constant 0 : i32
      %dma_start3A_100 = tpu.memref_slice %arg8[%arg0, %multiple_of3A, %dma_start3A_99] : memref<2x10240x128xf32, #tpu.memory_space<hbm>> -> memref<1x640x128xf32, #tpu.memory_space<hbm>>
      %dma_start3A_101 = tpu.memref_squeeze %dma_start3A_100 : memref<1x640x128xf32, #tpu.memory_space<hbm>> -> memref<640x128xf32, #tpu.memory_space<hbm>>
      %dma_start3A_102 = arith.constant 0 : i32
      %dma_start3A_103 = tpu.memref_slice %arg16[%multiple_of3A, %dma_start3A_102] : memref<10240x128xf32, #tpu.memory_space<vmem_shared>> -> memref<640x128xf32, #tpu.memory_space<vmem_shared>>
      tpu.enqueue_dma source(%dma_start3A_103 : memref<640x128xf32, #tpu.memory_space<vmem_shared>>) target(%dma_start3A_101 : memref<640x128xf32, #tpu.memory_space<hbm>>) target_semaphore(%run_scoped3A : memref<!tpu.dma_semaphore, #tpu.memory_space<semaphore_mem>>)
      %dma_wait3A = arith.constant 0 : i32
      %dma_wait3A_104 = tpu.memref_slice %arg8[%arg0, %multiple_of3A, %dma_wait3A] : memref<2x10240x128xf32, #tpu.memory_space<hbm>> -> memref<1x640x128xf32, #tpu.memory_space<hbm>>
      %dma_wait3A_105 = tpu.memref_squeeze %dma_wait3A_104 : memref<1x640x128xf32, #tpu.memory_space<hbm>> -> memref<640x128xf32, #tpu.memory_space<hbm>>
      %dma_wait3A_106 = arith.constant 0 : i32
      %dma_wait3A_107 = tpu.memref_slice %arg16[%multiple_of3A, %dma_wait3A_106] : memref<10240x128xf32, #tpu.memory_space<vmem_shared>> -> memref<640x128xf32, #tpu.memory_space<vmem_shared>>
      tpu.wait_dma2 semaphore(%run_scoped3A : memref<!tpu.dma_semaphore, #tpu.memory_space<semaphore_mem>>) src(%dma_wait3A_107 : memref<640x128xf32, #tpu.memory_space<vmem_shared>>) dst(%dma_wait3A_105 : memref<640x128xf32, #tpu.memory_space<hbm>>)
      tpu.yield
    }) : () -> ()
    %mul3A_95 = arith.constant 10240 : i32
    %mul3A_96 = arith.muli %arg0, %mul3A_95 : i32
    %add3A_97 = arith.addi %mul3A_96, %multiple_of3A : i32
    %multiple_of3A_98 = tpu.assume_multiple %add3A_97, 640 : i32
    "tpu.region"() ({
      %run_scoped3A = tpu.sem_alloc : memref<!tpu.dma_semaphore, #tpu.memory_space<semaphore_mem>>
      %dma_start3A_99 = tpu.memref_slice %arg9[%multiple_of3A_98] : memref<20480xf32, #tpu.memory_space<hbm>> -> memref<640xf32, #tpu.memory_space<hbm>>
      %dma_start3A_100 = tpu.memref_slice %arg21[%multiple_of3A] : memref<10240xf32, #tpu.memory_space<vmem_shared>> -> memref<640xf32, #tpu.memory_space<vmem_shared>>
      tpu.enqueue_dma source(%dma_start3A_100 : memref<640xf32, #tpu.memory_space<vmem_shared>>) target(%dma_start3A_99 : memref<640xf32, #tpu.memory_space<hbm>>) target_semaphore(%run_scoped3A : memref<!tpu.dma_semaphore, #tpu.memory_space<semaphore_mem>>)
      %dma_wait3A = tpu.memref_slice %arg9[%multiple_of3A_98] : memref<20480xf32, #tpu.memory_space<hbm>> -> memref<640xf32, #tpu.memory_space<hbm>>
      %dma_wait3A_101 = tpu.memref_slice %arg21[%multiple_of3A] : memref<10240xf32, #tpu.memory_space<vmem_shared>> -> memref<640xf32, #tpu.memory_space<vmem_shared>>
      tpu.wait_dma2 semaphore(%run_scoped3A : memref<!tpu.dma_semaphore, #tpu.memory_space<semaphore_mem>>) src(%dma_wait3A_101 : memref<640xf32, #tpu.memory_space<vmem_shared>>) dst(%dma_wait3A : memref<640xf32, #tpu.memory_space<hbm>>)
      tpu.yield
    }) : () -> ()
    "tpu.region"() ({
      %run_scoped3A = tpu.sem_alloc : memref<!tpu.dma_semaphore, #tpu.memory_space<semaphore_mem>>
      %dma_start3A_99 = tpu.memref_slice %arg10[%multiple_of3A_98] : memref<20480xf32, #tpu.memory_space<hbm>> -> memref<640xf32, #tpu.memory_space<hbm>>
      %dma_start3A_100 = tpu.memref_slice %arg22[%multiple_of3A] : memref<10240xf32, #tpu.memory_space<vmem_shared>> -> memref<640xf32, #tpu.memory_space<vmem_shared>>
      tpu.enqueue_dma source(%dma_start3A_100 : memref<640xf32, #tpu.memory_space<vmem_shared>>) target(%dma_start3A_99 : memref<640xf32, #tpu.memory_space<hbm>>) target_semaphore(%run_scoped3A : memref<!tpu.dma_semaphore, #tpu.memory_space<semaphore_mem>>)
      %dma_wait3A = tpu.memref_slice %arg10[%multiple_of3A_98] : memref<20480xf32, #tpu.memory_space<hbm>> -> memref<640xf32, #tpu.memory_space<hbm>>
      %dma_wait3A_101 = tpu.memref_slice %arg22[%multiple_of3A] : memref<10240xf32, #tpu.memory_space<vmem_shared>> -> memref<640xf32, #tpu.memory_space<vmem_shared>>
      tpu.wait_dma2 semaphore(%run_scoped3A : memref<!tpu.dma_semaphore, #tpu.memory_space<semaphore_mem>>) src(%dma_wait3A_101 : memref<640xf32, #tpu.memory_space<vmem_shared>>) dst(%dma_wait3A : memref<640xf32, #tpu.memory_space<hbm>>)
      tpu.yield
    }) : () -> ()
    return
  }
}

#map = affine_map<(d0, d1) -> (0, 0)>
#map1 = affine_map<(d0, d1) -> (0)>
#map2 = affine_map<(d0, d1) -> (0, 0, 0)>
module attributes {stable_mosaic.version = 14 : i64} {
  func.func @body(%arg0: i32, %arg1: i32, %arg2: memref<2560x128xi32, #tpu.memory_space<hbm>>, %arg3: memref<2560x128xi32, #tpu.memory_space<hbm>>, %arg4: memref<10000x128xf32, #tpu.memory_space<hbm>>, %arg5: memref<10240xi32, #tpu.memory_space<hbm>>, %arg6: memref<1000x128xf32, #tpu.memory_space<hbm>>, %arg7: memref<1024xi32, #tpu.memory_space<hbm>>, %arg8: memref<2x10240x128xf32, #tpu.memory_space<hbm>>, %arg9: memref<40x128xi32, #tpu.memory_space<vmem>>, %arg10: memref<40x128xi32, #tpu.memory_space<vmem>>, %arg11: memref<128x128xf32, #tpu.memory_space<vmem>>, %arg12: memref<128x128xf32, #tpu.memory_space<vmem>>, %arg13: memref<10240x128xf32, #tpu.memory_space<vmem_shared>>, %arg14: memref<!tpu.dma_semaphore, #tpu.memory_space<semaphore_mem>>, %arg15: memref<!tpu.dma_semaphore, #tpu.memory_space<semaphore_mem>>) attributes {dimension_semantics = [#tpu.dimension_semantics<core_parallel>, #tpu.dimension_semantics<subcore_parallel>], iteration_bounds = array<i64: 2, 16>, scalar_prefetch = 0 : i64, scratch_operands = 7 : i64, tpu.core_type = #tpu.core_type<sc_vector_subcore>, window_params = [{transform_indices = #map}, {transform_indices = #map}, {transform_indices = #map}, {transform_indices = #map1}, {transform_indices = #map}, {transform_indices = #map1}, {transform_indices = #map2}]} {
    %mul3A = arith.constant 2 : i32
    %mul3A_0 = arith.muli %arg1, %mul3A : i32
    %add3A = arith.addi %mul3A_0, %arg0 : i32
    %scan3A = arith.constant 0 : i32
    %scan3A_1 = arith.constant 0 : i32
    %scan3A_2 = arith.constant 128 : i32
    %scan3A_3 = arith.addi %scan3A_1, %scan3A_2 : i32
    %scan3A_4 = arith.constant 1 : i32
    %scan3A_5 = scf.for %scan3A_58 = %scan3A_1 to %scan3A_3 step %scan3A_4 iter_args(%scan3A_59 = %scan3A) -> (i32)  : i32 {
      %broadcast_in_dim3A = arith.constant 0.000000e+00 : f32
      %broadcast_in_dim3A_60 = vector.broadcast %broadcast_in_dim3A : f32 to vector<16xf32>
      %swap3A = arith.index_cast %scan3A_58 : i32 to index
      %swap3A_61 = arith.constant 0 : index
      %swap3A_62 = tpu.vector_load %arg11[%swap3A, %swap3A_61] {strides = array<i32>} : memref<128x128xf32, #tpu.memory_space<vmem>>, vector<1x16xf32>,
      %swap3A_63 = vector.shape_cast %swap3A_62 : vector<1x16xf32> to vector<16xf32>
      %swap3A_64 = vector.shape_cast %broadcast_in_dim3A_60 : vector<16xf32> to vector<1x16xf32>
      tpu.vector_store %arg11[%swap3A, %swap3A_61], %swap3A_64 {strides = array<i32>} : memref<128x128xf32, #tpu.memory_space<vmem>>, vector<1x16xf32>,
      %broadcast_in_dim3A_65 = arith.constant 0.000000e+00 : f32
      %broadcast_in_dim3A_66 = vector.broadcast %broadcast_in_dim3A_65 : f32 to vector<16xf32>
      %swap3A_67 = arith.index_cast %scan3A_58 : i32 to index
      %swap3A_68 = arith.constant 16 : index
      %swap3A_69 = tpu.vector_load %arg11[%swap3A_67, %swap3A_68] {strides = array<i32>} : memref<128x128xf32, #tpu.memory_space<vmem>>, vector<1x16xf32>,
      %swap3A_70 = vector.shape_cast %swap3A_69 : vector<1x16xf32> to vector<16xf32>
      %swap3A_71 = vector.shape_cast %broadcast_in_dim3A_66 : vector<16xf32> to vector<1x16xf32>
      tpu.vector_store %arg11[%swap3A_67, %swap3A_68], %swap3A_71 {strides = array<i32>} : memref<128x128xf32, #tpu.memory_space<vmem>>, vector<1x16xf32>,
      %broadcast_in_dim3A_72 = arith.constant 0.000000e+00 : f32
      %broadcast_in_dim3A_73 = vector.broadcast %broadcast_in_dim3A_72 : f32 to vector<16xf32>
      %swap3A_74 = arith.index_cast %scan3A_58 : i32 to index
      %swap3A_75 = arith.constant 32 : index
      %swap3A_76 = tpu.vector_load %arg11[%swap3A_74, %swap3A_75] {strides = array<i32>} : memref<128x128xf32, #tpu.memory_space<vmem>>, vector<1x16xf32>,
      %swap3A_77 = vector.shape_cast %swap3A_76 : vector<1x16xf32> to vector<16xf32>
      %swap3A_78 = vector.shape_cast %broadcast_in_dim3A_73 : vector<16xf32> to vector<1x16xf32>
      tpu.vector_store %arg11[%swap3A_74, %swap3A_75], %swap3A_78 {strides = array<i32>} : memref<128x128xf32, #tpu.memory_space<vmem>>, vector<1x16xf32>,
      %broadcast_in_dim3A_79 = arith.constant 0.000000e+00 : f32
      %broadcast_in_dim3A_80 = vector.broadcast %broadcast_in_dim3A_79 : f32 to vector<16xf32>
      %swap3A_81 = arith.index_cast %scan3A_58 : i32 to index
      %swap3A_82 = arith.constant 48 : index
      %swap3A_83 = tpu.vector_load %arg11[%swap3A_81, %swap3A_82] {strides = array<i32>} : memref<128x128xf32, #tpu.memory_space<vmem>>, vector<1x16xf32>,
      %swap3A_84 = vector.shape_cast %swap3A_83 : vector<1x16xf32> to vector<16xf32>
      %swap3A_85 = vector.shape_cast %broadcast_in_dim3A_80 : vector<16xf32> to vector<1x16xf32>
      tpu.vector_store %arg11[%swap3A_81, %swap3A_82], %swap3A_85 {strides = array<i32>} : memref<128x128xf32, #tpu.memory_space<vmem>>, vector<1x16xf32>,
      %broadcast_in_dim3A_86 = arith.constant 0.000000e+00 : f32
      %broadcast_in_dim3A_87 = vector.broadcast %broadcast_in_dim3A_86 : f32 to vector<16xf32>
      %swap3A_88 = arith.index_cast %scan3A_58 : i32 to index
      %swap3A_89 = arith.constant 64 : index
      %swap3A_90 = tpu.vector_load %arg11[%swap3A_88, %swap3A_89] {strides = array<i32>} : memref<128x128xf32, #tpu.memory_space<vmem>>, vector<1x16xf32>,
      %swap3A_91 = vector.shape_cast %swap3A_90 : vector<1x16xf32> to vector<16xf32>
      %swap3A_92 = vector.shape_cast %broadcast_in_dim3A_87 : vector<16xf32> to vector<1x16xf32>
      tpu.vector_store %arg11[%swap3A_88, %swap3A_89], %swap3A_92 {strides = array<i32>} : memref<128x128xf32, #tpu.memory_space<vmem>>, vector<1x16xf32>,
      %broadcast_in_dim3A_93 = arith.constant 0.000000e+00 : f32
      %broadcast_in_dim3A_94 = vector.broadcast %broadcast_in_dim3A_93 : f32 to vector<16xf32>
      %swap3A_95 = arith.index_cast %scan3A_58 : i32 to index
      %swap3A_96 = arith.constant 80 : index
      %swap3A_97 = tpu.vector_load %arg11[%swap3A_95, %swap3A_96] {strides = array<i32>} : memref<128x128xf32, #tpu.memory_space<vmem>>, vector<1x16xf32>,
      %swap3A_98 = vector.shape_cast %swap3A_97 : vector<1x16xf32> to vector<16xf32>
      %swap3A_99 = vector.shape_cast %broadcast_in_dim3A_94 : vector<16xf32> to vector<1x16xf32>
      tpu.vector_store %arg11[%swap3A_95, %swap3A_96], %swap3A_99 {strides = array<i32>} : memref<128x128xf32, #tpu.memory_space<vmem>>, vector<1x16xf32>,
      %broadcast_in_dim3A_100 = arith.constant 0.000000e+00 : f32
      %broadcast_in_dim3A_101 = vector.broadcast %broadcast_in_dim3A_100 : f32 to vector<16xf32>
      %swap3A_102 = arith.index_cast %scan3A_58 : i32 to index
      %swap3A_103 = arith.constant 96 : index
      %swap3A_104 = tpu.vector_load %arg11[%swap3A_102, %swap3A_103] {strides = array<i32>} : memref<128x128xf32, #tpu.memory_space<vmem>>, vector<1x16xf32>,
      %swap3A_105 = vector.shape_cast %swap3A_104 : vector<1x16xf32> to vector<16xf32>
      %swap3A_106 = vector.shape_cast %broadcast_in_dim3A_101 : vector<16xf32> to vector<1x16xf32>
      tpu.vector_store %arg11[%swap3A_102, %swap3A_103], %swap3A_106 {strides = array<i32>} : memref<128x128xf32, #tpu.memory_space<vmem>>, vector<1x16xf32>,
      %broadcast_in_dim3A_107 = arith.constant 0.000000e+00 : f32
      %broadcast_in_dim3A_108 = vector.broadcast %broadcast_in_dim3A_107 : f32 to vector<16xf32>
      %swap3A_109 = arith.index_cast %scan3A_58 : i32 to index
      %swap3A_110 = arith.constant 112 : index
      %swap3A_111 = tpu.vector_load %arg11[%swap3A_109, %swap3A_110] {strides = array<i32>} : memref<128x128xf32, #tpu.memory_space<vmem>>, vector<1x16xf32>,
      %swap3A_112 = vector.shape_cast %swap3A_111 : vector<1x16xf32> to vector<16xf32>
      %swap3A_113 = vector.shape_cast %broadcast_in_dim3A_108 : vector<16xf32> to vector<1x16xf32>
      tpu.vector_store %arg11[%swap3A_109, %swap3A_110], %swap3A_113 {strides = array<i32>} : memref<128x128xf32, #tpu.memory_space<vmem>>, vector<1x16xf32>,
      %scan3A_114 = arith.constant 0 : i32
      scf.yield %scan3A_114 : i32
    }
    %scan3A_6 = arith.constant 128 : i32
    %mul3A_7 = arith.constant 640 : i32
    %mul3A_8 = arith.muli %arg1, %mul3A_7 : i32
    %multiple_of3A = tpu.assume_multiple %mul3A_8, 640 : i32
    %add3A_9 = arith.constant 0 : i32
    %add3A_10 = arith.addi %multiple_of3A, %add3A_9 : i32
    "tpu.region"() ({
      %run_scoped3A = tpu.sem_alloc : memref<!tpu.dma_semaphore, #tpu.memory_space<semaphore_mem>>
      %dma_start3A_58 = arith.constant 0 : i32
      %dma_start3A_59 = tpu.memref_slice %arg13[%add3A_10, %dma_start3A_58] : memref<10240x128xf32, #tpu.memory_space<vmem_shared>> -> memref<128x128xf32, #tpu.memory_space<vmem_shared>>
      %dma_start3A_60 = arith.constant 0 : i32
      %dma_start3A_61 = tpu.memref_slice %arg13[%add3A_10, %dma_start3A_60] : memref<10240x128xf32, #tpu.memory_space<vmem_shared>> -> memref<128x128xf32, #tpu.memory_space<vmem_shared>>
      tpu.enqueue_dma source(%arg11 : memref<128x128xf32, #tpu.memory_space<vmem>>) target(%dma_start3A_61 : memref<128x128xf32, #tpu.memory_space<vmem_shared>>) target_semaphore(%run_scoped3A : memref<!tpu.dma_semaphore, #tpu.memory_space<semaphore_mem>>)
      %dma_wait3A = arith.constant 0 : i32
      %dma_wait3A_62 = tpu.memref_slice %arg13[%add3A_10, %dma_wait3A] : memref<10240x128xf32, #tpu.memory_space<vmem_shared>> -> memref<128x128xf32, #tpu.memory_space<vmem_shared>>
      %dma_wait3A_63 = arith.constant 0 : i32
      %dma_wait3A_64 = tpu.memref_slice %arg13[%add3A_10, %dma_wait3A_63] : memref<10240x128xf32, #tpu.memory_space<vmem_shared>> -> memref<128x128xf32, #tpu.memory_space<vmem_shared>>
      tpu.wait_dma2 semaphore(%run_scoped3A : memref<!tpu.dma_semaphore, #tpu.memory_space<semaphore_mem>>) src(%arg11 : memref<128x128xf32, #tpu.memory_space<vmem>>) dst(%dma_wait3A_64 : memref<128x128xf32, #tpu.memory_space<vmem_shared>>)
      tpu.yield
    }) : () -> ()
    %add3A_11 = arith.constant 128 : i32
    %add3A_12 = arith.addi %multiple_of3A, %add3A_11 : i32
    "tpu.region"() ({
      %run_scoped3A = tpu.sem_alloc : memref<!tpu.dma_semaphore, #tpu.memory_space<semaphore_mem>>
      %dma_start3A_58 = arith.constant 0 : i32
      %dma_start3A_59 = tpu.memref_slice %arg13[%add3A_12, %dma_start3A_58] : memref<10240x128xf32, #tpu.memory_space<vmem_shared>> -> memref<128x128xf32, #tpu.memory_space<vmem_shared>>
      %dma_start3A_60 = arith.constant 0 : i32
      %dma_start3A_61 = tpu.memref_slice %arg13[%add3A_12, %dma_start3A_60] : memref<10240x128xf32, #tpu.memory_space<vmem_shared>> -> memref<128x128xf32, #tpu.memory_space<vmem_shared>>
      tpu.enqueue_dma source(%arg11 : memref<128x128xf32, #tpu.memory_space<vmem>>) target(%dma_start3A_61 : memref<128x128xf32, #tpu.memory_space<vmem_shared>>) target_semaphore(%run_scoped3A : memref<!tpu.dma_semaphore, #tpu.memory_space<semaphore_mem>>)
      %dma_wait3A = arith.constant 0 : i32
      %dma_wait3A_62 = tpu.memref_slice %arg13[%add3A_12, %dma_wait3A] : memref<10240x128xf32, #tpu.memory_space<vmem_shared>> -> memref<128x128xf32, #tpu.memory_space<vmem_shared>>
      %dma_wait3A_63 = arith.constant 0 : i32
      %dma_wait3A_64 = tpu.memref_slice %arg13[%add3A_12, %dma_wait3A_63] : memref<10240x128xf32, #tpu.memory_space<vmem_shared>> -> memref<128x128xf32, #tpu.memory_space<vmem_shared>>
      tpu.wait_dma2 semaphore(%run_scoped3A : memref<!tpu.dma_semaphore, #tpu.memory_space<semaphore_mem>>) src(%arg11 : memref<128x128xf32, #tpu.memory_space<vmem>>) dst(%dma_wait3A_64 : memref<128x128xf32, #tpu.memory_space<vmem_shared>>)
      tpu.yield
    }) : () -> ()
    %add3A_13 = arith.constant 256 : i32
    %add3A_14 = arith.addi %multiple_of3A, %add3A_13 : i32
    "tpu.region"() ({
      %run_scoped3A = tpu.sem_alloc : memref<!tpu.dma_semaphore, #tpu.memory_space<semaphore_mem>>
      %dma_start3A_58 = arith.constant 0 : i32
      %dma_start3A_59 = tpu.memref_slice %arg13[%add3A_14, %dma_start3A_58] : memref<10240x128xf32, #tpu.memory_space<vmem_shared>> -> memref<128x128xf32, #tpu.memory_space<vmem_shared>>
      %dma_start3A_60 = arith.constant 0 : i32
      %dma_start3A_61 = tpu.memref_slice %arg13[%add3A_14, %dma_start3A_60] : memref<10240x128xf32, #tpu.memory_space<vmem_shared>> -> memref<128x128xf32, #tpu.memory_space<vmem_shared>>
      tpu.enqueue_dma source(%arg11 : memref<128x128xf32, #tpu.memory_space<vmem>>) target(%dma_start3A_61 : memref<128x128xf32, #tpu.memory_space<vmem_shared>>) target_semaphore(%run_scoped3A : memref<!tpu.dma_semaphore, #tpu.memory_space<semaphore_mem>>)
      %dma_wait3A = arith.constant 0 : i32
      %dma_wait3A_62 = tpu.memref_slice %arg13[%add3A_14, %dma_wait3A] : memref<10240x128xf32, #tpu.memory_space<vmem_shared>> -> memref<128x128xf32, #tpu.memory_space<vmem_shared>>
      %dma_wait3A_63 = arith.constant 0 : i32
      %dma_wait3A_64 = tpu.memref_slice %arg13[%add3A_14, %dma_wait3A_63] : memref<10240x128xf32, #tpu.memory_space<vmem_shared>> -> memref<128x128xf32, #tpu.memory_space<vmem_shared>>
      tpu.wait_dma2 semaphore(%run_scoped3A : memref<!tpu.dma_semaphore, #tpu.memory_space<semaphore_mem>>) src(%arg11 : memref<128x128xf32, #tpu.memory_space<vmem>>) dst(%dma_wait3A_64 : memref<128x128xf32, #tpu.memory_space<vmem_shared>>)
      tpu.yield
    }) : () -> ()
    %add3A_15 = arith.constant 384 : i32
    %add3A_16 = arith.addi %multiple_of3A, %add3A_15 : i32
    "tpu.region"() ({
      %run_scoped3A = tpu.sem_alloc : memref<!tpu.dma_semaphore, #tpu.memory_space<semaphore_mem>>
      %dma_start3A_58 = arith.constant 0 : i32
      %dma_start3A_59 = tpu.memref_slice %arg13[%add3A_16, %dma_start3A_58] : memref<10240x128xf32, #tpu.memory_space<vmem_shared>> -> memref<128x128xf32, #tpu.memory_space<vmem_shared>>
      %dma_start3A_60 = arith.constant 0 : i32
      %dma_start3A_61 = tpu.memref_slice %arg13[%add3A_16, %dma_start3A_60] : memref<10240x128xf32, #tpu.memory_space<vmem_shared>> -> memref<128x128xf32, #tpu.memory_space<vmem_shared>>
      tpu.enqueue_dma source(%arg11 : memref<128x128xf32, #tpu.memory_space<vmem>>) target(%dma_start3A_61 : memref<128x128xf32, #tpu.memory_space<vmem_shared>>) target_semaphore(%run_scoped3A : memref<!tpu.dma_semaphore, #tpu.memory_space<semaphore_mem>>)
      %dma_wait3A = arith.constant 0 : i32
      %dma_wait3A_62 = tpu.memref_slice %arg13[%add3A_16, %dma_wait3A] : memref<10240x128xf32, #tpu.memory_space<vmem_shared>> -> memref<128x128xf32, #tpu.memory_space<vmem_shared>>
      %dma_wait3A_63 = arith.constant 0 : i32
      %dma_wait3A_64 = tpu.memref_slice %arg13[%add3A_16, %dma_wait3A_63] : memref<10240x128xf32, #tpu.memory_space<vmem_shared>> -> memref<128x128xf32, #tpu.memory_space<vmem_shared>>
      tpu.wait_dma2 semaphore(%run_scoped3A : memref<!tpu.dma_semaphore, #tpu.memory_space<semaphore_mem>>) src(%arg11 : memref<128x128xf32, #tpu.memory_space<vmem>>) dst(%dma_wait3A_64 : memref<128x128xf32, #tpu.memory_space<vmem_shared>>)
      tpu.yield
    }) : () -> ()
    %add3A_17 = arith.constant 512 : i32
    %add3A_18 = arith.addi %multiple_of3A, %add3A_17 : i32
    "tpu.region"() ({
      %run_scoped3A = tpu.sem_alloc : memref<!tpu.dma_semaphore, #tpu.memory_space<semaphore_mem>>
      %dma_start3A_58 = arith.constant 0 : i32
      %dma_start3A_59 = tpu.memref_slice %arg13[%add3A_18, %dma_start3A_58] : memref<10240x128xf32, #tpu.memory_space<vmem_shared>> -> memref<128x128xf32, #tpu.memory_space<vmem_shared>>
      %dma_start3A_60 = arith.constant 0 : i32
      %dma_start3A_61 = tpu.memref_slice %arg13[%add3A_18, %dma_start3A_60] : memref<10240x128xf32, #tpu.memory_space<vmem_shared>> -> memref<128x128xf32, #tpu.memory_space<vmem_shared>>
      tpu.enqueue_dma source(%arg11 : memref<128x128xf32, #tpu.memory_space<vmem>>) target(%dma_start3A_61 : memref<128x128xf32, #tpu.memory_space<vmem_shared>>) target_semaphore(%run_scoped3A : memref<!tpu.dma_semaphore, #tpu.memory_space<semaphore_mem>>)
      %dma_wait3A = arith.constant 0 : i32
      %dma_wait3A_62 = tpu.memref_slice %arg13[%add3A_18, %dma_wait3A] : memref<10240x128xf32, #tpu.memory_space<vmem_shared>> -> memref<128x128xf32, #tpu.memory_space<vmem_shared>>
      %dma_wait3A_63 = arith.constant 0 : i32
      %dma_wait3A_64 = tpu.memref_slice %arg13[%add3A_18, %dma_wait3A_63] : memref<10240x128xf32, #tpu.memory_space<vmem_shared>> -> memref<128x128xf32, #tpu.memory_space<vmem_shared>>
      tpu.wait_dma2 semaphore(%run_scoped3A : memref<!tpu.dma_semaphore, #tpu.memory_space<semaphore_mem>>) src(%arg11 : memref<128x128xf32, #tpu.memory_space<vmem>>) dst(%dma_wait3A_64 : memref<128x128xf32, #tpu.memory_space<vmem_shared>>)
      tpu.yield
    }) : () -> ()
    %barrier3A = arith.constant 0 : index
    tpu.barrier barrier_id(%barrier3A)
    %mul3A_19 = arith.constant 80 : i32
    %mul3A_20 = arith.muli %add3A, %mul3A_19 : i32
    %multiple_of3A_21 = tpu.assume_multiple %mul3A_20, 80 : i32
    %add3A_22 = arith.constant 0 : i32
    %add3A_23 = arith.addi %multiple_of3A_21, %add3A_22 : i32
    %multiple_of3A_24 = tpu.assume_multiple %add3A_23, 8 : i32
    "tpu.region"() ({
      %run_scoped3A = tpu.sem_alloc : memref<!tpu.dma_semaphore, #tpu.memory_space<semaphore_mem>>
      %dma_start3A_58 = arith.constant 0 : i32
      %dma_start3A_59 = tpu.memref_slice %arg2[%multiple_of3A_24, %dma_start3A_58] : memref<2560x128xi32, #tpu.memory_space<hbm>> -> memref<40x128xi32, #tpu.memory_space<hbm>>
      %dma_start3A_60 = arith.constant 0 : i32
      %dma_start3A_61 = tpu.memref_slice %arg2[%multiple_of3A_24, %dma_start3A_60] : memref<2560x128xi32, #tpu.memory_space<hbm>> -> memref<40x128xi32, #tpu.memory_space<hbm>>
      tpu.enqueue_dma source(%dma_start3A_61 : memref<40x128xi32, #tpu.memory_space<hbm>>) target(%arg9 : memref<40x128xi32, #tpu.memory_space<vmem>>) target_semaphore(%run_scoped3A : memref<!tpu.dma_semaphore, #tpu.memory_space<semaphore_mem>>)
      %dma_wait3A = arith.constant 0 : i32
      %dma_wait3A_62 = tpu.memref_slice %arg2[%multiple_of3A_24, %dma_wait3A] : memref<2560x128xi32, #tpu.memory_space<hbm>> -> memref<40x128xi32, #tpu.memory_space<hbm>>
      %dma_wait3A_63 = arith.constant 0 : i32
      %dma_wait3A_64 = tpu.memref_slice %arg2[%multiple_of3A_24, %dma_wait3A_63] : memref<2560x128xi32, #tpu.memory_space<hbm>> -> memref<40x128xi32, #tpu.memory_space<hbm>>
      tpu.wait_dma2 semaphore(%run_scoped3A : memref<!tpu.dma_semaphore, #tpu.memory_space<semaphore_mem>>) src(%dma_wait3A_64 : memref<40x128xi32, #tpu.memory_space<hbm>>) dst(%arg9 : memref<40x128xi32, #tpu.memory_space<vmem>>)
      tpu.yield
    }) : () -> ()
    "tpu.region"() ({
      %run_scoped3A = tpu.sem_alloc : memref<!tpu.dma_semaphore, #tpu.memory_space<semaphore_mem>>
      %dma_start3A_58 = arith.constant 0 : i32
      %dma_start3A_59 = tpu.memref_slice %arg3[%multiple_of3A_24, %dma_start3A_58] : memref<2560x128xi32, #tpu.memory_space<hbm>> -> memref<40x128xi32, #tpu.memory_space<hbm>>
      %dma_start3A_60 = arith.constant 0 : i32
      %dma_start3A_61 = tpu.memref_slice %arg3[%multiple_of3A_24, %dma_start3A_60] : memref<2560x128xi32, #tpu.memory_space<hbm>> -> memref<40x128xi32, #tpu.memory_space<hbm>>
      tpu.enqueue_dma source(%dma_start3A_61 : memref<40x128xi32, #tpu.memory_space<hbm>>) target(%arg10 : memref<40x128xi32, #tpu.memory_space<vmem>>) target_semaphore(%run_scoped3A : memref<!tpu.dma_semaphore, #tpu.memory_space<semaphore_mem>>)
      %dma_wait3A = arith.constant 0 : i32
      %dma_wait3A_62 = tpu.memref_slice %arg3[%multiple_of3A_24, %dma_wait3A] : memref<2560x128xi32, #tpu.memory_space<hbm>> -> memref<40x128xi32, #tpu.memory_space<hbm>>
      %dma_wait3A_63 = arith.constant 0 : i32
      %dma_wait3A_64 = tpu.memref_slice %arg3[%multiple_of3A_24, %dma_wait3A_63] : memref<2560x128xi32, #tpu.memory_space<hbm>> -> memref<40x128xi32, #tpu.memory_space<hbm>>
      tpu.wait_dma2 semaphore(%run_scoped3A : memref<!tpu.dma_semaphore, #tpu.memory_space<semaphore_mem>>) src(%dma_wait3A_64 : memref<40x128xi32, #tpu.memory_space<hbm>>) dst(%arg10 : memref<40x128xi32, #tpu.memory_space<vmem>>)
      tpu.yield
    }) : () -> ()
    %dma_start3A = arith.constant 0 : i32
    %dma_start3A_25 = arith.constant 0 : i32
    %dma_start3A_26 = tpu.memref_slice %arg9[%dma_start3A, %dma_start3A_25] : memref<40x128xi32, #tpu.memory_space<vmem>> -> memref<1x128xi32, #tpu.memory_space<vmem>>
    %dma_start3A_27 = tpu.memref_squeeze %dma_start3A_26 : memref<1x128xi32, #tpu.memory_space<vmem>> -> memref<128xi32, #tpu.memory_space<vmem>>
    %dma_start3A_28 = arith.constant 0 : i32
    %dma_start3A_29 = arith.constant 0 : i32
    %dma_start3A_30 = tpu.memref_slice %arg4[%dma_start3A_28, %dma_start3A_29] : memref<10000x128xf32, #tpu.memory_space<hbm>> -> memref<10000x128xf32, #tpu.memory_space<hbm>>
    tpu.enqueue_indirect_dma source(%dma_start3A_30 : memref<10000x128xf32, #tpu.memory_space<hbm>>) target(%arg11 : memref<128x128xf32, #tpu.memory_space<vmem>>) offsets(%dma_start3A_27 : memref<128xi32, #tpu.memory_space<vmem>>) semaphore(%arg14 : memref<!tpu.dma_semaphore, #tpu.memory_space<semaphore_mem>>)
    %scan3A_31 = arith.constant 0 : i32
    %scan3A_32 = arith.constant 0 : i32
    %scan3A_33 = arith.constant 0 : i32
    %scan3A_34 = arith.constant 20 : i32
    %scan3A_35 = arith.addi %scan3A_33, %scan3A_34 : i32
    %scan3A_36 = arith.constant 1 : i32
    %scan3A_37 = scf.for %scan3A_58 = %scan3A_33 to %scan3A_35 step %scan3A_36 iter_args(%scan3A_59 = %scan3A_32) -> (i32)  : i32 {
      %mul3A_60 = arith.constant 2 : i32
      %mul3A_61 = arith.muli %mul3A_60, %scan3A_58 : i32
      %add3A_62 = arith.constant 1 : i32
      %add3A_63 = arith.addi %mul3A_61, %add3A_62 : i32
      %dma_start3A_64 = arith.constant 0 : i32
      %dma_start3A_65 = tpu.memref_slice %arg9[%add3A_63, %dma_start3A_64] : memref<40x128xi32, #tpu.memory_space<vmem>> -> memref<1x128xi32, #tpu.memory_space<vmem>>
      %dma_start3A_66 = tpu.memref_squeeze %dma_start3A_65 : memref<1x128xi32, #tpu.memory_space<vmem>> -> memref<128xi32, #tpu.memory_space<vmem>>
      %dma_start3A_67 = arith.constant 0 : i32
      %dma_start3A_68 = arith.constant 0 : i32
      %dma_start3A_69 = tpu.memref_slice %arg4[%dma_start3A_67, %dma_start3A_68] : memref<10000x128xf32, #tpu.memory_space<hbm>> -> memref<10000x128xf32, #tpu.memory_space<hbm>>
      tpu.enqueue_indirect_dma source(%dma_start3A_69 : memref<10000x128xf32, #tpu.memory_space<hbm>>) target(%arg12 : memref<128x128xf32, #tpu.memory_space<vmem>>) offsets(%dma_start3A_66 : memref<128xi32, #tpu.memory_space<vmem>>) semaphore(%arg15 : memref<!tpu.dma_semaphore, #tpu.memory_space<semaphore_mem>>)
      %dma_wait3A = arith.constant 0 : i32
      %dma_wait3A_70 = tpu.memref_slice %arg9[%scan3A_31, %dma_wait3A] : memref<40x128xi32, #tpu.memory_space<vmem>> -> memref<1x128xi32, #tpu.memory_space<vmem>>
      %dma_wait3A_71 = tpu.memref_squeeze %dma_wait3A_70 : memref<1x128xi32, #tpu.memory_space<vmem>> -> memref<128xi32, #tpu.memory_space<vmem>>
      %dma_wait3A_72 = arith.constant 0 : i32
      %dma_wait3A_73 = arith.constant 0 : i32
      %dma_wait3A_74 = tpu.memref_slice %arg4[%dma_wait3A_72, %dma_wait3A_73] : memref<10000x128xf32, #tpu.memory_space<hbm>> -> memref<10000x128xf32, #tpu.memory_space<hbm>>
      tpu.wait_indirect_dma semaphore(%arg14 : memref<!tpu.dma_semaphore, #tpu.memory_space<semaphore_mem>>) src(%dma_wait3A_74 : memref<10000x128xf32, #tpu.memory_space<hbm>>) dst(%arg11 : memref<128x128xf32, #tpu.memory_space<vmem>>)
      "tpu.region"() ({
        %run_scoped3A = tpu.sem_alloc : memref<!tpu.dma_semaphore, #tpu.memory_space<semaphore_mem>>
        %dma_start3A_90 = arith.constant 0 : i32
        %dma_start3A_91 = tpu.memref_slice %arg10[%mul3A_61, %dma_start3A_90] : memref<40x128xi32, #tpu.memory_space<vmem>> -> memref<1x128xi32, #tpu.memory_space<vmem>>
        %dma_start3A_92 = tpu.memref_squeeze %dma_start3A_91 : memref<1x128xi32, #tpu.memory_space<vmem>> -> memref<128xi32, #tpu.memory_space<vmem>>
        %dma_start3A_93 = arith.constant 0 : i32
        %dma_start3A_94 = arith.constant 0 : i32
        %dma_start3A_95 = tpu.memref_slice %arg13[%dma_start3A_93, %dma_start3A_94] : memref<10240x128xf32, #tpu.memory_space<vmem_shared>> -> memref<10240x128xf32, #tpu.memory_space<vmem_shared>>
        tpu.enqueue_indirect_dma source(%arg11 : memref<128x128xf32, #tpu.memory_space<vmem>>) target(%dma_start3A_95 : memref<10240x128xf32, #tpu.memory_space<vmem_shared>>) offsets(%dma_start3A_92 : memref<128xi32, #tpu.memory_space<vmem>>) semaphore(%run_scoped3A : memref<!tpu.dma_semaphore, #tpu.memory_space<semaphore_mem>>) {add = true}
        %dma_wait3A_96 = arith.constant 0 : i32
        %dma_wait3A_97 = tpu.memref_slice %arg10[%mul3A_61, %dma_wait3A_96] : memref<40x128xi32, #tpu.memory_space<vmem>> -> memref<1x128xi32, #tpu.memory_space<vmem>>
        %dma_wait3A_98 = tpu.memref_squeeze %dma_wait3A_97 : memref<1x128xi32, #tpu.memory_space<vmem>> -> memref<128xi32, #tpu.memory_space<vmem>>
        %dma_wait3A_99 = arith.constant 0 : i32
        %dma_wait3A_100 = arith.constant 0 : i32
        %dma_wait3A_101 = tpu.memref_slice %arg13[%dma_wait3A_99, %dma_wait3A_100] : memref<10240x128xf32, #tpu.memory_space<vmem_shared>> -> memref<10240x128xf32, #tpu.memory_space<vmem_shared>>
        tpu.wait_indirect_dma semaphore(%run_scoped3A : memref<!tpu.dma_semaphore, #tpu.memory_space<semaphore_mem>>) src(%arg11 : memref<128x128xf32, #tpu.memory_space<vmem>>) dst(%dma_wait3A_101 : memref<10240x128xf32, #tpu.memory_space<vmem_shared>>)
        tpu.yield
      }) : () -> ()
      %add3A_75 = arith.constant 2 : i32
      %add3A_76 = arith.addi %mul3A_61, %add3A_75 : i32
      %lt3A = arith.constant 40 : i32
      %lt3A_77 = arith.cmpi slt, %add3A_76, %lt3A : i32
      %convert_element_type3A = arith.extui %lt3A_77 : i1 to i32
      %cond3A = arith.constant 0 : i32
      %cond3A_78 = arith.cmpi ne, %convert_element_type3A, %cond3A : i32
      scf.if %cond3A_78 {
        %add3A_90 = arith.constant 2 : i32
        %add3A_91 = arith.addi %mul3A_61, %add3A_90 : i32
        %dma_start3A_92 = arith.constant 0 : i32
        %dma_start3A_93 = tpu.memref_slice %arg9[%add3A_91, %dma_start3A_92] : memref<40x128xi32, #tpu.memory_space<vmem>> -> memref<1x128xi32, #tpu.memory_space<vmem>>
        %dma_start3A_94 = tpu.memref_squeeze %dma_start3A_93 : memref<1x128xi32, #tpu.memory_space<vmem>> -> memref<128xi32, #tpu.memory_space<vmem>>
        %dma_start3A_95 = arith.constant 0 : i32
        %dma_start3A_96 = arith.constant 0 : i32
        %dma_start3A_97 = tpu.memref_slice %arg4[%dma_start3A_95, %dma_start3A_96] : memref<10000x128xf32, #tpu.memory_space<hbm>> -> memref<10000x128xf32, #tpu.memory_space<hbm>>
        tpu.enqueue_indirect_dma source(%dma_start3A_97 : memref<10000x128xf32, #tpu.memory_space<hbm>>) target(%arg11 : memref<128x128xf32, #tpu.memory_space<vmem>>) offsets(%dma_start3A_94 : memref<128xi32, #tpu.memory_space<vmem>>) semaphore(%arg14 : memref<!tpu.dma_semaphore, #tpu.memory_space<semaphore_mem>>)
      } else {
      }
      %add3A_79 = arith.constant 1 : i32
      %add3A_80 = arith.addi %mul3A_61, %add3A_79 : i32
      %dma_wait3A_81 = arith.constant 0 : i32
      %dma_wait3A_82 = tpu.memref_slice %arg9[%add3A_80, %dma_wait3A_81] : memref<40x128xi32, #tpu.memory_space<vmem>> -> memref<1x128xi32, #tpu.memory_space<vmem>>
      %dma_wait3A_83 = tpu.memref_squeeze %dma_wait3A_82 : memref<1x128xi32, #tpu.memory_space<vmem>> -> memref<128xi32, #tpu.memory_space<vmem>>
      %dma_wait3A_84 = arith.constant 0 : i32
      %dma_wait3A_85 = arith.constant 0 : i32
      %dma_wait3A_86 = tpu.memref_slice %arg4[%dma_wait3A_84, %dma_wait3A_85] : memref<10000x128xf32, #tpu.memory_space<hbm>> -> memref<10000x128xf32, #tpu.memory_space<hbm>>
      tpu.wait_indirect_dma semaphore(%arg15 : memref<!tpu.dma_semaphore, #tpu.memory_space<semaphore_mem>>) src(%dma_wait3A_86 : memref<10000x128xf32, #tpu.memory_space<hbm>>) dst(%arg12 : memref<128x128xf32, #tpu.memory_space<vmem>>)
      %add3A_87 = arith.constant 1 : i32
      %add3A_88 = arith.addi %mul3A_61, %add3A_87 : i32
      "tpu.region"() ({
        %run_scoped3A = tpu.sem_alloc : memref<!tpu.dma_semaphore, #tpu.memory_space<semaphore_mem>>
        %dma_start3A_90 = arith.constant 0 : i32
        %dma_start3A_91 = tpu.memref_slice %arg10[%add3A_88, %dma_start3A_90] : memref<40x128xi32, #tpu.memory_space<vmem>> -> memref<1x128xi32, #tpu.memory_space<vmem>>
        %dma_start3A_92 = tpu.memref_squeeze %dma_start3A_91 : memref<1x128xi32, #tpu.memory_space<vmem>> -> memref<128xi32, #tpu.memory_space<vmem>>
        %dma_start3A_93 = arith.constant 0 : i32
        %dma_start3A_94 = arith.constant 0 : i32
        %dma_start3A_95 = tpu.memref_slice %arg13[%dma_start3A_93, %dma_start3A_94] : memref<10240x128xf32, #tpu.memory_space<vmem_shared>> -> memref<10240x128xf32, #tpu.memory_space<vmem_shared>>
        tpu.enqueue_indirect_dma source(%arg12 : memref<128x128xf32, #tpu.memory_space<vmem>>) target(%dma_start3A_95 : memref<10240x128xf32, #tpu.memory_space<vmem_shared>>) offsets(%dma_start3A_92 : memref<128xi32, #tpu.memory_space<vmem>>) semaphore(%run_scoped3A : memref<!tpu.dma_semaphore, #tpu.memory_space<semaphore_mem>>) {add = true}
        %dma_wait3A_96 = arith.constant 0 : i32
        %dma_wait3A_97 = tpu.memref_slice %arg10[%add3A_88, %dma_wait3A_96] : memref<40x128xi32, #tpu.memory_space<vmem>> -> memref<1x128xi32, #tpu.memory_space<vmem>>
        %dma_wait3A_98 = tpu.memref_squeeze %dma_wait3A_97 : memref<1x128xi32, #tpu.memory_space<vmem>> -> memref<128xi32, #tpu.memory_space<vmem>>
        %dma_wait3A_99 = arith.constant 0 : i32
        %dma_wait3A_100 = arith.constant 0 : i32
        %dma_wait3A_101 = tpu.memref_slice %arg13[%dma_wait3A_99, %dma_wait3A_100] : memref<10240x128xf32, #tpu.memory_space<vmem_shared>> -> memref<10240x128xf32, #tpu.memory_space<vmem_shared>>
        tpu.wait_indirect_dma semaphore(%run_scoped3A : memref<!tpu.dma_semaphore, #tpu.memory_space<semaphore_mem>>) src(%arg12 : memref<128x128xf32, #tpu.memory_space<vmem>>) dst(%dma_wait3A_101 : memref<10240x128xf32, #tpu.memory_space<vmem_shared>>)
        tpu.yield
      }) : () -> ()
      %scan3A_89 = arith.constant 0 : i32
      scf.yield %scan3A_89 : i32
    }
    %scan3A_38 = arith.constant 20 : i32
    %add3A_39 = arith.constant 40 : i32
    %add3A_40 = arith.addi %multiple_of3A_21, %add3A_39 : i32
    %multiple_of3A_41 = tpu.assume_multiple %add3A_40, 8 : i32
    "tpu.region"() ({
      %run_scoped3A = tpu.sem_alloc : memref<!tpu.dma_semaphore, #tpu.memory_space<semaphore_mem>>
      %dma_start3A_58 = arith.constant 0 : i32
      %dma_start3A_59 = tpu.memref_slice %arg2[%multiple_of3A_41, %dma_start3A_58] : memref<2560x128xi32, #tpu.memory_space<hbm>> -> memref<40x128xi32, #tpu.memory_space<hbm>>
      %dma_start3A_60 = arith.constant 0 : i32
      %dma_start3A_61 = tpu.memref_slice %arg2[%multiple_of3A_41, %dma_start3A_60] : memref<2560x128xi32, #tpu.memory_space<hbm>> -> memref<40x128xi32, #tpu.memory_space<hbm>>
      tpu.enqueue_dma source(%dma_start3A_61 : memref<40x128xi32, #tpu.memory_space<hbm>>) target(%arg9 : memref<40x128xi32, #tpu.memory_space<vmem>>) target_semaphore(%run_scoped3A : memref<!tpu.dma_semaphore, #tpu.memory_space<semaphore_mem>>)
      %dma_wait3A = arith.constant 0 : i32
      %dma_wait3A_62 = tpu.memref_slice %arg2[%multiple_of3A_41, %dma_wait3A] : memref<2560x128xi32, #tpu.memory_space<hbm>> -> memref<40x128xi32, #tpu.memory_space<hbm>>
      %dma_wait3A_63 = arith.constant 0 : i32
      %dma_wait3A_64 = tpu.memref_slice %arg2[%multiple_of3A_41, %dma_wait3A_63] : memref<2560x128xi32, #tpu.memory_space<hbm>> -> memref<40x128xi32, #tpu.memory_space<hbm>>
      tpu.wait_dma2 semaphore(%run_scoped3A : memref<!tpu.dma_semaphore, #tpu.memory_space<semaphore_mem>>) src(%dma_wait3A_64 : memref<40x128xi32, #tpu.memory_space<hbm>>) dst(%arg9 : memref<40x128xi32, #tpu.memory_space<vmem>>)
      tpu.yield
    }) : () -> ()
    "tpu.region"() ({
      %run_scoped3A = tpu.sem_alloc : memref<!tpu.dma_semaphore, #tpu.memory_space<semaphore_mem>>
      %dma_start3A_58 = arith.constant 0 : i32
      %dma_start3A_59 = tpu.memref_slice %arg3[%multiple_of3A_41, %dma_start3A_58] : memref<2560x128xi32, #tpu.memory_space<hbm>> -> memref<40x128xi32, #tpu.memory_space<hbm>>
      %dma_start3A_60 = arith.constant 0 : i32
      %dma_start3A_61 = tpu.memref_slice %arg3[%multiple_of3A_41, %dma_start3A_60] : memref<2560x128xi32, #tpu.memory_space<hbm>> -> memref<40x128xi32, #tpu.memory_space<hbm>>
      tpu.enqueue_dma source(%dma_start3A_61 : memref<40x128xi32, #tpu.memory_space<hbm>>) target(%arg10 : memref<40x128xi32, #tpu.memory_space<vmem>>) target_semaphore(%run_scoped3A : memref<!tpu.dma_semaphore, #tpu.memory_space<semaphore_mem>>)
      %dma_wait3A = arith.constant 0 : i32
      %dma_wait3A_62 = tpu.memref_slice %arg3[%multiple_of3A_41, %dma_wait3A] : memref<2560x128xi32, #tpu.memory_space<hbm>> -> memref<40x128xi32, #tpu.memory_space<hbm>>
      %dma_wait3A_63 = arith.constant 0 : i32
      %dma_wait3A_64 = tpu.memref_slice %arg3[%multiple_of3A_41, %dma_wait3A_63] : memref<2560x128xi32, #tpu.memory_space<hbm>> -> memref<40x128xi32, #tpu.memory_space<hbm>>
      tpu.wait_dma2 semaphore(%run_scoped3A : memref<!tpu.dma_semaphore, #tpu.memory_space<semaphore_mem>>) src(%dma_wait3A_64 : memref<40x128xi32, #tpu.memory_space<hbm>>) dst(%arg10 : memref<40x128xi32, #tpu.memory_space<vmem>>)
      tpu.yield
    }) : () -> ()
    %dma_start3A_42 = arith.constant 0 : i32
    %dma_start3A_43 = arith.constant 0 : i32
    %dma_start3A_44 = tpu.memref_slice %arg9[%dma_start3A_42, %dma_start3A_43] : memref<40x128xi32, #tpu.memory_space<vmem>> -> memref<1x128xi32, #tpu.memory_space<vmem>>
    %dma_start3A_45 = tpu.memref_squeeze %dma_start3A_44 : memref<1x128xi32, #tpu.memory_space<vmem>> -> memref<128xi32, #tpu.memory_space<vmem>>
    %dma_start3A_46 = arith.constant 0 : i32
    %dma_start3A_47 = arith.constant 0 : i32
    %dma_start3A_48 = tpu.memref_slice %arg4[%dma_start3A_46, %dma_start3A_47] : memref<10000x128xf32, #tpu.memory_space<hbm>> -> memref<10000x128xf32, #tpu.memory_space<hbm>>
    tpu.enqueue_indirect_dma source(%dma_start3A_48 : memref<10000x128xf32, #tpu.memory_space<hbm>>) target(%arg11 : memref<128x128xf32, #tpu.memory_space<vmem>>) offsets(%dma_start3A_45 : memref<128xi32, #tpu.memory_space<vmem>>) semaphore(%arg14 : memref<!tpu.dma_semaphore, #tpu.memory_space<semaphore_mem>>)
    %scan3A_49 = arith.constant 0 : i32
    %scan3A_50 = arith.constant 0 : i32
    %scan3A_51 = arith.constant 0 : i32
    %scan3A_52 = arith.constant 20 : i32
    %scan3A_53 = arith.addi %scan3A_51, %scan3A_52 : i32
    %scan3A_54 = arith.constant 1 : i32
    %scan3A_55 = scf.for %scan3A_58 = %scan3A_51 to %scan3A_53 step %scan3A_54 iter_args(%scan3A_59 = %scan3A_50) -> (i32)  : i32 {
      %mul3A_60 = arith.constant 2 : i32
      %mul3A_61 = arith.muli %mul3A_60, %scan3A_58 : i32
      %add3A_62 = arith.constant 1 : i32
      %add3A_63 = arith.addi %mul3A_61, %add3A_62 : i32
      %dma_start3A_64 = arith.constant 0 : i32
      %dma_start3A_65 = tpu.memref_slice %arg9[%add3A_63, %dma_start3A_64] : memref<40x128xi32, #tpu.memory_space<vmem>> -> memref<1x128xi32, #tpu.memory_space<vmem>>
      %dma_start3A_66 = tpu.memref_squeeze %dma_start3A_65 : memref<1x128xi32, #tpu.memory_space<vmem>> -> memref<128xi32, #tpu.memory_space<vmem>>
      %dma_start3A_67 = arith.constant 0 : i32
      %dma_start3A_68 = arith.constant 0 : i32
      %dma_start3A_69 = tpu.memref_slice %arg4[%dma_start3A_67, %dma_start3A_68] : memref<10000x128xf32, #tpu.memory_space<hbm>> -> memref<10000x128xf32, #tpu.memory_space<hbm>>
      tpu.enqueue_indirect_dma source(%dma_start3A_69 : memref<10000x128xf32, #tpu.memory_space<hbm>>) target(%arg12 : memref<128x128xf32, #tpu.memory_space<vmem>>) offsets(%dma_start3A_66 : memref<128xi32, #tpu.memory_space<vmem>>) semaphore(%arg15 : memref<!tpu.dma_semaphore, #tpu.memory_space<semaphore_mem>>)
      %dma_wait3A = arith.constant 0 : i32
      %dma_wait3A_70 = tpu.memref_slice %arg9[%scan3A_49, %dma_wait3A] : memref<40x128xi32, #tpu.memory_space<vmem>> -> memref<1x128xi32, #tpu.memory_space<vmem>>
      %dma_wait3A_71 = tpu.memref_squeeze %dma_wait3A_70 : memref<1x128xi32, #tpu.memory_space<vmem>> -> memref<128xi32, #tpu.memory_space<vmem>>
      %dma_wait3A_72 = arith.constant 0 : i32
      %dma_wait3A_73 = arith.constant 0 : i32
      %dma_wait3A_74 = tpu.memref_slice %arg4[%dma_wait3A_72, %dma_wait3A_73] : memref<10000x128xf32, #tpu.memory_space<hbm>> -> memref<10000x128xf32, #tpu.memory_space<hbm>>
      tpu.wait_indirect_dma semaphore(%arg14 : memref<!tpu.dma_semaphore, #tpu.memory_space<semaphore_mem>>) src(%dma_wait3A_74 : memref<10000x128xf32, #tpu.memory_space<hbm>>) dst(%arg11 : memref<128x128xf32, #tpu.memory_space<vmem>>)
      "tpu.region"() ({
        %run_scoped3A = tpu.sem_alloc : memref<!tpu.dma_semaphore, #tpu.memory_space<semaphore_mem>>
        %dma_start3A_90 = arith.constant 0 : i32
        %dma_start3A_91 = tpu.memref_slice %arg10[%mul3A_61, %dma_start3A_90] : memref<40x128xi32, #tpu.memory_space<vmem>> -> memref<1x128xi32, #tpu.memory_space<vmem>>
        %dma_start3A_92 = tpu.memref_squeeze %dma_start3A_91 : memref<1x128xi32, #tpu.memory_space<vmem>> -> memref<128xi32, #tpu.memory_space<vmem>>
        %dma_start3A_93 = arith.constant 0 : i32
        %dma_start3A_94 = arith.constant 0 : i32
        %dma_start3A_95 = tpu.memref_slice %arg13[%dma_start3A_93, %dma_start3A_94] : memref<10240x128xf32, #tpu.memory_space<vmem_shared>> -> memref<10240x128xf32, #tpu.memory_space<vmem_shared>>
        tpu.enqueue_indirect_dma source(%arg11 : memref<128x128xf32, #tpu.memory_space<vmem>>) target(%dma_start3A_95 : memref<10240x128xf32, #tpu.memory_space<vmem_shared>>) offsets(%dma_start3A_92 : memref<128xi32, #tpu.memory_space<vmem>>) semaphore(%run_scoped3A : memref<!tpu.dma_semaphore, #tpu.memory_space<semaphore_mem>>) {add = true}
        %dma_wait3A_96 = arith.constant 0 : i32
        %dma_wait3A_97 = tpu.memref_slice %arg10[%mul3A_61, %dma_wait3A_96] : memref<40x128xi32, #tpu.memory_space<vmem>> -> memref<1x128xi32, #tpu.memory_space<vmem>>
        %dma_wait3A_98 = tpu.memref_squeeze %dma_wait3A_97 : memref<1x128xi32, #tpu.memory_space<vmem>> -> memref<128xi32, #tpu.memory_space<vmem>>
        %dma_wait3A_99 = arith.constant 0 : i32
        %dma_wait3A_100 = arith.constant 0 : i32
        %dma_wait3A_101 = tpu.memref_slice %arg13[%dma_wait3A_99, %dma_wait3A_100] : memref<10240x128xf32, #tpu.memory_space<vmem_shared>> -> memref<10240x128xf32, #tpu.memory_space<vmem_shared>>
        tpu.wait_indirect_dma semaphore(%run_scoped3A : memref<!tpu.dma_semaphore, #tpu.memory_space<semaphore_mem>>) src(%arg11 : memref<128x128xf32, #tpu.memory_space<vmem>>) dst(%dma_wait3A_101 : memref<10240x128xf32, #tpu.memory_space<vmem_shared>>)
        tpu.yield
      }) : () -> ()
      %add3A_75 = arith.constant 2 : i32
      %add3A_76 = arith.addi %mul3A_61, %add3A_75 : i32
      %lt3A = arith.constant 40 : i32
      %lt3A_77 = arith.cmpi slt, %add3A_76, %lt3A : i32
      %convert_element_type3A = arith.extui %lt3A_77 : i1 to i32
      %cond3A = arith.constant 0 : i32
      %cond3A_78 = arith.cmpi ne, %convert_element_type3A, %cond3A : i32
      scf.if %cond3A_78 {
        %add3A_90 = arith.constant 2 : i32
        %add3A_91 = arith.addi %mul3A_61, %add3A_90 : i32
        %dma_start3A_92 = arith.constant 0 : i32
        %dma_start3A_93 = tpu.memref_slice %arg9[%add3A_91, %dma_start3A_92] : memref<40x128xi32, #tpu.memory_space<vmem>> -> memref<1x128xi32, #tpu.memory_space<vmem>>
        %dma_start3A_94 = tpu.memref_squeeze %dma_start3A_93 : memref<1x128xi32, #tpu.memory_space<vmem>> -> memref<128xi32, #tpu.memory_space<vmem>>
        %dma_start3A_95 = arith.constant 0 : i32
        %dma_start3A_96 = arith.constant 0 : i32
        %dma_start3A_97 = tpu.memref_slice %arg4[%dma_start3A_95, %dma_start3A_96] : memref<10000x128xf32, #tpu.memory_space<hbm>> -> memref<10000x128xf32, #tpu.memory_space<hbm>>
        tpu.enqueue_indirect_dma source(%dma_start3A_97 : memref<10000x128xf32, #tpu.memory_space<hbm>>) target(%arg11 : memref<128x128xf32, #tpu.memory_space<vmem>>) offsets(%dma_start3A_94 : memref<128xi32, #tpu.memory_space<vmem>>) semaphore(%arg14 : memref<!tpu.dma_semaphore, #tpu.memory_space<semaphore_mem>>)
      } else {
      }
      %add3A_79 = arith.constant 1 : i32
      %add3A_80 = arith.addi %mul3A_61, %add3A_79 : i32
      %dma_wait3A_81 = arith.constant 0 : i32
      %dma_wait3A_82 = tpu.memref_slice %arg9[%add3A_80, %dma_wait3A_81] : memref<40x128xi32, #tpu.memory_space<vmem>> -> memref<1x128xi32, #tpu.memory_space<vmem>>
      %dma_wait3A_83 = tpu.memref_squeeze %dma_wait3A_82 : memref<1x128xi32, #tpu.memory_space<vmem>> -> memref<128xi32, #tpu.memory_space<vmem>>
      %dma_wait3A_84 = arith.constant 0 : i32
      %dma_wait3A_85 = arith.constant 0 : i32
      %dma_wait3A_86 = tpu.memref_slice %arg4[%dma_wait3A_84, %dma_wait3A_85] : memref<10000x128xf32, #tpu.memory_space<hbm>> -> memref<10000x128xf32, #tpu.memory_space<hbm>>
      tpu.wait_indirect_dma semaphore(%arg15 : memref<!tpu.dma_semaphore, #tpu.memory_space<semaphore_mem>>) src(%dma_wait3A_86 : memref<10000x128xf32, #tpu.memory_space<hbm>>) dst(%arg12 : memref<128x128xf32, #tpu.memory_space<vmem>>)
      %add3A_87 = arith.constant 1 : i32
      %add3A_88 = arith.addi %mul3A_61, %add3A_87 : i32
      "tpu.region"() ({
        %run_scoped3A = tpu.sem_alloc : memref<!tpu.dma_semaphore, #tpu.memory_space<semaphore_mem>>
        %dma_start3A_90 = arith.constant 0 : i32
        %dma_start3A_91 = tpu.memref_slice %arg10[%add3A_88, %dma_start3A_90] : memref<40x128xi32, #tpu.memory_space<vmem>> -> memref<1x128xi32, #tpu.memory_space<vmem>>
        %dma_start3A_92 = tpu.memref_squeeze %dma_start3A_91 : memref<1x128xi32, #tpu.memory_space<vmem>> -> memref<128xi32, #tpu.memory_space<vmem>>
        %dma_start3A_93 = arith.constant 0 : i32
        %dma_start3A_94 = arith.constant 0 : i32
        %dma_start3A_95 = tpu.memref_slice %arg13[%dma_start3A_93, %dma_start3A_94] : memref<10240x128xf32, #tpu.memory_space<vmem_shared>> -> memref<10240x128xf32, #tpu.memory_space<vmem_shared>>
        tpu.enqueue_indirect_dma source(%arg12 : memref<128x128xf32, #tpu.memory_space<vmem>>) target(%dma_start3A_95 : memref<10240x128xf32, #tpu.memory_space<vmem_shared>>) offsets(%dma_start3A_92 : memref<128xi32, #tpu.memory_space<vmem>>) semaphore(%run_scoped3A : memref<!tpu.dma_semaphore, #tpu.memory_space<semaphore_mem>>) {add = true}
        %dma_wait3A_96 = arith.constant 0 : i32
        %dma_wait3A_97 = tpu.memref_slice %arg10[%add3A_88, %dma_wait3A_96] : memref<40x128xi32, #tpu.memory_space<vmem>> -> memref<1x128xi32, #tpu.memory_space<vmem>>
        %dma_wait3A_98 = tpu.memref_squeeze %dma_wait3A_97 : memref<1x128xi32, #tpu.memory_space<vmem>> -> memref<128xi32, #tpu.memory_space<vmem>>
        %dma_wait3A_99 = arith.constant 0 : i32
        %dma_wait3A_100 = arith.constant 0 : i32
        %dma_wait3A_101 = tpu.memref_slice %arg13[%dma_wait3A_99, %dma_wait3A_100] : memref<10240x128xf32, #tpu.memory_space<vmem_shared>> -> memref<10240x128xf32, #tpu.memory_space<vmem_shared>>
        tpu.wait_indirect_dma semaphore(%run_scoped3A : memref<!tpu.dma_semaphore, #tpu.memory_space<semaphore_mem>>) src(%arg12 : memref<128x128xf32, #tpu.memory_space<vmem>>) dst(%dma_wait3A_101 : memref<10240x128xf32, #tpu.memory_space<vmem_shared>>)
        tpu.yield
      }) : () -> ()
      %scan3A_89 = arith.constant 0 : i32
      scf.yield %scan3A_89 : i32
    }
    %scan3A_56 = arith.constant 20 : i32
    %barrier3A_57 = arith.constant 0 : index
    tpu.barrier barrier_id(%barrier3A_57)
    "tpu.region"() ({
      %run_scoped3A = tpu.sem_alloc : memref<!tpu.dma_semaphore, #tpu.memory_space<semaphore_mem>>
      %dma_start3A_58 = arith.constant 0 : i32
      %dma_start3A_59 = tpu.memref_slice %arg8[%arg0, %multiple_of3A, %dma_start3A_58] : memref<2x10240x128xf32, #tpu.memory_space<hbm>> -> memref<1x640x128xf32, #tpu.memory_space<hbm>>
      %dma_start3A_60 = tpu.memref_squeeze %dma_start3A_59 : memref<1x640x128xf32, #tpu.memory_space<hbm>> -> memref<640x128xf32, #tpu.memory_space<hbm>>
      %dma_start3A_61 = arith.constant 0 : i32
      %dma_start3A_62 = tpu.memref_slice %arg13[%multiple_of3A, %dma_start3A_61] : memref<10240x128xf32, #tpu.memory_space<vmem_shared>> -> memref<640x128xf32, #tpu.memory_space<vmem_shared>>
      tpu.enqueue_dma source(%dma_start3A_62 : memref<640x128xf32, #tpu.memory_space<vmem_shared>>) target(%dma_start3A_60 : memref<640x128xf32, #tpu.memory_space<hbm>>) target_semaphore(%run_scoped3A : memref<!tpu.dma_semaphore, #tpu.memory_space<semaphore_mem>>)
      %dma_wait3A = arith.constant 0 : i32
      %dma_wait3A_63 = tpu.memref_slice %arg8[%arg0, %multiple_of3A, %dma_wait3A] : memref<2x10240x128xf32, #tpu.memory_space<hbm>> -> memref<1x640x128xf32, #tpu.memory_space<hbm>>
      %dma_wait3A_64 = tpu.memref_squeeze %dma_wait3A_63 : memref<1x640x128xf32, #tpu.memory_space<hbm>> -> memref<640x128xf32, #tpu.memory_space<hbm>>
      %dma_wait3A_65 = arith.constant 0 : i32
      %dma_wait3A_66 = tpu.memref_slice %arg13[%multiple_of3A, %dma_wait3A_65] : memref<10240x128xf32, #tpu.memory_space<vmem_shared>> -> memref<640x128xf32, #tpu.memory_space<vmem_shared>>
      tpu.wait_dma2 semaphore(%run_scoped3A : memref<!tpu.dma_semaphore, #tpu.memory_space<semaphore_mem>>) src(%dma_wait3A_66 : memref<640x128xf32, #tpu.memory_space<vmem_shared>>) dst(%dma_wait3A_64 : memref<640x128xf32, #tpu.memory_space<hbm>>)
      tpu.yield
    }) : () -> ()
    return
  }
}

module attributes {stable_mosaic.version = 14 : i64} {
  func.func @_mm_body(%arg0: i32, %arg1: memref<1000x128xf32, #tpu.memory_space<vmem>>, %arg2: memref<128x128xf32, #tpu.memory_space<vmem>>, %arg3: memref<1000x128xf32, #tpu.memory_space<vmem>>) attributes {dimension_semantics = [#tpu.dimension_semantics<arbitrary>], iteration_bounds = array<i64: 10>, scalar_prefetch = 0 : i64, scratch_operands = 0 : i64, tpu.core_type = #tpu.core_type<tc>, window_params = [{transform_indices = @transform_0, window_bounds = array<i64: 1000, 128>}, {pipeline_mode = #tpu.pipeline_mode<synchronous>, transform_indices = @transform_1, window_bounds = array<i64: 128, 128>}, {transform_indices = @transform_2, window_bounds = array<i64: 1000, 128>}]} {
    %get3A = arith.constant 0 : index
    %get3A_0 = arith.constant 0 : index
    %get3A_1 = vector.load %arg1[%get3A, %get3A_0] : memref<1000x128xf32, #tpu.memory_space<vmem>>, vector<1000x128xf32>
    %get3A_2 = arith.constant 0 : index
    %get3A_3 = arith.constant 0 : index
    %get3A_4 = vector.load %arg2[%get3A_2, %get3A_3] : memref<128x128xf32, #tpu.memory_space<vmem>>, vector<128x128xf32>
    %dot_general3A = arith.constant dense<0.000000e+00> : vector<1000x128xf32>
    %dot_general3A_5 = tpu.matmul %get3A_1, %get3A_4, %dot_general3A {dimension_numbers = #tpu.dot_dimension_numbers<[1], [0], [0], [1], [0, 0, 1, 1], [], []>, transpose_lhs_hint = false} : vector<1000x128xf32>, vector<128x128xf32>, vector<1000x128xf32> -> vector<1000x128xf32>
    %swap3A = arith.constant 0 : index
    %swap3A_6 = arith.constant 0 : index
    %swap3A_7 = vector.load %arg3[%swap3A, %swap3A_6] : memref<1000x128xf32, #tpu.memory_space<vmem>>, vector<1000x128xf32>
    tpu.vector_store %arg3[%swap3A, %swap3A_6], %dot_general3A_5 {strides = array<i32>} : memref<1000x128xf32, #tpu.memory_space<vmem>>, vector<1000x128xf32>,
    return
  }
  func.func @transform_0(%arg0: i32) -> (i32, i32) {
    %c0_i32 = arith.constant 0 : i32
    %c0_i32_0 = arith.constant 0 : i32
    return %arg0, %c0_i32 : i32, i32
  }
  func.func @transform_1(%arg0: i32) -> (i32, i32) {
    %c0_i32 = arith.constant 0 : i32
    %c0_i32_0 = arith.constant 0 : i32
    %c0_i32_1 = arith.constant 0 : i32
    return %c0_i32, %c0_i32_0 : i32, i32
  }
  func.func @transform_2(%arg0: i32) -> (i32, i32) {
    %c0_i32 = arith.constant 0 : i32
    %c0_i32_0 = arith.constant 0 : i32
    return %arg0, %c0_i32 : i32, i32
  }
}

module attributes {stable_mosaic.version = 14 : i64} {
  func.func @_epilogue_body(%arg0: i32, %arg1: memref<2x1000x128xf32, #tpu.memory_space<vmem>>, %arg2: memref<2x1000x1xf32, #tpu.memory_space<vmem>>, %arg3: memref<2x1000x1xf32, #tpu.memory_space<vmem>>, %arg4: memref<1000x128xf32, #tpu.memory_space<vmem>>, %arg5: memref<128x128xf32, #tpu.memory_space<vmem>>, %arg6: memref<1x128xf32, #tpu.memory_space<vmem>>, %arg7: memref<128x128xf32, #tpu.memory_space<vmem>>, %arg8: memref<1x128xf32, #tpu.memory_space<vmem>>, %arg9: memref<1x128xf32, #tpu.memory_space<vmem>>, %arg10: memref<128x128xf32, #tpu.memory_space<vmem>>, %arg11: memref<1x128xf32, #tpu.memory_space<vmem>>, %arg12: memref<1000x128xf32, #tpu.memory_space<vmem>>, %arg13: memref<1x1xf32, #tpu.memory_space<vmem>>, %arg14: memref<1x1xf32, #tpu.memory_space<vmem>>) attributes {dimension_semantics = [#tpu.dimension_semantics<arbitrary>], iteration_bounds = array<i64: 10>, scalar_prefetch = 0 : i64, scratch_operands = 0 : i64, tpu.core_type = #tpu.core_type<tc>, window_params = [{transform_indices = @transform_0, window_bounds = array<i64: 2, 1000, 128>}, {transform_indices = @transform_1, window_bounds = array<i64: 2, 1000, 1>}, {transform_indices = @transform_2, window_bounds = array<i64: 2, 1000, 1>}, {transform_indices = @transform_3, window_bounds = array<i64: 1000, 128>}, {pipeline_mode = #tpu.pipeline_mode<synchronous>, transform_indices = @transform_4, window_bounds = array<i64: 128, 128>}, {pipeline_mode = #tpu.pipeline_mode<synchronous>, transform_indices = @transform_5, window_bounds = array<i64: 1, 128>}, {pipeline_mode = #tpu.pipeline_mode<synchronous>, transform_indices = @transform_6, window_bounds = array<i64: 128, 128>}, {pipeline_mode = #tpu.pipeline_mode<synchronous>, transform_indices = @transform_7, window_bounds = array<i64: 1, 128>}, {pipeline_mode = #tpu.pipeline_mode<synchronous>, transform_indices = @transform_8, window_bounds = array<i64: 1, 128>}, {pipeline_mode = #tpu.pipeline_mode<synchronous>, transform_indices = @transform_9, window_bounds = array<i64: 128, 128>}, {pipeline_mode = #tpu.pipeline_mode<synchronous>, transform_indices = @transform_10, window_bounds = array<i64: 1, 128>}, {transform_indices = @transform_11, window_bounds = array<i64: 1000, 128>}, {pipeline_mode = #tpu.pipeline_mode<synchronous>, transform_indices = @transform_12, window_bounds = array<i64: 1, 1>}, {pipeline_mode = #tpu.pipeline_mode<synchronous>, transform_indices = @transform_13, window_bounds = array<i64: 1, 1>}]} {
    %get3A = arith.constant 0 : index
    %get3A_0 = arith.constant 0 : index
    %get3A_1 = arith.constant 0 : index
    %get3A_2 = vector.load %arg2[%get3A, %get3A_0, %get3A_1] : memref<2x1000x1xf32, #tpu.memory_space<vmem>>, vector<1x1000x1xf32>
    %get3A_3 = vector.shape_cast %get3A_2 : vector<1x1000x1xf32> to vector<1000x1xf32>
    %get3A_4 = arith.constant 1 : index
    %get3A_5 = arith.constant 0 : index
    %get3A_6 = arith.constant 0 : index
    %get3A_7 = vector.load %arg2[%get3A_4, %get3A_5, %get3A_6] : memref<2x1000x1xf32, #tpu.memory_space<vmem>>, vector<1x1000x1xf32>
    %get3A_8 = vector.shape_cast %get3A_7 : vector<1x1000x1xf32> to vector<1000x1xf32>
    %add3A = arith.addf %get3A_3, %get3A_8 : vector<1000x1xf32>
    %max3A = arith.constant 1.000000e+00 : f32
    %max3A_9 = vector.broadcast %max3A : f32 to vector<1000x1xf32>
    %max3A_10 = arith.maximumf %add3A, %max3A_9 : vector<1000x1xf32>
    %get3A_11 = arith.constant 0 : index
    %get3A_12 = arith.constant 0 : index
    %get3A_13 = arith.constant 0 : index
    %get3A_14 = vector.load %arg1[%get3A_11, %get3A_12, %get3A_13] : memref<2x1000x128xf32, #tpu.memory_space<vmem>>, vector<1x1000x128xf32>
    %get3A_15 = vector.shape_cast %get3A_14 : vector<1x1000x128xf32> to vector<1000x128xf32>
    %get3A_16 = arith.constant 1 : index
    %get3A_17 = arith.constant 0 : index
    %get3A_18 = arith.constant 0 : index
    %get3A_19 = vector.load %arg1[%get3A_16, %get3A_17, %get3A_18] : memref<2x1000x128xf32, #tpu.memory_space<vmem>>, vector<1x1000x128xf32>
    %get3A_20 = vector.shape_cast %get3A_19 : vector<1x1000x128xf32> to vector<1000x128xf32>
    %add3A_21 = arith.addf %get3A_15, %get3A_20 : vector<1000x128xf32>
    %div3A = vector.broadcast %max3A_10 : vector<1000x1xf32> to vector<1000x128xf32>
    %div3A_22 = arith.divf %add3A_21, %div3A : vector<1000x128xf32>
    %get3A_23 = arith.constant 0 : index
    %get3A_24 = arith.constant 0 : index
    %get3A_25 = vector.load %arg4[%get3A_23, %get3A_24] : memref<1000x128xf32, #tpu.memory_space<vmem>>, vector<1000x128xf32>
    %get3A_26 = arith.constant 0 : index
    %get3A_27 = arith.constant 0 : index
    %get3A_28 = vector.load %arg5[%get3A_26, %get3A_27] : memref<128x128xf32, #tpu.memory_space<vmem>>, vector<128x128xf32>
    %dot_general3A = arith.constant dense<0.000000e+00> : vector<1000x128xf32>
    %dot_general3A_29 = tpu.matmul %get3A_25, %get3A_28, %dot_general3A {dimension_numbers = #tpu.dot_dimension_numbers<[1], [0], [0], [1], [0, 0, 1, 1], [], []>, transpose_lhs_hint = false} : vector<1000x128xf32>, vector<128x128xf32>, vector<1000x128xf32> -> vector<1000x128xf32>
    %get3A_30 = arith.constant 0 : index
    %get3A_31 = arith.constant 0 : index
    %get3A_32 = vector.load %arg6[%get3A_30, %get3A_31] : memref<1x128xf32, #tpu.memory_space<vmem>>, vector<1x128xf32>
    %add3A_33 = vector.broadcast %get3A_32 : vector<1x128xf32> to vector<1000x128xf32>
    %add3A_34 = arith.addf %dot_general3A_29, %add3A_33 : vector<1000x128xf32>
    %tanh3A = math.tanh %add3A_34 : vector<1000x128xf32>
    %get3A_35 = arith.constant 0 : index
    %get3A_36 = arith.constant 0 : index
    %get3A_37 = vector.load %arg7[%get3A_35, %get3A_36] : memref<128x128xf32, #tpu.memory_space<vmem>>, vector<128x128xf32>
    %dot_general3A_38 = arith.constant dense<0.000000e+00> : vector<1000x128xf32>
    %dot_general3A_39 = tpu.matmul %get3A_25, %get3A_37, %dot_general3A_38 {dimension_numbers = #tpu.dot_dimension_numbers<[1], [0], [0], [1], [0, 0, 1, 1], [], []>, transpose_lhs_hint = false} : vector<1000x128xf32>, vector<128x128xf32>, vector<1000x128xf32> -> vector<1000x128xf32>
    %get3A_40 = arith.constant 0 : index
    %get3A_41 = arith.constant 0 : index
    %get3A_42 = vector.load %arg8[%get3A_40, %get3A_41] : memref<1x128xf32, #tpu.memory_space<vmem>>, vector<1x128xf32>
    %add3A_43 = vector.broadcast %get3A_42 : vector<1x128xf32> to vector<1000x128xf32>
    %add3A_44 = arith.addf %dot_general3A_39, %add3A_43 : vector<1000x128xf32>
    %tanh3A_45 = math.tanh %add3A_44 : vector<1000x128xf32>
    %mul3A = arith.mulf %tanh3A, %div3A_22 : vector<1000x128xf32>
    %add3A_46 = arith.addf %mul3A, %tanh3A_45 : vector<1000x128xf32>
    %mul3A_47 = arith.constant 1.000000e-01 : f32
    %mul3A_48 = vector.broadcast %mul3A_47 : f32 to vector<1000x128xf32>
    %mul3A_49 = arith.mulf %mul3A_48, %add3A_46 : vector<1000x128xf32>
    %add3A_50 = arith.addf %div3A_22, %mul3A_49 : vector<1000x128xf32>
    %get3A_51 = arith.constant 0 : index
    %get3A_52 = arith.constant 0 : index
    %get3A_53 = vector.load %arg9[%get3A_51, %get3A_52] : memref<1x128xf32, #tpu.memory_space<vmem>>, vector<1x128xf32>
    %add3A_54 = vector.broadcast %get3A_53 : vector<1x128xf32> to vector<1000x128xf32>
    %add3A_55 = arith.addf %add3A_50, %add3A_54 : vector<1000x128xf32>
    %max3A_56 = arith.constant 0.000000e+00 : f32
    %max3A_57 = vector.broadcast %max3A_56 : f32 to vector<1000x128xf32>
    %max3A_58 = arith.maximumf %add3A_55, %max3A_57 : vector<1000x128xf32>
    %get3A_59 = arith.constant 0 : index
    %get3A_60 = arith.constant 0 : index
    %get3A_61 = arith.constant 0 : index
    %get3A_62 = vector.load %arg3[%get3A_59, %get3A_60, %get3A_61] : memref<2x1000x1xf32, #tpu.memory_space<vmem>>, vector<1x1000x1xf32>
    %get3A_63 = vector.shape_cast %get3A_62 : vector<1x1000x1xf32> to vector<1000x1xf32>
    %get3A_64 = arith.constant 1 : index
    %get3A_65 = arith.constant 0 : index
    %get3A_66 = arith.constant 0 : index
    %get3A_67 = vector.load %arg3[%get3A_64, %get3A_65, %get3A_66] : memref<2x1000x1xf32, #tpu.memory_space<vmem>>, vector<1x1000x1xf32>
    %get3A_68 = vector.shape_cast %get3A_67 : vector<1x1000x1xf32> to vector<1000x1xf32>
    %add3A_69 = arith.addf %get3A_63, %get3A_68 : vector<1000x1xf32>
    %abs3A = math.absf %add3A_46 : vector<1000x128xf32>
    %reduce_sum3A = arith.constant dense<0.000000e+00> : vector<1000xf32>
    %reduce_sum3A_70 = vector.multi_reduction <add>, %abs3A, %reduce_sum3A [1] : vector<1000x128xf32> to vector<1000xf32>
    %broadcast_in_dim3A = vector.shape_cast %reduce_sum3A_70 : vector<1000xf32> to vector<1000x1xf32>
    %mul3A_71 = arith.mulf %add3A_69, %broadcast_in_dim3A : vector<1000x1xf32>
    %reduce_sum3A_72 = vector.shape_cast %mul3A_71 : vector<1000x1xf32> to vector<1x1000x1xf32>
    %reduce_sum3A_73 = arith.constant dense<0.000000e+00> : vector<1xf32>
    %reduce_sum3A_74 = vector.multi_reduction <add>, %reduce_sum3A_72, %reduce_sum3A_73 [1, 2] : vector<1x1000x1xf32> to vector<1xf32>
    %reduce_sum3A_75 = vector.shape_cast %reduce_sum3A_74 : vector<1xf32> to vector<1x1x1xf32>
    %reduce_sum3A_76 = vector.extract %reduce_sum3A_75[0, 0, 0] : f32 from vector<1x1x1xf32>
    %mul3A_77 = arith.constant 1.000000e-03 : f32
    %mul3A_78 = arith.mulf %reduce_sum3A_76, %mul3A_77 : f32
    %mul3A_79 = arith.mulf %tanh3A, %tanh3A : vector<1000x128xf32>
    %reduce_sum3A_80 = vector.shape_cast %mul3A_79 : vector<1000x128xf32> to vector<1x1000x128xf32>
    %reduce_sum3A_81 = arith.constant dense<0.000000e+00> : vector<1xf32>
    %reduce_sum3A_82 = vector.multi_reduction <add>, %reduce_sum3A_80, %reduce_sum3A_81 [1, 2] : vector<1x1000x128xf32> to vector<1xf32>
    %reduce_sum3A_83 = vector.shape_cast %reduce_sum3A_82 : vector<1xf32> to vector<1x1x1xf32>
    %reduce_sum3A_84 = vector.extract %reduce_sum3A_83[0, 0, 0] : f32 from vector<1x1x1xf32>
    %mul3A_85 = arith.mulf %tanh3A_45, %tanh3A_45 : vector<1000x128xf32>
    %reduce_sum3A_86 = vector.shape_cast %mul3A_85 : vector<1000x128xf32> to vector<1x1000x128xf32>
    %reduce_sum3A_87 = arith.constant dense<0.000000e+00> : vector<1xf32>
    %reduce_sum3A_88 = vector.multi_reduction <add>, %reduce_sum3A_86, %reduce_sum3A_87 [1, 2] : vector<1x1000x128xf32> to vector<1xf32>
    %reduce_sum3A_89 = vector.shape_cast %reduce_sum3A_88 : vector<1xf32> to vector<1x1x1xf32>
    %reduce_sum3A_90 = vector.extract %reduce_sum3A_89[0, 0, 0] : f32 from vector<1x1x1xf32>
    %add3A_91 = arith.addf %reduce_sum3A_84, %reduce_sum3A_90 : f32
    %mul3A_92 = arith.constant 7.812500e-07 : f32
    %mul3A_93 = arith.mulf %add3A_91, %mul3A_92 : f32
    %eq3A = arith.constant 0 : i32
    %eq3A_94 = arith.cmpi eq, %arg0, %eq3A : i32
    %convert_element_type3A = arith.extui %eq3A_94 : i1 to i32
    %cond3A = arith.constant 0 : i32
    %cond3A_95 = arith.cmpi ne, %convert_element_type3A, %cond3A : i32
    scf.if %cond3A_95 {
      %broadcast_in_dim3A_119 = arith.constant 0.000000e+00 : f32
      %broadcast_in_dim3A_120 = vector.broadcast %broadcast_in_dim3A_119 : f32 to vector<1x1xf32>
      %swap3A_121 = arith.constant 0 : index
      %swap3A_122 = arith.constant 0 : index
      %swap3A_123 = vector.load %arg13[%swap3A_121, %swap3A_122] : memref<1x1xf32, #tpu.memory_space<vmem>>, vector<1x1xf32>
      tpu.vector_store %arg13[%swap3A_121, %swap3A_122], %broadcast_in_dim3A_120 {strides = array<i32>} : memref<1x1xf32, #tpu.memory_space<vmem>>, vector<1x1xf32>,
      %broadcast_in_dim3A_124 = arith.constant 0.000000e+00 : f32
      %broadcast_in_dim3A_125 = vector.broadcast %broadcast_in_dim3A_124 : f32 to vector<1x1xf32>
      %swap3A_126 = arith.constant 0 : index
      %swap3A_127 = arith.constant 0 : index
      %swap3A_128 = vector.load %arg14[%swap3A_126, %swap3A_127] : memref<1x1xf32, #tpu.memory_space<vmem>>, vector<1x1xf32>
      tpu.vector_store %arg14[%swap3A_126, %swap3A_127], %broadcast_in_dim3A_125 {strides = array<i32>} : memref<1x1xf32, #tpu.memory_space<vmem>>, vector<1x1xf32>,
    } else {
    }
    %get3A_96 = arith.constant 0 : index
    %get3A_97 = arith.constant 0 : index
    %get3A_98 = vector.load %arg13[%get3A_96, %get3A_97] : memref<1x1xf32, #tpu.memory_space<vmem>>, vector<1x1xf32>
    %broadcast_in_dim3A_99 = vector.broadcast %mul3A_93 : f32 to vector<1x1xf32>
    %add3A_100 = arith.addf %get3A_98, %broadcast_in_dim3A_99 : vector<1x1xf32>
    %swap3A = arith.constant 0 : index
    %swap3A_101 = arith.constant 0 : index
    %swap3A_102 = vector.load %arg13[%swap3A, %swap3A_101] : memref<1x1xf32, #tpu.memory_space<vmem>>, vector<1x1xf32>
    tpu.vector_store %arg13[%swap3A, %swap3A_101], %add3A_100 {strides = array<i32>} : memref<1x1xf32, #tpu.memory_space<vmem>>, vector<1x1xf32>,
    %get3A_103 = arith.constant 0 : index
    %get3A_104 = arith.constant 0 : index
    %get3A_105 = vector.load %arg14[%get3A_103, %get3A_104] : memref<1x1xf32, #tpu.memory_space<vmem>>, vector<1x1xf32>
    %broadcast_in_dim3A_106 = vector.broadcast %mul3A_78 : f32 to vector<1x1xf32>
    %add3A_107 = arith.addf %get3A_105, %broadcast_in_dim3A_106 : vector<1x1xf32>
    %swap3A_108 = arith.constant 0 : index
    %swap3A_109 = arith.constant 0 : index
    %swap3A_110 = vector.load %arg14[%swap3A_108, %swap3A_109] : memref<1x1xf32, #tpu.memory_space<vmem>>, vector<1x1xf32>
    tpu.vector_store %arg14[%swap3A_108, %swap3A_109], %add3A_107 {strides = array<i32>} : memref<1x1xf32, #tpu.memory_space<vmem>>, vector<1x1xf32>,
    %get3A_111 = arith.constant 0 : index
    %get3A_112 = arith.constant 0 : index
    %get3A_113 = vector.load %arg10[%get3A_111, %get3A_112] : memref<128x128xf32, #tpu.memory_space<vmem>>, vector<128x128xf32>
    %dot_general3A_114 = arith.constant dense<0.000000e+00> : vector<1000x128xf32>
    %dot_general3A_115 = tpu.matmul %max3A_58, %get3A_113, %dot_general3A_114 {dimension_numbers = #tpu.dot_dimension_numbers<[1], [0], [0], [1], [0, 0, 1, 1], [], []>, transpose_lhs_hint = false} : vector<1000x128xf32>, vector<128x128xf32>, vector<1000x128xf32> -> vector<1000x128xf32>
    %swap3A_116 = arith.constant 0 : index
    %swap3A_117 = arith.constant 0 : index
    %swap3A_118 = vector.load %arg12[%swap3A_116, %swap3A_117] : memref<1000x128xf32, #tpu.memory_space<vmem>>, vector<1000x128xf32>
    tpu.vector_store %arg12[%swap3A_116, %swap3A_117], %dot_general3A_115 {strides = array<i32>} : memref<1000x128xf32, #tpu.memory_space<vmem>>, vector<1000x128xf32>,
    return
  }
  func.func @transform_0(%arg0: i32) -> (i32, i32, i32) {
    %c0_i32 = arith.constant 0 : i32
    %c0_i32_0 = arith.constant 0 : i32
    %c0_i32_1 = arith.constant 0 : i32
    return %c0_i32, %arg0, %c0_i32_0 : i32, i32, i32
  }
  func.func @transform_1(%arg0: i32) -> (i32, i32, i32) {
    %c0_i32 = arith.constant 0 : i32
    %c0_i32_0 = arith.constant 0 : i32
    %c0_i32_1 = arith.constant 0 : i32
    return %c0_i32, %arg0, %c0_i32_0 : i32, i32, i32
  }
  func.func @transform_2(%arg0: i32) -> (i32, i32, i32) {
    %c0_i32 = arith.constant 0 : i32
    %c0_i32_0 = arith.constant 0 : i32
    %c0_i32_1 = arith.constant 0 : i32
    return %c0_i32, %arg0, %c0_i32_0 : i32, i32, i32
  }
  func.func @transform_3(%arg0: i32) -> (i32, i32) {
    %c0_i32 = arith.constant 0 : i32
    %c0_i32_0 = arith.constant 0 : i32
    return %arg0, %c0_i32 : i32, i32
  }
  func.func @transform_4(%arg0: i32) -> (i32, i32) {
    %c0_i32 = arith.constant 0 : i32
    %c0_i32_0 = arith.constant 0 : i32
    %c0_i32_1 = arith.constant 0 : i32
    return %c0_i32, %c0_i32_0 : i32, i32
  }
  func.func @transform_5(%arg0: i32) -> (i32, i32) {
    %c0_i32 = arith.constant 0 : i32
    %c0_i32_0 = arith.constant 0 : i32
    %c0_i32_1 = arith.constant 0 : i32
    return %c0_i32, %c0_i32_0 : i32, i32
  }
  func.func @transform_6(%arg0: i32) -> (i32, i32) {
    %c0_i32 = arith.constant 0 : i32
    %c0_i32_0 = arith.constant 0 : i32
    %c0_i32_1 = arith.constant 0 : i32
    return %c0_i32, %c0_i32_0 : i32, i32
  }
  func.func @transform_7(%arg0: i32) -> (i32, i32) {
    %c0_i32 = arith.constant 0 : i32
    %c0_i32_0 = arith.constant 0 : i32
    %c0_i32_1 = arith.constant 0 : i32
    return %c0_i32, %c0_i32_0 : i32, i32
  }
  func.func @transform_8(%arg0: i32) -> (i32, i32) {
    %c0_i32 = arith.constant 0 : i32
    %c0_i32_0 = arith.constant 0 : i32
    %c0_i32_1 = arith.constant 0 : i32
    return %c0_i32, %c0_i32_0 : i32, i32
  }
  func.func @transform_9(%arg0: i32) -> (i32, i32) {
    %c0_i32 = arith.constant 0 : i32
    %c0_i32_0 = arith.constant 0 : i32
    %c0_i32_1 = arith.constant 0 : i32
    return %c0_i32, %c0_i32_0 : i32, i32
  }
  func.func @transform_10(%arg0: i32) -> (i32, i32) {
    %c0_i32 = arith.constant 0 : i32
    %c0_i32_0 = arith.constant 0 : i32
    %c0_i32_1 = arith.constant 0 : i32
    return %c0_i32, %c0_i32_0 : i32, i32
  }
  func.func @transform_11(%arg0: i32) -> (i32, i32) {
    %c0_i32 = arith.constant 0 : i32
    %c0_i32_0 = arith.constant 0 : i32
    return %arg0, %c0_i32 : i32, i32
  }
  func.func @transform_12(%arg0: i32) -> (i32, i32) {
    %c0_i32 = arith.constant 0 : i32
    %c0_i32_0 = arith.constant 0 : i32
    %c0_i32_1 = arith.constant 0 : i32
    return %c0_i32, %c0_i32_0 : i32, i32
  }
  func.func @transform_13(%arg0: i32) -> (i32, i32) {
    %c0_i32 = arith.constant 0 : i32
    %c0_i32_0 = arith.constant 0 : i32
    %c0_i32_1 = arith.constant 0 : i32
    return %c0_i32, %c0_i32_0 : i32, i32
  }
}

module attributes {stable_mosaic.version = 14 : i64} {
  func.func @_epilogue_body(%arg0: i32, %arg1: memref<2x1000x128xf32, #tpu.memory_space<vmem>>, %arg2: memref<2x1000x1xf32, #tpu.memory_space<vmem>>, %arg3: memref<2x1000x1xf32, #tpu.memory_space<vmem>>, %arg4: memref<1000x128xf32, #tpu.memory_space<vmem>>, %arg5: memref<128x128xf32, #tpu.memory_space<vmem>>, %arg6: memref<1x128xf32, #tpu.memory_space<vmem>>, %arg7: memref<128x128xf32, #tpu.memory_space<vmem>>, %arg8: memref<1x128xf32, #tpu.memory_space<vmem>>, %arg9: memref<1x128xf32, #tpu.memory_space<vmem>>, %arg10: memref<128x16xf32, #tpu.memory_space<vmem>>, %arg11: memref<1x16xf32, #tpu.memory_space<vmem>>, %arg12: memref<1000x16xf32, #tpu.memory_space<vmem>>, %arg13: memref<1x1xf32, #tpu.memory_space<vmem>>, %arg14: memref<1x1xf32, #tpu.memory_space<vmem>>) attributes {dimension_semantics = [#tpu.dimension_semantics<arbitrary>], iteration_bounds = array<i64: 10>, scalar_prefetch = 0 : i64, scratch_operands = 0 : i64, tpu.core_type = #tpu.core_type<tc>, window_params = [{transform_indices = @transform_0, window_bounds = array<i64: 2, 1000, 128>}, {transform_indices = @transform_1, window_bounds = array<i64: 2, 1000, 1>}, {transform_indices = @transform_2, window_bounds = array<i64: 2, 1000, 1>}, {transform_indices = @transform_3, window_bounds = array<i64: 1000, 128>}, {pipeline_mode = #tpu.pipeline_mode<synchronous>, transform_indices = @transform_4, window_bounds = array<i64: 128, 128>}, {pipeline_mode = #tpu.pipeline_mode<synchronous>, transform_indices = @transform_5, window_bounds = array<i64: 1, 128>}, {pipeline_mode = #tpu.pipeline_mode<synchronous>, transform_indices = @transform_6, window_bounds = array<i64: 128, 128>}, {pipeline_mode = #tpu.pipeline_mode<synchronous>, transform_indices = @transform_7, window_bounds = array<i64: 1, 128>}, {pipeline_mode = #tpu.pipeline_mode<synchronous>, transform_indices = @transform_8, window_bounds = array<i64: 1, 128>}, {pipeline_mode = #tpu.pipeline_mode<synchronous>, transform_indices = @transform_9, window_bounds = array<i64: 128, 16>}, {pipeline_mode = #tpu.pipeline_mode<synchronous>, transform_indices = @transform_10, window_bounds = array<i64: 1, 16>}, {transform_indices = @transform_11, window_bounds = array<i64: 1000, 16>}, {pipeline_mode = #tpu.pipeline_mode<synchronous>, transform_indices = @transform_12, window_bounds = array<i64: 1, 1>}, {pipeline_mode = #tpu.pipeline_mode<synchronous>, transform_indices = @transform_13, window_bounds = array<i64: 1, 1>}]} {
    %get3A = arith.constant 0 : index
    %get3A_0 = arith.constant 0 : index
    %get3A_1 = arith.constant 0 : index
    %get3A_2 = vector.load %arg2[%get3A, %get3A_0, %get3A_1] : memref<2x1000x1xf32, #tpu.memory_space<vmem>>, vector<1x1000x1xf32>
    %get3A_3 = vector.shape_cast %get3A_2 : vector<1x1000x1xf32> to vector<1000x1xf32>
    %get3A_4 = arith.constant 1 : index
    %get3A_5 = arith.constant 0 : index
    %get3A_6 = arith.constant 0 : index
    %get3A_7 = vector.load %arg2[%get3A_4, %get3A_5, %get3A_6] : memref<2x1000x1xf32, #tpu.memory_space<vmem>>, vector<1x1000x1xf32>
    %get3A_8 = vector.shape_cast %get3A_7 : vector<1x1000x1xf32> to vector<1000x1xf32>
    %add3A = arith.addf %get3A_3, %get3A_8 : vector<1000x1xf32>
    %max3A = arith.constant 1.000000e+00 : f32
    %max3A_9 = vector.broadcast %max3A : f32 to vector<1000x1xf32>
    %max3A_10 = arith.maximumf %add3A, %max3A_9 : vector<1000x1xf32>
    %get3A_11 = arith.constant 0 : index
    %get3A_12 = arith.constant 0 : index
    %get3A_13 = arith.constant 0 : index
    %get3A_14 = vector.load %arg1[%get3A_11, %get3A_12, %get3A_13] : memref<2x1000x128xf32, #tpu.memory_space<vmem>>, vector<1x1000x128xf32>
    %get3A_15 = vector.shape_cast %get3A_14 : vector<1x1000x128xf32> to vector<1000x128xf32>
    %get3A_16 = arith.constant 1 : index
    %get3A_17 = arith.constant 0 : index
    %get3A_18 = arith.constant 0 : index
    %get3A_19 = vector.load %arg1[%get3A_16, %get3A_17, %get3A_18] : memref<2x1000x128xf32, #tpu.memory_space<vmem>>, vector<1x1000x128xf32>
    %get3A_20 = vector.shape_cast %get3A_19 : vector<1x1000x128xf32> to vector<1000x128xf32>
    %add3A_21 = arith.addf %get3A_15, %get3A_20 : vector<1000x128xf32>
    %div3A = vector.broadcast %max3A_10 : vector<1000x1xf32> to vector<1000x128xf32>
    %div3A_22 = arith.divf %add3A_21, %div3A : vector<1000x128xf32>
    %get3A_23 = arith.constant 0 : index
    %get3A_24 = arith.constant 0 : index
    %get3A_25 = vector.load %arg4[%get3A_23, %get3A_24] : memref<1000x128xf32, #tpu.memory_space<vmem>>, vector<1000x128xf32>
    %get3A_26 = arith.constant 0 : index
    %get3A_27 = arith.constant 0 : index
    %get3A_28 = vector.load %arg5[%get3A_26, %get3A_27] : memref<128x128xf32, #tpu.memory_space<vmem>>, vector<128x128xf32>
    %dot_general3A = arith.constant dense<0.000000e+00> : vector<1000x128xf32>
    %dot_general3A_29 = tpu.matmul %get3A_25, %get3A_28, %dot_general3A {dimension_numbers = #tpu.dot_dimension_numbers<[1], [0], [0], [1], [0, 0, 1, 1], [], []>, transpose_lhs_hint = false} : vector<1000x128xf32>, vector<128x128xf32>, vector<1000x128xf32> -> vector<1000x128xf32>
    %get3A_30 = arith.constant 0 : index
    %get3A_31 = arith.constant 0 : index
    %get3A_32 = vector.load %arg6[%get3A_30, %get3A_31] : memref<1x128xf32, #tpu.memory_space<vmem>>, vector<1x128xf32>
    %add3A_33 = vector.broadcast %get3A_32 : vector<1x128xf32> to vector<1000x128xf32>
    %add3A_34 = arith.addf %dot_general3A_29, %add3A_33 : vector<1000x128xf32>
    %tanh3A = math.tanh %add3A_34 : vector<1000x128xf32>
    %get3A_35 = arith.constant 0 : index
    %get3A_36 = arith.constant 0 : index
    %get3A_37 = vector.load %arg7[%get3A_35, %get3A_36] : memref<128x128xf32, #tpu.memory_space<vmem>>, vector<128x128xf32>
    %dot_general3A_38 = arith.constant dense<0.000000e+00> : vector<1000x128xf32>
    %dot_general3A_39 = tpu.matmul %get3A_25, %get3A_37, %dot_general3A_38 {dimension_numbers = #tpu.dot_dimension_numbers<[1], [0], [0], [1], [0, 0, 1, 1], [], []>, transpose_lhs_hint = false} : vector<1000x128xf32>, vector<128x128xf32>, vector<1000x128xf32> -> vector<1000x128xf32>
    %get3A_40 = arith.constant 0 : index
    %get3A_41 = arith.constant 0 : index
    %get3A_42 = vector.load %arg8[%get3A_40, %get3A_41] : memref<1x128xf32, #tpu.memory_space<vmem>>, vector<1x128xf32>
    %add3A_43 = vector.broadcast %get3A_42 : vector<1x128xf32> to vector<1000x128xf32>
    %add3A_44 = arith.addf %dot_general3A_39, %add3A_43 : vector<1000x128xf32>
    %tanh3A_45 = math.tanh %add3A_44 : vector<1000x128xf32>
    %mul3A = arith.mulf %tanh3A, %div3A_22 : vector<1000x128xf32>
    %add3A_46 = arith.addf %mul3A, %tanh3A_45 : vector<1000x128xf32>
    %mul3A_47 = arith.constant 1.000000e-01 : f32
    %mul3A_48 = vector.broadcast %mul3A_47 : f32 to vector<1000x128xf32>
    %mul3A_49 = arith.mulf %mul3A_48, %add3A_46 : vector<1000x128xf32>
    %add3A_50 = arith.addf %div3A_22, %mul3A_49 : vector<1000x128xf32>
    %get3A_51 = arith.constant 0 : index
    %get3A_52 = arith.constant 0 : index
    %get3A_53 = vector.load %arg9[%get3A_51, %get3A_52] : memref<1x128xf32, #tpu.memory_space<vmem>>, vector<1x128xf32>
    %add3A_54 = vector.broadcast %get3A_53 : vector<1x128xf32> to vector<1000x128xf32>
    %add3A_55 = arith.addf %add3A_50, %add3A_54 : vector<1000x128xf32>
    %max3A_56 = arith.constant 0.000000e+00 : f32
    %max3A_57 = vector.broadcast %max3A_56 : f32 to vector<1000x128xf32>
    %max3A_58 = arith.maximumf %add3A_55, %max3A_57 : vector<1000x128xf32>
    %get3A_59 = arith.constant 0 : index
    %get3A_60 = arith.constant 0 : index
    %get3A_61 = arith.constant 0 : index
    %get3A_62 = vector.load %arg3[%get3A_59, %get3A_60, %get3A_61] : memref<2x1000x1xf32, #tpu.memory_space<vmem>>, vector<1x1000x1xf32>
    %get3A_63 = vector.shape_cast %get3A_62 : vector<1x1000x1xf32> to vector<1000x1xf32>
    %get3A_64 = arith.constant 1 : index
    %get3A_65 = arith.constant 0 : index
    %get3A_66 = arith.constant 0 : index
    %get3A_67 = vector.load %arg3[%get3A_64, %get3A_65, %get3A_66] : memref<2x1000x1xf32, #tpu.memory_space<vmem>>, vector<1x1000x1xf32>
    %get3A_68 = vector.shape_cast %get3A_67 : vector<1x1000x1xf32> to vector<1000x1xf32>
    %add3A_69 = arith.addf %get3A_63, %get3A_68 : vector<1000x1xf32>
    %abs3A = math.absf %add3A_46 : vector<1000x128xf32>
    %reduce_sum3A = arith.constant dense<0.000000e+00> : vector<1000xf32>
    %reduce_sum3A_70 = vector.multi_reduction <add>, %abs3A, %reduce_sum3A [1] : vector<1000x128xf32> to vector<1000xf32>
    %broadcast_in_dim3A = vector.shape_cast %reduce_sum3A_70 : vector<1000xf32> to vector<1000x1xf32>
    %mul3A_71 = arith.mulf %add3A_69, %broadcast_in_dim3A : vector<1000x1xf32>
    %reduce_sum3A_72 = vector.shape_cast %mul3A_71 : vector<1000x1xf32> to vector<1x1000x1xf32>
    %reduce_sum3A_73 = arith.constant dense<0.000000e+00> : vector<1xf32>
    %reduce_sum3A_74 = vector.multi_reduction <add>, %reduce_sum3A_72, %reduce_sum3A_73 [1, 2] : vector<1x1000x1xf32> to vector<1xf32>
    %reduce_sum3A_75 = vector.shape_cast %reduce_sum3A_74 : vector<1xf32> to vector<1x1x1xf32>
    %reduce_sum3A_76 = vector.extract %reduce_sum3A_75[0, 0, 0] : f32 from vector<1x1x1xf32>
    %mul3A_77 = arith.constant 1.000000e-03 : f32
    %mul3A_78 = arith.mulf %reduce_sum3A_76, %mul3A_77 : f32
    %mul3A_79 = arith.mulf %tanh3A, %tanh3A : vector<1000x128xf32>
    %reduce_sum3A_80 = vector.shape_cast %mul3A_79 : vector<1000x128xf32> to vector<1x1000x128xf32>
    %reduce_sum3A_81 = arith.constant dense<0.000000e+00> : vector<1xf32>
    %reduce_sum3A_82 = vector.multi_reduction <add>, %reduce_sum3A_80, %reduce_sum3A_81 [1, 2] : vector<1x1000x128xf32> to vector<1xf32>
    %reduce_sum3A_83 = vector.shape_cast %reduce_sum3A_82 : vector<1xf32> to vector<1x1x1xf32>
    %reduce_sum3A_84 = vector.extract %reduce_sum3A_83[0, 0, 0] : f32 from vector<1x1x1xf32>
    %mul3A_85 = arith.mulf %tanh3A_45, %tanh3A_45 : vector<1000x128xf32>
    %reduce_sum3A_86 = vector.shape_cast %mul3A_85 : vector<1000x128xf32> to vector<1x1000x128xf32>
    %reduce_sum3A_87 = arith.constant dense<0.000000e+00> : vector<1xf32>
    %reduce_sum3A_88 = vector.multi_reduction <add>, %reduce_sum3A_86, %reduce_sum3A_87 [1, 2] : vector<1x1000x128xf32> to vector<1xf32>
    %reduce_sum3A_89 = vector.shape_cast %reduce_sum3A_88 : vector<1xf32> to vector<1x1x1xf32>
    %reduce_sum3A_90 = vector.extract %reduce_sum3A_89[0, 0, 0] : f32 from vector<1x1x1xf32>
    %add3A_91 = arith.addf %reduce_sum3A_84, %reduce_sum3A_90 : f32
    %mul3A_92 = arith.constant 7.812500e-07 : f32
    %mul3A_93 = arith.mulf %add3A_91, %mul3A_92 : f32
    %eq3A = arith.constant 0 : i32
    %eq3A_94 = arith.cmpi eq, %arg0, %eq3A : i32
    %convert_element_type3A = arith.extui %eq3A_94 : i1 to i32
    %cond3A = arith.constant 0 : i32
    %cond3A_95 = arith.cmpi ne, %convert_element_type3A, %cond3A : i32
    scf.if %cond3A_95 {
      %broadcast_in_dim3A_132 = arith.constant 0.000000e+00 : f32
      %broadcast_in_dim3A_133 = vector.broadcast %broadcast_in_dim3A_132 : f32 to vector<1x1xf32>
      %swap3A_134 = arith.constant 0 : index
      %swap3A_135 = arith.constant 0 : index
      %swap3A_136 = vector.load %arg13[%swap3A_134, %swap3A_135] : memref<1x1xf32, #tpu.memory_space<vmem>>, vector<1x1xf32>
      tpu.vector_store %arg13[%swap3A_134, %swap3A_135], %broadcast_in_dim3A_133 {strides = array<i32>} : memref<1x1xf32, #tpu.memory_space<vmem>>, vector<1x1xf32>,
      %broadcast_in_dim3A_137 = arith.constant 0.000000e+00 : f32
      %broadcast_in_dim3A_138 = vector.broadcast %broadcast_in_dim3A_137 : f32 to vector<1x1xf32>
      %swap3A_139 = arith.constant 0 : index
      %swap3A_140 = arith.constant 0 : index
      %swap3A_141 = vector.load %arg14[%swap3A_139, %swap3A_140] : memref<1x1xf32, #tpu.memory_space<vmem>>, vector<1x1xf32>
      tpu.vector_store %arg14[%swap3A_139, %swap3A_140], %broadcast_in_dim3A_138 {strides = array<i32>} : memref<1x1xf32, #tpu.memory_space<vmem>>, vector<1x1xf32>,
    } else {
    }
    %get3A_96 = arith.constant 0 : index
    %get3A_97 = arith.constant 0 : index
    %get3A_98 = vector.load %arg13[%get3A_96, %get3A_97] : memref<1x1xf32, #tpu.memory_space<vmem>>, vector<1x1xf32>
    %broadcast_in_dim3A_99 = vector.broadcast %mul3A_93 : f32 to vector<1x1xf32>
    %add3A_100 = arith.addf %get3A_98, %broadcast_in_dim3A_99 : vector<1x1xf32>
    %swap3A = arith.constant 0 : index
    %swap3A_101 = arith.constant 0 : index
    %swap3A_102 = vector.load %arg13[%swap3A, %swap3A_101] : memref<1x1xf32, #tpu.memory_space<vmem>>, vector<1x1xf32>
    tpu.vector_store %arg13[%swap3A, %swap3A_101], %add3A_100 {strides = array<i32>} : memref<1x1xf32, #tpu.memory_space<vmem>>, vector<1x1xf32>,
    %get3A_103 = arith.constant 0 : index
    %get3A_104 = arith.constant 0 : index
    %get3A_105 = vector.load %arg14[%get3A_103, %get3A_104] : memref<1x1xf32, #tpu.memory_space<vmem>>, vector<1x1xf32>
    %broadcast_in_dim3A_106 = vector.broadcast %mul3A_78 : f32 to vector<1x1xf32>
    %add3A_107 = arith.addf %get3A_105, %broadcast_in_dim3A_106 : vector<1x1xf32>
    %swap3A_108 = arith.constant 0 : index
    %swap3A_109 = arith.constant 0 : index
    %swap3A_110 = vector.load %arg14[%swap3A_108, %swap3A_109] : memref<1x1xf32, #tpu.memory_space<vmem>>, vector<1x1xf32>
    tpu.vector_store %arg14[%swap3A_108, %swap3A_109], %add3A_107 {strides = array<i32>} : memref<1x1xf32, #tpu.memory_space<vmem>>, vector<1x1xf32>,
    %get3A_111 = arith.constant 0 : index
    %get3A_112 = arith.constant 0 : index
    %get3A_113 = vector.load %arg10[%get3A_111, %get3A_112] : memref<128x16xf32, #tpu.memory_space<vmem>>, vector<128x16xf32>
    %dot_general3A_114 = arith.constant dense<0.000000e+00> : vector<1000x16xf32>
    %dot_general3A_115 = tpu.matmul %max3A_58, %get3A_113, %dot_general3A_114 {dimension_numbers = #tpu.dot_dimension_numbers<[1], [0], [0], [1], [0, 0, 1, 1], [], []>, transpose_lhs_hint = false} : vector<1000x128xf32>, vector<128x16xf32>, vector<1000x16xf32> -> vector<1000x16xf32>
    %get3A_116 = arith.constant 0 : index
    %get3A_117 = arith.constant 0 : index
    %get3A_118 = vector.load %arg11[%get3A_116, %get3A_117] : memref<1x16xf32, #tpu.memory_space<vmem>>, vector<1x16xf32>
    %add3A_119 = vector.broadcast %get3A_118 : vector<1x16xf32> to vector<1000x16xf32>
    %add3A_120 = arith.addf %dot_general3A_115, %add3A_119 : vector<1000x16xf32>
    %reduce_max3A = arith.constant dense<0xFF800000> : vector<1000xf32>
    %reduce_max3A_121 = vector.multi_reduction <maximumf>, %add3A_120, %reduce_max3A [1] : vector<1000x16xf32> to vector<1000xf32>
    %broadcast_in_dim3A_122 = vector.shape_cast %reduce_max3A_121 : vector<1000xf32> to vector<1000x1xf32>
    %sub3A = vector.broadcast %broadcast_in_dim3A_122 : vector<1000x1xf32> to vector<1000x16xf32>
    %sub3A_123 = arith.subf %add3A_120, %sub3A : vector<1000x16xf32>
    %exp3A = math.exp %sub3A_123 : vector<1000x16xf32>
    %reduce_sum3A_124 = arith.constant dense<0.000000e+00> : vector<1000xf32>
    %reduce_sum3A_125 = vector.multi_reduction <add>, %exp3A, %reduce_sum3A_124 [1] : vector<1000x16xf32> to vector<1000xf32>
    %broadcast_in_dim3A_126 = vector.shape_cast %reduce_sum3A_125 : vector<1000xf32> to vector<1000x1xf32>
    %log3A = math.log %broadcast_in_dim3A_126 : vector<1000x1xf32>
    %sub3A_127 = vector.broadcast %log3A : vector<1000x1xf32> to vector<1000x16xf32>
    %sub3A_128 = arith.subf %sub3A_123, %sub3A_127 : vector<1000x16xf32>
    %swap3A_129 = arith.constant 0 : index
    %swap3A_130 = arith.constant 0 : index
    %swap3A_131 = vector.load %arg12[%swap3A_129, %swap3A_130] : memref<1000x16xf32, #tpu.memory_space<vmem>>, vector<1000x16xf32>
    tpu.vector_store %arg12[%swap3A_129, %swap3A_130], %sub3A_128 {strides = array<i32>} : memref<1000x16xf32, #tpu.memory_space<vmem>>, vector<1000x16xf32>,
    return
  }
  func.func @transform_0(%arg0: i32) -> (i32, i32, i32) {
    %c0_i32 = arith.constant 0 : i32
    %c0_i32_0 = arith.constant 0 : i32
    %c0_i32_1 = arith.constant 0 : i32
    return %c0_i32, %arg0, %c0_i32_0 : i32, i32, i32
  }
  func.func @transform_1(%arg0: i32) -> (i32, i32, i32) {
    %c0_i32 = arith.constant 0 : i32
    %c0_i32_0 = arith.constant 0 : i32
    %c0_i32_1 = arith.constant 0 : i32
    return %c0_i32, %arg0, %c0_i32_0 : i32, i32, i32
  }
  func.func @transform_2(%arg0: i32) -> (i32, i32, i32) {
    %c0_i32 = arith.constant 0 : i32
    %c0_i32_0 = arith.constant 0 : i32
    %c0_i32_1 = arith.constant 0 : i32
    return %c0_i32, %arg0, %c0_i32_0 : i32, i32, i32
  }
  func.func @transform_3(%arg0: i32) -> (i32, i32) {
    %c0_i32 = arith.constant 0 : i32
    %c0_i32_0 = arith.constant 0 : i32
    return %arg0, %c0_i32 : i32, i32
  }
  func.func @transform_4(%arg0: i32) -> (i32, i32) {
    %c0_i32 = arith.constant 0 : i32
    %c0_i32_0 = arith.constant 0 : i32
    %c0_i32_1 = arith.constant 0 : i32
    return %c0_i32, %c0_i32_0 : i32, i32
  }
  func.func @transform_5(%arg0: i32) -> (i32, i32) {
    %c0_i32 = arith.constant 0 : i32
    %c0_i32_0 = arith.constant 0 : i32
    %c0_i32_1 = arith.constant 0 : i32
    return %c0_i32, %c0_i32_0 : i32, i32
  }
  func.func @transform_6(%arg0: i32) -> (i32, i32) {
    %c0_i32 = arith.constant 0 : i32
    %c0_i32_0 = arith.constant 0 : i32
    %c0_i32_1 = arith.constant 0 : i32
    return %c0_i32, %c0_i32_0 : i32, i32
  }
  func.func @transform_7(%arg0: i32) -> (i32, i32) {
    %c0_i32 = arith.constant 0 : i32
    %c0_i32_0 = arith.constant 0 : i32
    %c0_i32_1 = arith.constant 0 : i32
    return %c0_i32, %c0_i32_0 : i32, i32
  }
  func.func @transform_8(%arg0: i32) -> (i32, i32) {
    %c0_i32 = arith.constant 0 : i32
    %c0_i32_0 = arith.constant 0 : i32
    %c0_i32_1 = arith.constant 0 : i32
    return %c0_i32, %c0_i32_0 : i32, i32
  }
  func.func @transform_9(%arg0: i32) -> (i32, i32) {
    %c0_i32 = arith.constant 0 : i32
    %c0_i32_0 = arith.constant 0 : i32
    %c0_i32_1 = arith.constant 0 : i32
    return %c0_i32, %c0_i32_0 : i32, i32
  }
  func.func @transform_10(%arg0: i32) -> (i32, i32) {
    %c0_i32 = arith.constant 0 : i32
    %c0_i32_0 = arith.constant 0 : i32
    %c0_i32_1 = arith.constant 0 : i32
    return %c0_i32, %c0_i32_0 : i32, i32
  }
  func.func @transform_11(%arg0: i32) -> (i32, i32) {
    %c0_i32 = arith.constant 0 : i32
    %c0_i32_0 = arith.constant 0 : i32
    return %arg0, %c0_i32 : i32, i32
  }
  func.func @transform_12(%arg0: i32) -> (i32, i32) {
    %c0_i32 = arith.constant 0 : i32
    %c0_i32_0 = arith.constant 0 : i32
    %c0_i32_1 = arith.constant 0 : i32
    return %c0_i32, %c0_i32_0 : i32, i32
  }
  func.func @transform_13(%arg0: i32) -> (i32, i32) {
    %c0_i32 = arith.constant 0 : i32
    %c0_i32_0 = arith.constant 0 : i32
    %c0_i32_1 = arith.constant 0 : i32
    return %c0_i32, %c0_i32_0 : i32, i32
  }
}

</mosaic_0001>

<sc_bundles>
// kernel: kernel.10.cloned.1.call-start
scs
__scs_entry_jumppad:
0x0: {  	(pc) =	sbr.rel $0x88, $3  }
0x1: {  	(tag) =	ssettag $0x0;
	lr =	simm.s32 $0x1  }
0x2: {  	[smem:$0x3F8E] =	sst lr;
	_ =	strace $0xD0000000  }
0x3: {  	_ = 	snop  }
0x4: {  	_ = 	snop  }
0x5: {  	_ = 	snop  }
0x6: {  	_ = 	snop  }
0x7: {  	_ = 	snop  }
__scs_overlays_trampoline_lowered:
0x8: {  	[smem:$0x3F9D] =	sst s0  }
0x9: {  	[smem:$0x3F9E] =	sst s1  }
0xa: {  	[smem:$0x3F9F] =	sst s2  }
0xb: {  	[smem:$0x3FA0] =	sst s3  }
0xc: {  	[smem:$0x3FA1] =	sst s4  }
0xd: {  	[smem:$0x3FA2] =	sst s5  }
0xe: {  	[smem:$0x3FA3] =	sst s6  }
0xf: {  	[smem:$0x3FA4] =	sst s7  }
0x10: {  	[smem:$0x3FA5] =	sst s8  }
0x11: {  	[smem:$0x3FA6] =	sst s9;
	s0 =	simm.s32 @!p0 $0x0  }
0x12: {  	s1 =	sld [smem:$0x3F8C];
	s0 =	simm.s32 @p0 $0x1  }
0x13: {  	[smem:$0x3FA7] =	sst s0;
	s0 =	simm.s32 @!p1 $0x0  }
0x14: {  	s2 =	sld [smem:$0x3F8B];
	s0 =	simm.s32 @p1 $0x1  }
0x15: {  	[smem:$0x3FA8] =	sst s0;
	s0 =	simm.s32 @!p2 $0x0  }
0x16: {  	s3 =	sld [smem:$0x3FDB];
	s0 =	simm.s32 @p2 $0x1  }
0x17: {  	s4 =	simm.s32 $0x1BF5;
	[smem:$0x3FAA] =	sst s0  }
0x18: {  	s0 =	sld [smem:$0x3F8D];
	_ =	swait.ge [sflag:s4], $0x0  }
0x19: {  	s7 =	sld [smem:$0x3F8E]  }
0x1a: {  	s8 =	sadd.s32 $0xFFFFE003, lr  }
0x1b: {  	s9 =	sadd.s32 $0xFFFFFEF7, lr;
	s5 =	simm.s32 $0xFFFFFFFF;
	p2 =	slt.u32 s8, $0xFFFFF086  }
0x1c: {  	p1 =	slt.u32 s9, $0xF7A;
	s5 =	simm.s32 @!p2 $0x0  }
0x1d: {  	s5 =	simm.s32 @p1 $0x1;
	p0 =	seq.s32 s7, s2  }
0x1e: {  	s7 =	smul.u32 @!p0 $0xF7A, s2;
	p2 =	seq.s32 @!p0 s5, $0x0  }
0x1f: {  	s9 =	smul.u32 $0xF7A, s1;
	s8 =	simm.s32 @!p0 $0x1BF5;
	p2 =	por !p2, p0  }
0x20: {  	[sflag:s8] =	ssyncset.s32 @!p0 $0xFFFFF086;
	s6 =	sadd.s32 @!p0 s3, s7;
	s7 =	simm.s32 @!p0 $0x108  }
0x21: {  	s3 =	sadd.s32 s3, s9;
	s6 =	sadd.s32 @!p0 $0x88, s6;
	s7 =	simm.s32 @p2 $0x1082  }
0x22: {  	[simem:s7], [sflag:s8] =	dma.local @!p0 [hbm:s6], $0xF7A  }
0x23: {  	s9 =	sor.u32 $0xD0000000, s2;
	s6 =	simm.s32 $0x108;
	_ =	swait.ge @!p0 [sflag:s8], $0x0  }
0x24: {  	s3 =	sadd.s32 $0x88, s3;
	s6 =	simm.s32 @!p1 $0x1082;
	[sflag:s4] =	ssyncset.s32 $0xFFFFF086  }
0x25: {  	[simem:s6], [sflag:s4] =	dma.local [hbm:s3], $0xF7A  }
0x26: {  	[smem:$0x3F8E] =	sst s1;
	(tag) =	ssettag s2;
	_ =	strace s9  }
0x27: {  	s1 =	sld [smem:$0x3F9E]  }
0x28: {  	s2 =	sld [smem:$0x3F9F]  }
0x29: {  	s4 =	sld [smem:$0x3FA1]  }
0x2a: {  	p0 =	seq.s32 s5, $0x0;
	s5 =	sld [smem:$0x3FA2]  }
0x2b: {  	s6 =	sld [smem:$0x3FA3]  }
0x2c: {  	s7 =	sld [smem:$0x3FA4]  }
0x2d: {  	s3 =	simm.s32 $0x108;
	s8 =	sld [smem:$0x3FA5]  }
0x2e: {  	s3 =	simm.s32 @!p0 $0x1082;
	s9 =	sld [smem:$0x3FA6]  }
0x2f: {  	lr =	sadd.s32 s0, s3;
	s0 =	sld [smem:$0x3F9D]  }
0x30: {  	s3 =	sld [smem:$0x3FA0]  }
0x31: {  	[smem:$0x3FA9] =	sst s10  }
0x32: {  	s10 =	sld [smem:$0x3FA7];
	_ =	sdelay $0x3  }
0x33: {  	p0 =	seq.s32 s10, $0x1;
	s10 =	sld [smem:$0x3FA9];
	_ =	sdelay $0x3  }
0x34: {  	[smem:$0x3FA9] =	sst s10  }
0x35: {  	s10 =	sld [smem:$0x3FA8];
	_ =	sdelay $0x3  }
0x36: {  	p1 =	seq.s32 s10, $0x1;
	s10 =	sld [smem:$0x3FA9];
	_ =	sdelay $0x3  }
0x37: {  	[smem:$0x3FA9] =	sst s10  }
0x38: {  	s10 =	sld [smem:$0x3FAA]  }
0x39: {  	_ = 	snop;
	(pc) =	sbr.ind lr, $3  }
0x3a: {  	_ = 	snop  }
0x3b: {  	_ = 	snop  }
0x3c: {  	p2 =	seq.s32 s10, $0x1;
	s10 =	sld [smem:$0x3FA9]  }
0x3d: {  	_ =	shalt  }
0x3e: {  	_ =	shalt  }
0x3f: {  	_ =	shalt  }
0x40: {  	_ =	shalt  }
0x41: {  	_ =	shalt  }
0x42: {  	_ =	shalt  }
0x43: {  	_ =	shalt  }
0x44: {  	_ =	shalt  }
0x45: {  	_ =	shalt  }
0x46: {  	_ =	shalt  }
0x47: {  	_ =	shalt  }
0x48: {  	_ =	shalt  }
0x49: {  	_ =	shalt  }
0x4a: {  	_ =	shalt  }
0x4b: {  	_ =	shalt  }
0x4c: {  	_ =	shalt  }
0x4d: {  	_ =	shalt  }
0x4e: {  	_ =	shalt  }
0x4f: {  	_ =	shalt  }
0x50: {  	_ =	shalt  }
0x51: {  	_ =	shalt  }
0x52: {  	_ =	shalt  }
0x53: {  	_ =	shalt  }
0x54: {  	_ =	shalt  }
0x55: {  	_ =	shalt  }
0x56: {  	_ =	shalt  }
0x57: {  	_ =	shalt  }
0x58: {  	_ =	shalt  }
0x59: {  	_ =	shalt  }
0x5a: {  	_ =	shalt  }
0x5b: {  	_ =	shalt  }
0x5c: {  	_ =	shalt  }
0x5d: {  	_ =	shalt  }
0x5e: {  	_ =	shalt  }
0x5f: {  	_ =	shalt  }
0x60: {  	_ =	shalt  }
0x61: {  	_ =	shalt  }
0x62: {  	_ =	shalt  }
0x63: {  	_ =	shalt  }
0x64: {  	_ =	shalt  }
0x65: {  	_ =	shalt  }
0x66: {  	_ =	shalt  }
0x67: {  	_ =	shalt  }
0x68: {  	_ =	shalt  }
0x69: {  	_ =	shalt  }
0x6a: {  	_ =	shalt  }
0x6b: {  	_ =	shalt  }
0x6c: {  	_ =	shalt  }
0x6d: {  	_ =	shalt  }
0x6e: {  	_ =	shalt  }
0x6f: {  	_ =	shalt  }
0x70: {  	_ =	shalt  }
0x71: {  	_ =	shalt  }
0x72: {  	_ =	shalt  }
0x73: {  	_ =	shalt  }
0x74: {  	_ =	shalt  }
0x75: {  	_ =	shalt  }
0x76: {  	_ =	shalt  }
0x77: {  	_ =	shalt  }
0x78: {  	_ =	shalt  }
0x79: {  	_ =	shalt  }
0x7a: {  	_ =	shalt  }
0x7b: {  	_ =	shalt  }
0x7c: {  	_ =	shalt  }
0x7d: {  	_ =	shalt  }
0x7e: {  	_ =	shalt  }
0x7f: {  	_ =	shalt  }
0x80: {  	_ =	shalt  }
0x81: {  	_ =	shalt  }
0x82: {  	_ =	shalt  }
0x83: {  	_ =	shalt  }
0x84: {  	_ =	shalt  }
0x85: {  	_ =	shalt  }
0x86: {  	_ =	shalt  }
0x87: {  	_ =	shalt  }
.Lfunc_end0:
.L_simem_size_0:
called_computation.1_lowered:
.L_overlay_start_0:
0x88: {  	s2 =	sld [smem:$0x3FD9]  }
0x89: {  	s3 =	sld [smem:$0x3FFE];
	_ =	sdelay $0x1  }
0x8a: {  	s1 =	srdreg.scid  }
0x8b: {  	s0 =	sand.u32 $0x1, s1  }
0x8c: {  	s16 =	sshll.u32 s0, $0xA;
	s2 =	sadd.s32 s3, s2  }
0x8d: {  	s2 =	sadd.s32 s2, s16  }
0x8e: {  	[smem:$0x3FB5] =	sst s2  }
0x8f: {  	_ = 	snop  }
0x90: {  	(tm) =	ssettm $0x1  }
0x91: {  	s17 =	sld [smem:$0x3FFB];
	_ =	sdelay $0x3  }
0x92: {  	_ =	strace s17  }
0x93: {  	s2 =	sld [smem:$0x3FFC];
	_ =	sdelay $0x3  }
0x94: {  	_ =	strace s2  }
0x95: {  	s2 =	sld [smem:$0x3FFD];
	_ =	sdelay $0x3  }
0x96: {  	_ =	strace s2  }
0x97: {  	_ =	strace $0x8FFFFFFF  }
0x98: {  	s18 =	sld [smem:$0x3FDB];
	_ =	sdelay $0x1  }
0x99: {  	s19 =	simm.s32 $_scs_section_size  }
0x9a: {  	s4 =	simm.s32 $_size__tile_overlayer_lowered;
	s5 =	simm.s32 $_tile_overlayer_lowered  }
0x9b: {  	s22 =	simm.s32 $0x1BFF;
	s21 =	sshll.u32 s5, $0x1;
	s2 =	sadd.s32 s19, s18  }
0x9c: {  	s6 =	simm.s32 $0x0;
	s20 =	sshll.u32 s4, $0x1;
	s4 =	sadd.s32 s21, s2  }
0x9d: {  	[timem:s6], [sflag:s22] =	dma.local [hbm:s4], s20  }
0x9e: {  	_ =	swait.ge [sflag:s22], s20  }
0x9f: {  	s3 =	ssub.s32 $0x0, s20;
	[sflag:s22] =	ssyncset.done $0x0  }
0xa0: {  	[sflag:s22] =	ssyncadd.s32 s3;
	_ =	sdelay $0x1  }
0xa1: {  	s23 =	simm.s32 $0x1B8B  }
0xa2: {  	_ =	swait.ge [sflag:s23], $0x1  }
0xa3: {  	[sflag:s23] =	ssyncset.done $0x0  }
0xa4: {  	s25 =	simm.s32 $0x1B8E;
	s24 =	sld [smem:$0x3FFE];
	[sflag:s23] =	ssyncadd.s32 $0xFFFFFFFF  }
0xa5: {  	s26 =	simm.s32 $execute0_lowered;
	[smem:$0x3FD2] =	sst s25  }
0xa6: {  	s4 =	sshll.u32 s26, $0x1;
	_ =	strace $0x80000049;
	[dreg:$0x1] =	wrdreg $0xFFFFFFFF  }
0xa7: {  	s28 =	simm.s32 $_size_execute0_lowered;
	s2 =	sadd.s32 s2, s4;
	[dreg:$0x0] =	wrdreg $0x0  }
0xa8: {  	s4 =	sshll.u32 s28, $0x1;
	[dreg:$0x2] =	wrdreg s2  }
0xa9: {  	[dreg:$0x3] =	wrdreg s4  }
0xaa: {  	[dreg:$0x4] =	wrdreg $0xC0  }
0xab: {  	_ =	task [dreg:s6], $0x5FFFF  }
0xac: {  	[dreg:$0x1] =	wrdreg $0xFFFFFFFF  }
0xad: {  	[dreg:$0x0] =	wrdreg $0x60  }
0xae: {  	[dreg:$0x2] =	wrdreg s24  }
0xaf: {  	[dreg:$0x3] =	wrdreg $0xA8000  }
0xb0: {  	[dreg:$0x4] =	wrdreg $0x9  }
0xb1: {  	_ =	task.clear_ibuf [dreg:s6], $0x5FFFF;
	_ =	strace $0x90000049  }
0xb2: {  	s29 =	simm.s32 $0x9;
	_ =	strace $0x8000004B  }
0xb3: {  	_ =	swait.ge [sflag:s29], $0x1  }
0xb4: {  	[sflag:s29] =	ssyncadd.s32 $0xFFFFFFFF  }
0xb5: {  	_ =	strace $0x9000004B  }
0xb6: {  	_ =	sfence  }
0xb7: {  	s30 =	sld [smem:$0x0];
	_ =	sdelay $0x2  }
0xb8: {  	s31 =	sshll.u32 s1, $0xD;
	s1 =	sshrl.u32 s1, $0x2  }
0xb9: {  	s3 =	sand.u32 $0x4000, s31;
	s1 =	sadd.s32 s1, s30  }
0xba: {  	s0 =	sor.u32 s3, s0;
	s1 =	sshll.u32 s1, $0x11  }
0xbb: {  	s0 =	sor.u32 s1, s0  }
0xbc: {  	s0 =	sadd.s32 $0x8F2B, s0  }
0xbd: {  	[sflag:s0] =	ssyncadd.remote.s32 $0x1  }
0xbe: {  	_ =	sfence.sel $0xFFFF  }
0xbf: {  	[dreg:$0x0] =	wrdreg $0xFFFFFFFF;
	(pc) =	sbr.abs _section_cstart, $3  }
0xc0: {  	[dreg:$0x1] =	wrdreg $0xFFFFFFFF  }
0xc1: {  	_ =	task.clear_ibuf [dreg:s6], $0x2FFFF;
	_ =	strace $0x9FFFFFFF  }
0xc2: {  	(tm) =	ssettm $0x7FFFFFFF  }
0xc3: {  	_ =	shalt  }
tec
execute0_lowered:
.L_overlay_start_1:
0x0: {  	(tag) =	ssettag $0x1  }
0x1: {  	s5 =	rddreg [dreg:$0x0];
	s0 =	srdreg.scid  }
0x2: {  	s2 =	rddreg [dreg:$0x1];
	s1 =	stileid.u32  }
0x3: {  	s3 =	simm.s32 $0x0;
	s17 =	simm.s32 $0x3;
	s18 =	simm.s32 $0x1400  }
0x4: {  	s19 =	simm.s32 $0x80;
	s20 =	simm.s32 $0x6800;
	s21 =	simm.s32 $0x1  }
0x5: {  	s22 =	simm.s32 $0x2;
	s23 =	simm.s32 $0x1380;
	s24 =	simm.s32 $0x2700  }
0x6: {  	s25 =	simm.s32 $0x2780;
	s6 =	sand.u32 $0x1, s0;
	s0 =	rddreg [dreg:$0x2]  }
0x7: {  	s7 =	smul.u32 $0x14000, s1;
	[smem:$0x7FF] =	sst s3;
	s12 =	sadd.s32 $0xE000, s5  }
0x8: {  	s13 =	sadd.s32 $0x4000, s5;
	s8 =	smul.u32 $0x50000, s1;
	s28 =	sshll.u32 s1, $0x1  }
0x9: {  	s4 =	smul.u32 $0x140000, s6;
	_ =	strace $0x8000004A;
	s9 =	sor.u32 s6, s28  }
0xa: {  	s29 =	ssub.s32 $0x2, s6;
	s30 =	sshrl.u32 s8, $0x2;
	s10 =	smul.u32 $0x2800, s9  }
0xb: {  	s31 =	sshrl.u32 s29, $0x1;
	s11 =	smul.u32 $0x500, s9;
	s4 =	sadd.s32 s7, s4  }
0xc: {  	s15 =	ssub.s32 s29, s31;
	s7 =	sshrl.u32 s4, $0x3;
	s4 =	sadd.s32 $0x18800, s5  }
0xd: {  	s16 =	sshrl.u32 s10, $0x3;
	s10 =	sadd.s32 s12, s11;
	s11 =	sadd.s32 s13, s11  }
0xe: {  	s15 =	smax.u32 s15, $0x1;
	s14 =	sadd.s32 s7, s5;
	s5 =	sadd.s32 s30, s2  }
0xf: {  	s16 =	sadd.s32 $0x280, s16;
	s6 =	sadd.s32 $0x4000, s5;
	s7 =	sadd.s32 $0x8000, s5  }
0x10: {  	s8 =	sadd.s32 $0xC000, s5;
	s9 =	sadd.s32 $0x10000, s5;
	s12 =	sadd.s32 s12, s16  }
0x11: {  	v0 =	vimm.f32 $0.0e+00;
	s13 =	sadd.s32 s13, s16;
	s14 =	sadd.s32 $0x3FA00, s14;
	s16 =	simm.s32 $0x2800  }
.LBB2_1:
0x12: {  	s26 =	simm.s32 $0x0;
	s28 =	simm.s32 $0x200  }
.LBB2_2:
0x13: {  	p0 =	sne.s32 s28, $0xFE00;
	[tilespmem:s26+$0x2870] =	vst v0  }
0x14: {  	[tilespmem:s26+$0x2800] =	vst v0  }
0x15: {  	[tilespmem:s26+$0x2810] =	vst v0  }
.Ltmp0:
0x16: {  	[tilespmem:s26+$0x2820] =	vst v0;
	(pc) =	sbr.rel @p0 .LBB2_2-.Ltmp0, $4  }
0x17: {  	[tilespmem:s26+$0x2830] =	vst v0  }
0x18: {  	[tilespmem:s26+$0x2840] =	vst v0  }
0x19: {  	[tilespmem:s26+$0x2850] =	vst v0  }
0x1a: {  	[tilespmem:s26+$0x2860] =	vst v0;
	s26 =	sshra.s32 s28, $0x2;
	s28 =	sadd.s32 $0x200, s28  }
0x1b: {  	[tilespmem:s26+$0x2870] =	vst v0  }
0x1c: {  	[tilespmem:s26+$0x2800] =	vst v0  }
0x1d: {  	[tilespmem:s26+$0x2810] =	vst v0  }
0x1e: {  	[tilespmem:s26+$0x2820] =	vst v0  }
0x1f: {  	[tilespmem:s26+$0x2830] =	vst v0  }
0x20: {  	[tilespmem:s26+$0x2840] =	vst v0  }
0x21: {  	[tilespmem:s26+$0x2850] =	vst v0  }
0x22: {  	[tilespmem:s26+$0x2860] =	vst v0  }
0x23: {  	[spmem:s5] =	stream.linear.scatter [tilespmem:s16], [sflag:$0x3], $0x4000, $0x38;
	[tilespmem:$0x1E800] =	vst v63  }
0x24: {  	_ =	swait.ge [sflag:s17], $0x4000  }
0x25: {  	[sflag:s17] =	ssyncset.done $0x0  }
0x26: {  	[sflag:s17] =	ssyncadd.s32 $0xFFFFC000  }
0x27: {  	[spmem:s6] =	stream.linear.scatter [tilespmem:s16], [sflag:$0x3], $0x4000, $0x38;
	[tilespmem:$0x1E800] =	vst v63  }
0x28: {  	_ =	swait.ge [sflag:s17], $0x4000  }
0x29: {  	[sflag:s17] =	ssyncset.done $0x0  }
0x2a: {  	[sflag:s17] =	ssyncadd.s32 $0xFFFFC000  }
0x2b: {  	[spmem:s7] =	stream.linear.scatter [tilespmem:s16], [sflag:$0x3], $0x4000, $0x38;
	[tilespmem:$0x1E800] =	vst v63  }
0x2c: {  	_ =	swait.ge [sflag:s17], $0x4000  }
0x2d: {  	[sflag:s17] =	ssyncset.done $0x0  }
0x2e: {  	[sflag:s17] =	ssyncadd.s32 $0xFFFFC000  }
0x2f: {  	[spmem:s8] =	stream.linear.scatter [tilespmem:s16], [sflag:$0x3], $0x4000, $0x38;
	[tilespmem:$0x1E800] =	vst v63  }
0x30: {  	_ =	swait.ge [sflag:s17], $0x4000  }
0x31: {  	[sflag:s17] =	ssyncset.done $0x0  }
0x32: {  	[sflag:s17] =	ssyncadd.s32 $0xFFFFC000  }
0x33: {  	[spmem:s9] =	stream.linear.scatter [tilespmem:s16], [sflag:$0x3], $0x4000, $0x38;
	[tilespmem:$0x1E800] =	vst v63  }
0x34: {  	_ =	swait.ge [sflag:s17], $0x4000  }
0x35: {  	[sflag:s17] =	ssyncset.done $0x0  }
0x36: {  	[sflag:s17] =	ssyncadd.s32 $0xFFFFC000  }
0x37: {  	s30 =	simm.s32 $0x0;
	[bflag:$0x0] =	sbarrier.arrive $0xFFFF  }
0x38: {  	[tilespmem:s30], [sflag:$0x3] =	stream.linear.gather [hbm4b:s10+s30], $0x1400, $0x38;
	[tilespmem:$0x1E800] =	vst v63  }
0x39: {  	_ =	swait.ge [sflag:s17], $0x1400  }
0x3a: {  	[sflag:s17] =	ssyncset.done $0x0  }
0x3b: {  	[sflag:s17] =	ssyncadd.s32 $0xFFFFEC00  }
0x3c: {  	[tilespmem:s18], [sflag:$0x3] =	stream.linear.gather [hbm4b:s11+s30], $0x1400, $0x38;
	[tilespmem:$0x1E800] =	vst v63  }
0x3d: {  	_ =	swait.ge [sflag:s17], $0x1400  }
0x3e: {  	[sflag:s17] =	ssyncset.done $0x0  }
0x3f: {  	[sflag:s17] =	ssyncadd.s32 $0xFFFFEC00  }
0x40: {  	[tilespmem:s16], [sflag:$0x1] =	stream.indirect.gather [hbm4b:s4+s19], $0x80, s30, s19, $0xb8;
	[tilespmem:$0x1E800] =	vst v63  }
0x41: {  	s31 =	simm.s32 $0x80  }
0x42: {  	[tilespmem:s20], [sflag:$0x2] =	stream.indirect.gather [hbm4b:s4+s19], $0x80, s31, s19, $0xb8;
	[tilespmem:$0x1E800] =	vst v63  }
0x43: {  	_ =	swait.ge [sflag:s21], $0x4000  }
0x44: {  	[sflag:s21] =	ssyncset.done $0x0  }
0x45: {  	s29 =	simm.s32 $0x1400;
	[sflag:s21] =	ssyncadd.s32 $0xFFFFC000  }
0x46: {  	[spmem:s2] =	stream.indirect.scatter.add.f32 [tilespmem:s16], [sflag:$0x3], $0x80, s29, s19, $0xb8;
	[tilespmem:$0x1E800] =	vst v63  }
0x47: {  	_ =	swait.ge [sflag:s17], $0x4000  }
0x48: {  	[sflag:s17] =	ssyncset.done $0x0  }
0x49: {  	s30 =	simm.s32 $0x100;
	[sflag:s17] =	ssyncadd.s32 $0xFFFFC000  }
0x4a: {  	[tilespmem:s16], [sflag:$0x1] =	stream.indirect.gather [hbm4b:s4+s19], $0x80, s30, s19, $0xb8;
	[tilespmem:$0x1E800] =	vst v63  }
0x4b: {  	_ =	swait.ge [sflag:s22], $0x4000  }
0x4c: {  	[sflag:s22] =	ssyncset.done $0x0  }
0x4d: {  	s31 =	simm.s32 $0x1480;
	[sflag:s22] =	ssyncadd.s32 $0xFFFFC000  }
0x4e: {  	[spmem:s2] =	stream.indirect.scatter.add.f32 [tilespmem:s20], [sflag:$0x3], $0x80, s31, s19, $0xb8;
	[tilespmem:$0x1E800] =	vst v63  }
0x4f: {  	_ =	swait.ge [sflag:s17], $0x4000  }
0x50: {  	s28 =	simm.s32 $0x800;
	s26 =	simm.s32 $0x100;
	[sflag:s17] =	ssyncset.done $0x0  }
.LBB2_4:
0x51: {  	s29 =	sadd.s32 $0x80, s26  }
0x52: {  	[sflag:s17] =	ssyncadd.s32 $0xFFFFC000;
	s30 =	smov.u32 s28;
	s31 =	sadd.s32 $0x400, s28  }
0x53: {  	[tilespmem:s20], [sflag:$0x2] =	stream.indirect.gather [hbm4b:s4+s19], $0x80, s29, s19, $0xb8;
	[tilespmem:$0x1E800] =	vst v63  }
0x54: {  	p0 =	sne.s32 s28, $0x4800;
	_ =	swait.ge [sflag:s21], $0x4000  }
0x55: {  	[sflag:s21] =	ssyncset.done $0x0  }
0x56: {  	s28 =	sadd.s32 $0x1400, s26;
	[sflag:s21] =	ssyncadd.s32 $0xFFFFC000  }
0x57: {  	[spmem:s2] =	stream.indirect.scatter.add.f32 [tilespmem:s16], [sflag:$0x3], $0x80, s28, s19, $0xb8;
	[tilespmem:$0x1E800] =	vst v63  }
0x58: {  	_ =	swait.ge [sflag:s17], $0x4000  }
0x59: {  	[sflag:s17] =	ssyncset.done $0x0  }
0x5a: {  	s28 =	sadd.s32 $0x100, s26;
	[sflag:s17] =	ssyncadd.s32 $0xFFFFC000  }
0x5b: {  	[tilespmem:s16], [sflag:$0x1] =	stream.indirect.gather [hbm4b:s4+s19], $0x80, s28, s19, $0xb8;
	[tilespmem:$0x1E800] =	vst v63  }
0x5c: {  	_ =	swait.ge [sflag:s22], $0x4000  }
.Ltmp1:
0x5d: {  	[sflag:s22] =	ssyncset.done $0x0;
	(pc) =	sbr.rel @p0 .LBB2_4-.Ltmp1, $4  }
0x5e: {  	s26 =	sadd.s32 $0x1480, s26;
	[sflag:s22] =	ssyncadd.s32 $0xFFFFC000  }
0x5f: {  	[spmem:s2] =	stream.indirect.scatter.add.f32 [tilespmem:s20], [sflag:$0x3], $0x80, s26, s19, $0xb8;
	[tilespmem:$0x1E800] =	vst v63  }
0x60: {  	_ =	swait.ge [sflag:s17], $0x4000  }
0x61: {  	s28 =	smov.u32 s31;
	s26 =	sshra.s32 s30, $0x2;
	[sflag:s17] =	ssyncset.done $0x0  }
0x62: {  	s28 =	sadd.s32 $0x80, s26;
	[sflag:s17] =	ssyncadd.s32 $0xFFFFC000  }
0x63: {  	[tilespmem:s20], [sflag:$0x2] =	stream.indirect.gather [hbm4b:s4+s19], $0x80, s28, s19, $0xb8;
	[tilespmem:$0x1E800] =	vst v63  }
0x64: {  	_ =	swait.ge [sflag:s21], $0x4000  }
0x65: {  	[sflag:s21] =	ssyncset.done $0x0  }
0x66: {  	s28 =	sadd.s32 $0x1400, s26;
	[sflag:s21] =	ssyncadd.s32 $0xFFFFC000  }
0x67: {  	[spmem:s2] =	stream.indirect.scatter.add.f32 [tilespmem:s16], [sflag:$0x3], $0x80, s28, s19, $0xb8;
	[tilespmem:$0x1E800] =	vst v63  }
0x68: {  	_ =	swait.ge [sflag:s17], $0x4000  }
0x69: {  	[sflag:s17] =	ssyncset.done $0x0  }
0x6a: {  	s28 =	sadd.s32 $0x100, s26;
	[sflag:s17] =	ssyncadd.s32 $0xFFFFC000  }
0x6b: {  	[tilespmem:s16], [sflag:$0x1] =	stream.indirect.gather [hbm4b:s4+s19], $0x80, s28, s19, $0xb8;
	[tilespmem:$0x1E800] =	vst v63  }
0x6c: {  	_ =	swait.ge [sflag:s22], $0x4000  }
0x6d: {  	[sflag:s22] =	ssyncset.done $0x0  }
0x6e: {  	s29 =	sadd.s32 $0x1480, s26;
	[sflag:s22] =	ssyncadd.s32 $0xFFFFC000  }
0x6f: {  	[spmem:s2] =	stream.indirect.scatter.add.f32 [tilespmem:s20], [sflag:$0x3], $0x80, s29, s19, $0xb8;
	[tilespmem:$0x1E800] =	vst v63  }
0x70: {  	_ =	swait.ge [sflag:s17], $0x4000  }
0x71: {  	[sflag:s17] =	ssyncset.done $0x0  }
0x72: {  	[sflag:s17] =	ssyncadd.s32 $0xFFFFC000  }
0x73: {  	[tilespmem:s20], [sflag:$0x2] =	stream.indirect.gather [hbm4b:s4+s19], $0x80, s23, s19, $0xb8;
	[tilespmem:$0x1E800] =	vst v63  }
0x74: {  	_ =	swait.ge [sflag:s21], $0x4000  }
0x75: {  	[sflag:s21] =	ssyncset.done $0x0  }
0x76: {  	[sflag:s21] =	ssyncadd.s32 $0xFFFFC000  }
0x77: {  	[spmem:s2] =	stream.indirect.scatter.add.f32 [tilespmem:s16], [sflag:$0x3], $0x80, s24, s19, $0xb8;
	[tilespmem:$0x1E800] =	vst v63  }
0x78: {  	_ =	swait.ge [sflag:s17], $0x4000  }
0x79: {  	[sflag:s17] =	ssyncset.done $0x0  }
0x7a: {  	[sflag:s17] =	ssyncadd.s32 $0xFFFFC000  }
0x7b: {  	_ =	swait.ge [sflag:s22], $0x4000  }
0x7c: {  	[sflag:s22] =	ssyncset.done $0x0  }
0x7d: {  	[sflag:s22] =	ssyncadd.s32 $0xFFFFC000  }
0x7e: {  	[spmem:s2] =	stream.indirect.scatter.add.f32 [tilespmem:s20], [sflag:$0x3], $0x80, s25, s19, $0xb8;
	[tilespmem:$0x1E800] =	vst v63  }
0x7f: {  	_ =	swait.ge [sflag:s17], $0x4000  }
0x80: {  	[sflag:s17] =	ssyncset.done $0x0  }
0x81: {  	s30 =	simm.s32 $0x0;
	[sflag:s17] =	ssyncadd.s32 $0xFFFFC000  }
0x82: {  	[tilespmem:s30], [sflag:$0x3] =	stream.linear.gather [hbm4b:s12+s30], $0x1400, $0x38;
	[tilespmem:$0x1E800] =	vst v63  }
0x83: {  	_ =	swait.ge [sflag:s17], $0x1400  }
0x84: {  	[sflag:s17] =	ssyncset.done $0x0  }
0x85: {  	[sflag:s17] =	ssyncadd.s32 $0xFFFFEC00  }
0x86: {  	[tilespmem:s18], [sflag:$0x3] =	stream.linear.gather [hbm4b:s13+s30], $0x1400, $0x38;
	[tilespmem:$0x1E800] =	vst v63  }
0x87: {  	_ =	swait.ge [sflag:s17], $0x1400  }
0x88: {  	[sflag:s17] =	ssyncset.done $0x0  }
0x89: {  	[sflag:s17] =	ssyncadd.s32 $0xFFFFEC00  }
0x8a: {  	[tilespmem:s16], [sflag:$0x1] =	stream.indirect.gather [hbm4b:s4+s19], $0x80, s30, s19, $0xb8;
	[tilespmem:$0x1E800] =	vst v63  }
0x8b: {  	s31 =	simm.s32 $0x80  }
0x8c: {  	[tilespmem:s20], [sflag:$0x2] =	stream.indirect.gather [hbm4b:s4+s19], $0x80, s31, s19, $0xb8;
	[tilespmem:$0x1E800] =	vst v63  }
0x8d: {  	_ =	swait.ge [sflag:s21], $0x4000  }
0x8e: {  	[sflag:s21] =	ssyncset.done $0x0  }
0x8f: {  	s29 =	simm.s32 $0x1400;
	[sflag:s21] =	ssyncadd.s32 $0xFFFFC000  }
0x90: {  	[spmem:s2] =	stream.indirect.scatter.add.f32 [tilespmem:s16], [sflag:$0x3], $0x80, s29, s19, $0xb8;
	[tilespmem:$0x1E800] =	vst v63  }
0x91: {  	_ =	swait.ge [sflag:s17], $0x4000  }
0x92: {  	[sflag:s17] =	ssyncset.done $0x0  }
0x93: {  	s30 =	simm.s32 $0x100;
	[sflag:s17] =	ssyncadd.s32 $0xFFFFC000  }
0x94: {  	[tilespmem:s16], [sflag:$0x1] =	stream.indirect.gather [hbm4b:s4+s19], $0x80, s30, s19, $0xb8;
	[tilespmem:$0x1E800] =	vst v63  }
0x95: {  	_ =	swait.ge [sflag:s22], $0x4000  }
0x96: {  	[sflag:s22] =	ssyncset.done $0x0  }
0x97: {  	s31 =	simm.s32 $0x1480;
	[sflag:s22] =	ssyncadd.s32 $0xFFFFC000  }
0x98: {  	[spmem:s2] =	stream.indirect.scatter.add.f32 [tilespmem:s20], [sflag:$0x3], $0x80, s31, s19, $0xb8;
	[tilespmem:$0x1E800] =	vst v63  }
0x99: {  	_ =	swait.ge [sflag:s17], $0x4000  }
0x9a: {  	s26 =	simm.s32 $0x100;
	s28 =	simm.s32 $0x800;
	[sflag:s17] =	ssyncset.done $0x0  }
.LBB2_6:
0x9b: {  	s29 =	sadd.s32 $0x80, s26  }
0x9c: {  	[sflag:s17] =	ssyncadd.s32 $0xFFFFC000;
	s30 =	smov.u32 s28;
	s31 =	sadd.s32 $0x400, s28  }
0x9d: {  	[tilespmem:s20], [sflag:$0x2] =	stream.indirect.gather [hbm4b:s4+s19], $0x80, s29, s19, $0xb8;
	[tilespmem:$0x1E800] =	vst v63  }
0x9e: {  	p0 =	sne.s32 s28, $0x4800;
	_ =	swait.ge [sflag:s21], $0x4000  }
0x9f: {  	[sflag:s21] =	ssyncset.done $0x0  }
0xa0: {  	s28 =	sadd.s32 $0x1400, s26;
	[sflag:s21] =	ssyncadd.s32 $0xFFFFC000  }
0xa1: {  	[spmem:s2] =	stream.indirect.scatter.add.f32 [tilespmem:s16], [sflag:$0x3], $0x80, s28, s19, $0xb8;
	[tilespmem:$0x1E800] =	vst v63  }
0xa2: {  	_ =	swait.ge [sflag:s17], $0x4000  }
0xa3: {  	[sflag:s17] =	ssyncset.done $0x0  }
0xa4: {  	s28 =	sadd.s32 $0x100, s26;
	[sflag:s17] =	ssyncadd.s32 $0xFFFFC000  }
0xa5: {  	[tilespmem:s16], [sflag:$0x1] =	stream.indirect.gather [hbm4b:s4+s19], $0x80, s28, s19, $0xb8;
	[tilespmem:$0x1E800] =	vst v63  }
0xa6: {  	_ =	swait.ge [sflag:s22], $0x4000  }
.Ltmp2:
0xa7: {  	[sflag:s22] =	ssyncset.done $0x0;
	(pc) =	sbr.rel @p0 .LBB2_6-.Ltmp2, $4  }
0xa8: {  	s26 =	sadd.s32 $0x1480, s26;
	[sflag:s22] =	ssyncadd.s32 $0xFFFFC000  }
0xa9: {  	[spmem:s2] =	stream.indirect.scatter.add.f32 [tilespmem:s20], [sflag:$0x3], $0x80, s26, s19, $0xb8;
	[tilespmem:$0x1E800] =	vst v63  }
0xaa: {  	_ =	swait.ge [sflag:s17], $0x4000  }
0xab: {  	s28 =	smov.u32 s31;
	s26 =	sshra.s32 s30, $0x2;
	[sflag:s17] =	ssyncset.done $0x0  }
0xac: {  	s28 =	sadd.s32 $0x80, s26;
	[sflag:s17] =	ssyncadd.s32 $0xFFFFC000  }
0xad: {  	[tilespmem:s20], [sflag:$0x2] =	stream.indirect.gather [hbm4b:s4+s19], $0x80, s28, s19, $0xb8;
	[tilespmem:$0x1E800] =	vst v63  }
0xae: {  	_ =	swait.ge [sflag:s21], $0x4000  }
0xaf: {  	[sflag:s21] =	ssyncset.done $0x0  }
0xb0: {  	s30 =	sadd.s32 $0x1400, s26;
	[sflag:s21] =	ssyncadd.s32 $0xFFFFC000  }
0xb1: {  	[spmem:s2] =	stream.indirect.scatter.add.f32 [tilespmem:s16], [sflag:$0x3], $0x80, s30, s19, $0xb8;
	[tilespmem:$0x1E800] =	vst v63  }
0xb2: {  	_ =	swait.ge [sflag:s17], $0x4000  }
0xb3: {  	[sflag:s17] =	ssyncset.done $0x0  }
0xb4: {  	s31 =	sadd.s32 $0x100, s26;
	[sflag:s17] =	ssyncadd.s32 $0xFFFFC000  }
0xb5: {  	[tilespmem:s16], [sflag:$0x1] =	stream.indirect.gather [hbm4b:s4+s19], $0x80, s31, s19, $0xb8;
	[tilespmem:$0x1E800] =	vst v63  }
0xb6: {  	_ =	swait.ge [sflag:s22], $0x4000  }
0xb7: {  	[sflag:s22] =	ssyncset.done $0x0  }
0xb8: {  	s29 =	sadd.s32 $0x1480, s26;
	[sflag:s22] =	ssyncadd.s32 $0xFFFFC000  }
0xb9: {  	[spmem:s2] =	stream.indirect.scatter.add.f32 [tilespmem:s20], [sflag:$0x3], $0x80, s29, s19, $0xb8;
	[tilespmem:$0x1E800] =	vst v63  }
0xba: {  	_ =	swait.ge [sflag:s17], $0x4000  }
0xbb: {  	[sflag:s17] =	ssyncset.done $0x0  }
0xbc: {  	[sflag:s17] =	ssyncadd.s32 $0xFFFFC000  }
0xbd: {  	[tilespmem:s20], [sflag:$0x2] =	stream.indirect.gather [hbm4b:s4+s19], $0x80, s23, s19, $0xb8;
	[tilespmem:$0x1E800] =	vst v63  }
0xbe: {  	_ =	swait.ge [sflag:s21], $0x4000  }
0xbf: {  	[sflag:s21] =	ssyncset.done $0x0  }
0xc0: {  	[sflag:s21] =	ssyncadd.s32 $0xFFFFC000  }
0xc1: {  	[spmem:s2] =	stream.indirect.scatter.add.f32 [tilespmem:s16], [sflag:$0x3], $0x80, s24, s19, $0xb8;
	[tilespmem:$0x1E800] =	vst v63  }
0xc2: {  	_ =	swait.ge [sflag:s17], $0x4000  }
0xc3: {  	[sflag:s17] =	ssyncset.done $0x0  }
0xc4: {  	[sflag:s17] =	ssyncadd.s32 $0xFFFFC000  }
0xc5: {  	_ =	swait.ge [sflag:s22], $0x4000  }
0xc6: {  	[sflag:s22] =	ssyncset.done $0x0  }
0xc7: {  	[sflag:s22] =	ssyncadd.s32 $0xFFFFC000  }
0xc8: {  	[spmem:s2] =	stream.indirect.scatter.add.f32 [tilespmem:s20], [sflag:$0x3], $0x80, s25, s19, $0xb8;
	[tilespmem:$0x1E800] =	vst v63  }
0xc9: {  	_ =	swait.ge [sflag:s17], $0x4000  }
0xca: {  	s3 =	sadd.s32 $0x1, s3;
	s30 =	sshll.u32 s1, $0x6;
	[sflag:s17] =	ssyncset.done $0x0  }
0xcb: {  	p0 =	sne.s32 s3, s15;
	s26 =	sor.u32 $0x1C03, s30;
	[sflag:s17] =	ssyncadd.s32 $0xFFFFC000  }
.Ltmp3:
0xcc: {  	s31 =	sshrl.u32 s5, $0x3;
	[bflag:$0x0] =	sbarrier.arrive $0xFFFF;
	(pc) =	sbr.rel @p0 .LBB2_1-.Ltmp3, $4  }
0xcd: {  	[hbm:s14], [sflag:s26] =	dma.local [spmem:s31], $0x2800  }
0xce: {  	_ =	swait.ge [sflag:s17], $0x2800  }
0xcf: {  	[sflag:s17] =	ssyncset.done $0x0  }
0xd0: {  	[sflag:s17] =	ssyncadd.s32 $0xFFFFD800  }
0xd1: {  	_ =	sfence.sel $0x180000  }
0xd2: {  	[bflag:$0x0] =	sbarrier.arrive $0xFFFF  }
0xd3: {  	p0 =	sne.s32 s1, $0x0;
	_ =	strace $0x9000004A  }
0xd4: {  	s0 =	sadd.s32 @!p0 $0x100000, s0;
	[bflag:$0x2] =	sbarrier.arrive $0xFFFF  }
0xd5: {  	[sflag:s0] =	ssyncadd.tile.s32 @!p0 $0x1;
	_ =	shalt  }
.Lfunc_end2:
_tile_overlayer_lowered:
.L_overlay_start_2:
0xd6: {  	(tag) =	ssettag $0x2  }
0xd7: {  	s0 =	rddreg [dreg:$0x0];
	s2 =	stileid.u32  }
0xd8: {  	s1 =	rddreg [dreg:$0x1];
	p0 =	sne.s32 s2, $0x0  }
0xd9: {  	s3 =	rddreg [dreg:$0x2];
	[bflag:$0x3] =	sbarrier.arrive $0xFFFF;
	s2 =	simm.s32 @!p0 $0x1C03  }
0xda: {  	[timem:s3], [sflag:s2] =	dma.local @!p0 [hbm:s0], s1  }
0xdb: {  	s0 =	simm.s32 @!p0 $0x3  }
0xdc: {  	_ =	swait.ge @!p0 [sflag:s0], s1  }
0xdd: {  	s1 =	ssub.s32 @!p0 $0x0, s1;
	[sflag:s0] =	ssyncset.done @!p0 $0x0  }
0xde: {  	[sflag:s0] =	ssyncadd.s32 @!p0 s1  }
0xdf: {  	[bflag:$0x3] =	sbarrier.arrive $0xFFFF  }
0xe0: {  	_ =	shalt  }

// kernel: kernel.7.cloned.1.call-start
scs
__scs_entry_jumppad:
0x0: {  	(pc) =	sbr.rel $0x88, $3  }
0x1: {  	(tag) =	ssettag $0x0;
	lr =	simm.s32 $0x1  }
0x2: {  	[smem:$0x3F8E] =	sst lr;
	_ =	strace $0xD0000000  }
0x3: {  	_ = 	snop  }
0x4: {  	_ = 	snop  }
0x5: {  	_ = 	snop  }
0x6: {  	_ = 	snop  }
0x7: {  	_ = 	snop  }
__scs_overlays_trampoline_lowered:
0x8: {  	[smem:$0x3F9D] =	sst s0  }
0x9: {  	[smem:$0x3F9E] =	sst s1  }
0xa: {  	[smem:$0x3F9F] =	sst s2  }
0xb: {  	[smem:$0x3FA0] =	sst s3  }
0xc: {  	[smem:$0x3FA1] =	sst s4  }
0xd: {  	[smem:$0x3FA2] =	sst s5  }
0xe: {  	[smem:$0x3FA3] =	sst s6  }
0xf: {  	[smem:$0x3FA4] =	sst s7  }
0x10: {  	[smem:$0x3FA5] =	sst s8  }
0x11: {  	[smem:$0x3FA6] =	sst s9;
	s0 =	simm.s32 @!p0 $0x0  }
0x12: {  	s1 =	sld [smem:$0x3F8C];
	s0 =	simm.s32 @p0 $0x1  }
0x13: {  	[smem:$0x3FA7] =	sst s0;
	s0 =	simm.s32 @!p1 $0x0  }
0x14: {  	s2 =	sld [smem:$0x3F8B];
	s0 =	simm.s32 @p1 $0x1  }
0x15: {  	[smem:$0x3FA8] =	sst s0;
	s0 =	simm.s32 @!p2 $0x0  }
0x16: {  	s3 =	sld [smem:$0x3FDB];
	s0 =	simm.s32 @p2 $0x1  }
0x17: {  	s4 =	simm.s32 $0x1BF5;
	[smem:$0x3FAA] =	sst s0  }
0x18: {  	s0 =	sld [smem:$0x3F8D];
	_ =	swait.ge [sflag:s4], $0x0  }
0x19: {  	s7 =	sld [smem:$0x3F8E]  }
0x1a: {  	s8 =	sadd.s32 $0xFFFFE003, lr  }
0x1b: {  	s9 =	sadd.s32 $0xFFFFFEF7, lr;
	s5 =	simm.s32 $0xFFFFFFFF;
	p2 =	slt.u32 s8, $0xFFFFF086  }
0x1c: {  	p1 =	slt.u32 s9, $0xF7A;
	s5 =	simm.s32 @!p2 $0x0  }
0x1d: {  	s5 =	simm.s32 @p1 $0x1;
	p0 =	seq.s32 s7, s2  }
0x1e: {  	s7 =	smul.u32 @!p0 $0xF7A, s2;
	p2 =	seq.s32 @!p0 s5, $0x0  }
0x1f: {  	s9 =	smul.u32 $0xF7A, s1;
	s8 =	simm.s32 @!p0 $0x1BF5;
	p2 =	por !p2, p0  }
0x20: {  	[sflag:s8] =	ssyncset.s32 @!p0 $0xFFFFF086;
	s6 =	sadd.s32 @!p0 s3, s7;
	s7 =	simm.s32 @!p0 $0x108  }
0x21: {  	s3 =	sadd.s32 s3, s9;
	s6 =	sadd.s32 @!p0 $0x88, s6;
	s7 =	simm.s32 @p2 $0x1082  }
0x22: {  	[simem:s7], [sflag:s8] =	dma.local @!p0 [hbm:s6], $0xF7A  }
0x23: {  	s9 =	sor.u32 $0xD0000000, s2;
	s6 =	simm.s32 $0x108;
	_ =	swait.ge @!p0 [sflag:s8], $0x0  }
0x24: {  	s3 =	sadd.s32 $0x88, s3;
	s6 =	simm.s32 @!p1 $0x1082;
	[sflag:s4] =	ssyncset.s32 $0xFFFFF086  }
0x25: {  	[simem:s6], [sflag:s4] =	dma.local [hbm:s3], $0xF7A  }
0x26: {  	[smem:$0x3F8E] =	sst s1;
	(tag) =	ssettag s2;
	_ =	strace s9  }
0x27: {  	s1 =	sld [smem:$0x3F9E]  }
0x28: {  	s2 =	sld [smem:$0x3F9F]  }
0x29: {  	s4 =	sld [smem:$0x3FA1]  }
0x2a: {  	p0 =	seq.s32 s5, $0x0;
	s5 =	sld [smem:$0x3FA2]  }
0x2b: {  	s6 =	sld [smem:$0x3FA3]  }
0x2c: {  	s7 =	sld [smem:$0x3FA4]  }
0x2d: {  	s3 =	simm.s32 $0x108;
	s8 =	sld [smem:$0x3FA5]  }
0x2e: {  	s3 =	simm.s32 @!p0 $0x1082;
	s9 =	sld [smem:$0x3FA6]  }
0x2f: {  	lr =	sadd.s32 s0, s3;
	s0 =	sld [smem:$0x3F9D]  }
0x30: {  	s3 =	sld [smem:$0x3FA0]  }
0x31: {  	[smem:$0x3FA9] =	sst s10  }
0x32: {  	s10 =	sld [smem:$0x3FA7];
	_ =	sdelay $0x3  }
0x33: {  	p0 =	seq.s32 s10, $0x1;
	s10 =	sld [smem:$0x3FA9];
	_ =	sdelay $0x3  }
0x34: {  	[smem:$0x3FA9] =	sst s10  }
0x35: {  	s10 =	sld [smem:$0x3FA8];
	_ =	sdelay $0x3  }
0x36: {  	p1 =	seq.s32 s10, $0x1;
	s10 =	sld [smem:$0x3FA9];
	_ =	sdelay $0x3  }
0x37: {  	[smem:$0x3FA9] =	sst s10  }
0x38: {  	s10 =	sld [smem:$0x3FAA]  }
0x39: {  	_ = 	snop;
	(pc) =	sbr.ind lr, $3  }
0x3a: {  	_ = 	snop  }
0x3b: {  	_ = 	snop  }
0x3c: {  	p2 =	seq.s32 s10, $0x1;
	s10 =	sld [smem:$0x3FA9]  }
0x3d: {  	_ =	shalt  }
0x3e: {  	_ =	shalt  }
0x3f: {  	_ =	shalt  }
0x40: {  	_ =	shalt  }
0x41: {  	_ =	shalt  }
0x42: {  	_ =	shalt  }
0x43: {  	_ =	shalt  }
0x44: {  	_ =	shalt  }
0x45: {  	_ =	shalt  }
0x46: {  	_ =	shalt  }
0x47: {  	_ =	shalt  }
0x48: {  	_ =	shalt  }
0x49: {  	_ =	shalt  }
0x4a: {  	_ =	shalt  }
0x4b: {  	_ =	shalt  }
0x4c: {  	_ =	shalt  }
0x4d: {  	_ =	shalt  }
0x4e: {  	_ =	shalt  }
0x4f: {  	_ =	shalt  }
0x50: {  	_ =	shalt  }
0x51: {  	_ =	shalt  }
0x52: {  	_ =	shalt  }
0x53: {  	_ =	shalt  }
0x54: {  	_ =	shalt  }
0x55: {  	_ =	shalt  }
0x56: {  	_ =	shalt  }
0x57: {  	_ =	shalt  }
0x58: {  	_ =	shalt  }
0x59: {  	_ =	shalt  }
0x5a: {  	_ =	shalt  }
0x5b: {  	_ =	shalt  }
0x5c: {  	_ =	shalt  }
0x5d: {  	_ =	shalt  }
0x5e: {  	_ =	shalt  }
0x5f: {  	_ =	shalt  }
0x60: {  	_ =	shalt  }
0x61: {  	_ =	shalt  }
0x62: {  	_ =	shalt  }
0x63: {  	_ =	shalt  }
0x64: {  	_ =	shalt  }
0x65: {  	_ =	shalt  }
0x66: {  	_ =	shalt  }
0x67: {  	_ =	shalt  }
0x68: {  	_ =	shalt  }
0x69: {  	_ =	shalt  }
0x6a: {  	_ =	shalt  }
0x6b: {  	_ =	shalt  }
0x6c: {  	_ =	shalt  }
0x6d: {  	_ =	shalt  }
0x6e: {  	_ =	shalt  }
0x6f: {  	_ =	shalt  }
0x70: {  	_ =	shalt  }
0x71: {  	_ =	shalt  }
0x72: {  	_ =	shalt  }
0x73: {  	_ =	shalt  }
0x74: {  	_ =	shalt  }
0x75: {  	_ =	shalt  }
0x76: {  	_ =	shalt  }
0x77: {  	_ =	shalt  }
0x78: {  	_ =	shalt  }
0x79: {  	_ =	shalt  }
0x7a: {  	_ =	shalt  }
0x7b: {  	_ =	shalt  }
0x7c: {  	_ =	shalt  }
0x7d: {  	_ =	shalt  }
0x7e: {  	_ =	shalt  }
0x7f: {  	_ =	shalt  }
0x80: {  	_ =	shalt  }
0x81: {  	_ =	shalt  }
0x82: {  	_ =	shalt  }
0x83: {  	_ =	shalt  }
0x84: {  	_ =	shalt  }
0x85: {  	_ =	shalt  }
0x86: {  	_ =	shalt  }
0x87: {  	_ =	shalt  }
.Lfunc_end0:
.L_simem_size_0:
called_computation_lowered:
.L_overlay_start_0:
0x88: {  	s2 =	sld [smem:$0x3FD9]  }
0x89: {  	s3 =	sld [smem:$0x3FFE];
	_ =	sdelay $0x1  }
0x8a: {  	s1 =	srdreg.scid  }
0x8b: {  	s0 =	sand.u32 $0x1, s1  }
0x8c: {  	s14 =	sshll.u32 s0, $0xA;
	s2 =	sadd.s32 s3, s2  }
0x8d: {  	s2 =	sadd.s32 s2, s14  }
0x8e: {  	[smem:$0x3FB5] =	sst s2  }
0x8f: {  	_ = 	snop  }
0x90: {  	s2 =	sld [smem:$0x3FD0];
	_ =	sdelay $0x2  }
0x91: {  	s15 =	simm.s32 $0xA;
	s4 =	simm.s32 $0x10  }
0x92: {  	[smem:s4], [sflag:s15] =	dma.local [hbm:s2], $0x1  }
0x93: {  	_ =	swait.eq [sflag:s15], $0x1  }
0x94: {  	[sflag:s15] =	ssyncset.done $0x0  }
0x95: {  	[sflag:s15] =	ssyncadd.s32 $0xFFFFFFFF  }
0x96: {  	s16 =	sld [smem:$0x10];
	(tm) =	ssettm $0x1  }
0x97: {  	s17 =	sld [smem:$0x3FFB];
	_ =	sdelay $0x3  }
0x98: {  	_ =	strace s17  }
0x99: {  	s3 =	sld [smem:$0x3FFC];
	_ =	sdelay $0x3  }
0x9a: {  	_ =	strace s3  }
0x9b: {  	s3 =	sld [smem:$0x3FFD];
	_ =	sdelay $0x3  }
0x9c: {  	_ =	strace s3  }
0x9d: {  	_ =	strace $0x8FFFFFFF  }
0x9e: {  	s18 =	sld [smem:$0x3FDB];
	_ =	sdelay $0x1  }
0x9f: {  	s19 =	simm.s32 $_scs_section_size  }
0xa0: {  	s5 =	simm.s32 $_size__tile_overlayer_lowered;
	s6 =	simm.s32 $_tile_overlayer_lowered  }
0xa1: {  	s22 =	simm.s32 $0x1BFF;
	s21 =	sshll.u32 s6, $0x1;
	s3 =	sadd.s32 s19, s18  }
0xa2: {  	s7 =	simm.s32 $0x0;
	s20 =	sshll.u32 s5, $0x1;
	s5 =	sadd.s32 s21, s3  }
0xa3: {  	[timem:s7], [sflag:s22] =	dma.local [hbm:s5], s20  }
0xa4: {  	_ =	swait.ge [sflag:s22], s20  }
0xa5: {  	s4 =	ssub.s32 $0x0, s20;
	[sflag:s22] =	ssyncset.done $0x0  }
0xa6: {  	[sflag:s22] =	ssyncadd.s32 s4;
	_ =	sdelay $0x1  }
0xa7: {  	s23 =	simm.s32 $0x1B8B  }
0xa8: {  	_ =	swait.ge [sflag:s23], $0x1  }
0xa9: {  	[sflag:s23] =	ssyncset.done $0x0  }
0xaa: {  	s25 =	simm.s32 $0x1B8E;
	s24 =	sld [smem:$0x3FFE];
	[sflag:s23] =	ssyncadd.s32 $0xFFFFFFFF  }
0xab: {  	s26 =	simm.s32 $execute0_lowered;
	[smem:$0x3FD2] =	sst s25  }
0xac: {  	s5 =	sshll.u32 s26, $0x1;
	_ =	strace $0x80000046;
	[dreg:$0x1] =	wrdreg $0xFFFFFFFF  }
0xad: {  	s28 =	simm.s32 $_size_execute0_lowered;
	s3 =	sadd.s32 s3, s5;
	[dreg:$0x0] =	wrdreg $0x0  }
0xae: {  	s5 =	sshll.u32 s28, $0x1;
	[dreg:$0x2] =	wrdreg s3  }
0xaf: {  	[dreg:$0x3] =	wrdreg s5  }
0xb0: {  	[dreg:$0x4] =	wrdreg $0xC0  }
0xb1: {  	_ =	task [dreg:s7], $0x5FFFF  }
0xb2: {  	[dreg:$0x1] =	wrdreg $0xFFFFFFFF  }
0xb3: {  	[dreg:$0x0] =	wrdreg $0x60  }
0xb4: {  	[dreg:$0x2] =	wrdreg s24  }
0xb5: {  	[dreg:$0x3] =	wrdreg s16  }
0xb6: {  	[dreg:$0x4] =	wrdreg $0xA8000  }
0xb7: {  	[dreg:$0x5] =	wrdreg $0x1EB000  }
0xb8: {  	[dreg:$0x6] =	wrdreg $0x1ED800  }
0xb9: {  	[dreg:$0x7] =	wrdreg $0x9  }
0xba: {  	_ =	task.clear_ibuf [dreg:s7], $0x8FFFF;
	_ =	strace $0x90000046  }
0xbb: {  	s29 =	simm.s32 $0x9;
	_ =	strace $0x80000048  }
0xbc: {  	_ =	swait.ge [sflag:s29], $0x1  }
0xbd: {  	[sflag:s29] =	ssyncadd.s32 $0xFFFFFFFF  }
0xbe: {  	_ =	strace $0x90000048  }
0xbf: {  	_ =	sfence  }
0xc0: {  	s30 =	sld [smem:$0x0];
	_ =	sdelay $0x2  }
0xc1: {  	s31 =	sshll.u32 s1, $0xD;
	s1 =	sshrl.u32 s1, $0x2  }
0xc2: {  	s3 =	sand.u32 $0x4000, s31;
	s1 =	sadd.s32 s1, s30  }
0xc3: {  	s0 =	sor.u32 s3, s0;
	s1 =	sshll.u32 s1, $0x11  }
0xc4: {  	s0 =	sor.u32 s1, s0  }
0xc5: {  	s0 =	sadd.s32 $0x8F2B, s0  }
0xc6: {  	[sflag:s0] =	ssyncadd.remote.s32 $0x1  }
0xc7: {  	_ =	sfence.sel $0xFFFF  }
0xc8: {  	[dreg:$0x0] =	wrdreg $0xFFFFFFFF;
	(pc) =	sbr.abs _section_cstart, $3  }
0xc9: {  	[dreg:$0x1] =	wrdreg $0xFFFFFFFF  }
0xca: {  	_ =	task.clear_ibuf [dreg:s7], $0x2FFFF;
	_ =	strace $0x9FFFFFFF  }
0xcb: {  	(tm) =	ssettm $0x7FFFFFFF  }
tec
execute0_lowered:
.L_overlay_start_1:
0x0: {  	(tag) =	ssettag $0x1  }
0x1: {  	s0 =	rddreg [dreg:$0x0]  }
0x2: {  	s1 =	rddreg [dreg:$0x1]  }
0x3: {  	s2 =	rddreg [dreg:$0x2]  }
0x4: {  	s3 =	rddreg [dreg:$0x3]  }
0x5: {  	s18 =	rddreg [dreg:$0x4]  }
0x6: {  	s6 =	simm.s32 $0x0;
	s4 =	srdreg.scid;
	s21 =	stileid.u32  }
0x7: {  	s31 =	simm.s32 $0x2800;
	[smem:$0x7FF] =	sst s6;
	s8 =	smul.u32 $0x14000, s21  }
0x8: {  	s4 =	sand.u32 $0x1, s4;
	s11 =	sadd.s32 $0xE000, s0;
	s10 =	smul.u32 $0x280, s21  }
0x9: {  	s7 =	sshll.u32 s21, $0x1;
	s12 =	sadd.s32 $0x4000, s0;
	s20 =	smul.u32 $0x50000, s21  }
0xa: {  	s14 =	sadd.s32 $0x18000, s0;
	p0 =	slt.u32 s21, $0x8;
	s5 =	smul.u32 $0x140000, s4  }
0xb: {  	_ =	strace $0x80000047;
	s13 =	sor.u32 s4, s7;
	s9 =	smul.u32 $0x2800, s4  }
0xc: {  	s7 =	sadd.s32 $0x18800, s0;
	s4 =	ssub.s32 $0x2, s4;
	p1 =	sgt.u32 @p0 s21, $0x3  }
0xd: {  	s15 =	sshll.u32 s13, $0x4;
	s22 =	sshrl.u32 s4, $0x1;
	s23 =	sor.u32 $0x20, s13  }
0xe: {  	s24 =	sshll.u32 s13, $0xB;
	p1 =	por p1, !p0;
	s16 =	sadd.s32 s15, s0  }
0xf: {  	s5 =	sadd.s32 s8, s5;
	s19 =	sadd.s32 s10, s9;
	s9 =	sshrl.u32 s20, $0x2  }
0x10: {  	s4 =	ssub.s32 s4, s22;
	s15 =	sadd.s32 s14, s15;
	s20 =	sor.u32 $0x40, s13  }
0x11: {  	s5 =	sshrl.u32 s5, $0x3;
	s8 =	sshrl.u32 s19, $0x3;
	[dreg:$0x6] =	wrdreg s15  }
0x12: {  	s19 =	sshll.u32 s23, $0x4;
	s26 =	sshll.u32 s20, $0x4;
	s15 =	sshll.u32 s23, $0xB  }
0x13: {  	s5 =	sadd.s32 s5, s0;
	s17 =	sadd.s32 s8, s0;
	s0 =	sadd.s32 $0x90E00, s0  }
0x14: {  	s8 =	sadd.s32 s9, s2;
	s9 =	sadd.s32 s10, s3;
	s10 =	sadd.s32 s10, s18  }
0x15: {  	s25 =	sadd.s32 s14, s19;
	s14 =	sadd.s32 s14, s26;
	s19 =	sshll.u32 s20, $0xB  }
0x16: {  	s20 =	sadd.s32 $0x18600, s16;
	s16 =	simm.s32 $0x2;
	[dreg:$0x8] =	wrdreg s25  }
0x17: {  	s18 =	sadd.s32 s0, s24;
	[dreg:$0x9] =	wrdreg s14;
	s15 =	sadd.s32 s0, s15  }
0x18: {  	s0 =	sadd.s32 s0, s19;
	[dreg:$0xc] =	wrdreg s20;
	s24 =	sadd.s32 $0x40E00, s5  }
0x19: {  	s25 =	sadd.s32 $0x3FA00, s17;
	s26 =	sadd.s32 $0x40400, s17;
	[dreg:$0x7] =	wrdreg s18  }
0x1a: {  	s28 =	sadd.s32 $0x8000, s8;
	s29 =	sadd.s32 $0xC000, s8;
	[dreg:$0xa] =	wrdreg s15  }
0x1b: {  	s30 =	sadd.s32 $0x10000, s8;
	s5 =	simm.s32 $0x1F000;
	[dreg:$0xb] =	wrdreg s0  }
0x1c: {  	s14 =	simm.s32 $0x6800;
	s17 =	simm.s32 $0x1380;
	[dreg:$0x11] =	wrdreg s24  }
0x1d: {  	s19 =	simm.s32 $0x2780;
	s18 =	smul.u32 $0x2800, s13;
	[dreg:$0x12] =	wrdreg s25  }
0x1e: {  	s20 =	simm.s32 $0x0;
	s13 =	smul.u32 $0x500, s13;
	[dreg:$0x13] =	wrdreg s26  }
0x1f: {  	s25 =	smax.u32 s4, $0x1;
	s26 =	sadd.s32 $0x4000, s8;
	s15 =	simm.s32 $0x1EA80  }
0x20: {  	s22 =	sshrl.u32 s18, $0x3;
	s23 =	sadd.s32 s11, s13;
	s13 =	sadd.s32 s12, s13  }
0x21: {  	s18 =	simm.s32 $0x2700;
	[dreg:$0xd] =	wrdreg s23;
	s0 =	sadd.s32 $0x280, s22  }
0x22: {  	[dreg:$0xe] =	wrdreg s13;
	s13 =	simm.s32 $0x1400;
	s11 =	sadd.s32 s11, s0  }
0x23: {  	s0 =	sadd.s32 s12, s0;
	s12 =	simm.s32 $0x1;
	[dreg:$0xf] =	wrdreg s11  }
0x24: {  	v0 =	vimm.f32 $0.0e+00;
	v1 =	vimm.f32 $1.000000000e+00;
	[dreg:$0x10] =	wrdreg s0;
	s0 =	simm.s32 $0x3;
	s11 =	simm.s32 $0x80  }
.LBB2_1:
0x25: {  	s21 =	simm.s32 $0x0;
	s22 =	simm.s32 $0x200  }
.LBB2_2:
0x26: {  	p2 =	sne.s32 s22, $0xFE00;
	[tilespmem:s21+$0x2870] =	vst v0  }
0x27: {  	[tilespmem:s21+$0x2800] =	vst v0  }
0x28: {  	[tilespmem:s21+$0x2810] =	vst v0  }
.Ltmp0:
0x29: {  	[tilespmem:s21+$0x2820] =	vst v0;
	(pc) =	sbr.rel @p2 .LBB2_2-.Ltmp0, $4  }
0x2a: {  	[tilespmem:s21+$0x2830] =	vst v0  }
0x2b: {  	[tilespmem:s21+$0x2840] =	vst v0  }
0x2c: {  	[tilespmem:s21+$0x2850] =	vst v0  }
0x2d: {  	[tilespmem:s21+$0x2860] =	vst v0;
	s21 =	sshra.s32 s22, $0x2;
	s22 =	sadd.s32 $0x200, s22  }
0x2e: {  	[tilespmem:s21+$0x2870] =	vst v0  }
0x2f: {  	[tilespmem:s21+$0x2800] =	vst v0  }
0x30: {  	[tilespmem:s21+$0x2810] =	vst v0  }
0x31: {  	[tilespmem:s21+$0x2820] =	vst v0  }
0x32: {  	[tilespmem:s21+$0x2830] =	vst v0  }
0x33: {  	[tilespmem:s21+$0x2840] =	vst v0  }
0x34: {  	[tilespmem:s21+$0x2850] =	vst v0  }
0x35: {  	[tilespmem:s21+$0x2860] =	vst v0  }
0x36: {  	[spmem:s8] =	stream.linear.scatter [tilespmem:s31], [sflag:$0x3], $0x4000, $0x38;
	[tilespmem:$0x1F080] =	vst v63  }
0x37: {  	_ =	swait.ge [sflag:s0], $0x4000  }
0x38: {  	[sflag:s0] =	ssyncset.done $0x0  }
0x39: {  	[sflag:s0] =	ssyncadd.s32 $0xFFFFC000  }
0x3a: {  	[spmem:s26] =	stream.linear.scatter [tilespmem:s31], [sflag:$0x3], $0x4000, $0x38;
	[tilespmem:$0x1F080] =	vst v63  }
0x3b: {  	_ =	swait.ge [sflag:s0], $0x4000  }
0x3c: {  	[sflag:s0] =	ssyncset.done $0x0  }
0x3d: {  	[sflag:s0] =	ssyncadd.s32 $0xFFFFC000  }
0x3e: {  	[spmem:s28] =	stream.linear.scatter [tilespmem:s31], [sflag:$0x3], $0x4000, $0x38;
	[tilespmem:$0x1F080] =	vst v63  }
0x3f: {  	_ =	swait.ge [sflag:s0], $0x4000  }
0x40: {  	[sflag:s0] =	ssyncset.done $0x0  }
0x41: {  	[sflag:s0] =	ssyncadd.s32 $0xFFFFC000  }
0x42: {  	[spmem:s29] =	stream.linear.scatter [tilespmem:s31], [sflag:$0x3], $0x4000, $0x38;
	[tilespmem:$0x1F080] =	vst v63  }
0x43: {  	_ =	swait.ge [sflag:s0], $0x4000  }
0x44: {  	[sflag:s0] =	ssyncset.done $0x0  }
0x45: {  	[sflag:s0] =	ssyncadd.s32 $0xFFFFC000  }
0x46: {  	[spmem:s30] =	stream.linear.scatter [tilespmem:s31], [sflag:$0x3], $0x4000, $0x38;
	[tilespmem:$0x1F080] =	vst v63  }
0x47: {  	_ =	swait.ge [sflag:s0], $0x4000  }
0x48: {  	[sflag:s0] =	ssyncset.done $0x0  }
0x49: {  	[sflag:s0] =	ssyncadd.s32 $0xFFFFC000  }
0x4a: {  	[tilespmem:$0x1E800] =	vst v0  }
0x4b: {  	[tilespmem:$0x1E810] =	vst v0  }
0x4c: {  	[tilespmem:$0x1E820] =	vst v0  }
0x4d: {  	[tilespmem:$0x1E830] =	vst v0  }
0x4e: {  	[tilespmem:$0x1E840] =	vst v0  }
0x4f: {  	[tilespmem:$0x1E850] =	vst v0  }
0x50: {  	[tilespmem:$0x1E860] =	vst v0  }
0x51: {  	[tilespmem:$0x1E870] =	vst v0  }
0x52: {  	[tilespmem:$0x1E880] =	vst v0  }
0x53: {  	[tilespmem:$0x1E890] =	vst v0  }
0x54: {  	[tilespmem:$0x1E8A0] =	vst v0  }
0x55: {  	[tilespmem:$0x1E8B0] =	vst v0  }
0x56: {  	[tilespmem:$0x1E8C0] =	vst v0  }
0x57: {  	[tilespmem:$0x1E8D0] =	vst v0  }
0x58: {  	[tilespmem:$0x1E8E0] =	vst v0  }
0x59: {  	[tilespmem:$0x1E8F0] =	vst v0  }
0x5a: {  	[tilespmem:$0x1E900] =	vst v0  }
0x5b: {  	[tilespmem:$0x1E910] =	vst v0  }
0x5c: {  	[tilespmem:$0x1E920] =	vst v0  }
0x5d: {  	[tilespmem:$0x1E930] =	vst v0  }
0x5e: {  	[tilespmem:$0x1E940] =	vst v0  }
0x5f: {  	[tilespmem:$0x1E950] =	vst v0  }
0x60: {  	[tilespmem:$0x1E960] =	vst v0  }
0x61: {  	[tilespmem:$0x1E970] =	vst v0  }
0x62: {  	[tilespmem:$0x1E980] =	vst v0  }
0x63: {  	[tilespmem:$0x1E990] =	vst v0  }
0x64: {  	[tilespmem:$0x1E9A0] =	vst v0  }
0x65: {  	[tilespmem:$0x1E9B0] =	vst v0  }
0x66: {  	[tilespmem:$0x1E9C0] =	vst v0  }
0x67: {  	[tilespmem:$0x1E9D0] =	vst v0  }
0x68: {  	[tilespmem:$0x1E9E0] =	vst v0  }
0x69: {  	[tilespmem:$0x1E9F0] =	vst v0  }
0x6a: {  	[tilespmem:$0x1EA00] =	vst v0  }
0x6b: {  	[tilespmem:$0x1EA10] =	vst v0  }
0x6c: {  	[tilespmem:$0x1EA20] =	vst v0  }
0x6d: {  	[tilespmem:$0x1EA30] =	vst v0  }
0x6e: {  	[tilespmem:$0x1EA40] =	vst v0  }
0x6f: {  	[tilespmem:$0x1EA50] =	vst v0  }
0x70: {  	[tilespmem:$0x1EA60] =	vst v0  }
0x71: {  	s4 =	simm.s32 $0x1E800;
	[tilespmem:$0x1EA70] =	vst v0  }
0x72: {  	[spmem:s9] =	stream.linear.scatter [tilespmem:s4], [sflag:$0x3], $0x280, $0x38;
	[tilespmem:$0x1F080] =	vst v63  }
0x73: {  	_ =	swait.ge [sflag:s0], $0x280  }
0x74: {  	[sflag:s0] =	ssyncset.done $0x0  }
0x75: {  	[sflag:s0] =	ssyncadd.s32 $0xFFFFFD80  }
0x76: {  	[spmem:s10] =	stream.linear.scatter [tilespmem:s4], [sflag:$0x3], $0x280, $0x38;
	[tilespmem:$0x1F080] =	vst v63  }
0x77: {  	_ =	swait.ge [sflag:s0], $0x280  }
0x78: {  	[sflag:s0] =	ssyncset.done $0x0  }
0x79: {  	[sflag:s0] =	ssyncadd.s32 $0xFFFFFD80  }
0x7a: {  	[tilespmem:$0x1EA80] =	vst v1  }
0x7b: {  	[tilespmem:$0x1EA90] =	vst v1  }
0x7c: {  	[tilespmem:$0x1EAA0] =	vst v1  }
0x7d: {  	[tilespmem:$0x1EAB0] =	vst v1  }
0x7e: {  	[tilespmem:$0x1EAC0] =	vst v1  }
0x7f: {  	[tilespmem:$0x1EAD0] =	vst v1  }
0x80: {  	[tilespmem:$0x1EAE0] =	vst v1  }
0x81: {  	s22 =	rddreg [dreg:$0x6];
	[tilespmem:$0x1EAF0] =	vst v1  }
0x82: {  	[tilespmem:s5], [sflag:$0x3] =	stream.linear.gather [hbm4b:s22+s6], $0x80, $0x38;
	[tilespmem:$0x1F080] =	vst v63  }
0x83: {  	_ =	swait.ge [sflag:s0], $0x80  }
0x84: {  	[sflag:s0] =	ssyncset.done $0x0  }
0x85: {  	[sflag:s0] =	ssyncadd.s32 $0xFFFFFF80  }
0x86: {  	[tilespmem:s31], [sflag:$0x1] =	stream.indirect.gather [hbm4b:s1+s11], $0x80, s5, s11, $0xb8;
	[tilespmem:$0x1F080] =	vst v63  }
0x87: {  	_ =	swait.ge [sflag:s12], $0x4000  }
0x88: {  	[sflag:s12] =	ssyncset.done $0x0  }
0x89: {  	s23 =	rddreg [dreg:$0x7];
	[sflag:s12] =	ssyncadd.s32 $0xFFFFC000  }
0x8a: {  	[hbm4b:s23+s6] =	stream.linear.scatter [tilespmem:s31], [sflag:$0x3], $0x4000, $0x38;
	[tilespmem:$0x1F080] =	vst v63  }
0x8b: {  	_ =	swait.ge [sflag:s0], $0x4000  }
0x8c: {  	[sflag:s0] =	ssyncset.done $0x0  }
0x8d: {  	s24 =	rddreg [dreg:$0x8];
	[sflag:s0] =	ssyncadd.s32 $0xFFFFC000  }
0x8e: {  	[tilespmem:s5], [sflag:$0x3] =	stream.linear.gather [hbm4b:s24+s6], $0x80, $0x38;
	[tilespmem:$0x1F080] =	vst v63  }
0x8f: {  	_ =	swait.ge [sflag:s0], $0x80  }
0x90: {  	[sflag:s0] =	ssyncset.done $0x0  }
0x91: {  	[sflag:s0] =	ssyncadd.s32 $0xFFFFFF80  }
0x92: {  	[tilespmem:s31], [sflag:$0x1] =	stream.indirect.gather [hbm4b:s1+s11], $0x80, s5, s11, $0xb8;
	[tilespmem:$0x1F080] =	vst v63  }
0x93: {  	_ =	swait.ge [sflag:s12], $0x4000  }
0x94: {  	[sflag:s12] =	ssyncset.done $0x0  }
0x95: {  	s21 =	rddreg [dreg:$0xa];
	[sflag:s12] =	ssyncadd.s32 $0xFFFFC000  }
0x96: {  	[hbm4b:s21+s6] =	stream.linear.scatter [tilespmem:s31], [sflag:$0x3], $0x4000, $0x38;
	[tilespmem:$0x1F080] =	vst v63  }
0x97: {  	_ =	swait.ge [sflag:s0], $0x4000  }
0x98: {  	s22 =	simm.s32 @p0 $0x1F000;
	s23 =	simm.s32 @p0 $0x3;
	[sflag:s0] =	ssyncset.done $0x0  }
0x99: {  	s21 =	simm.s32 @p0 $0x0;
	s4 =	rddreg [dreg:$0x9];
	[sflag:s0] =	ssyncadd.s32 $0xFFFFC000  }
0x9a: {  	[tilespmem:s22], [sflag:$0x3] =	stream.linear.gather @p0 [hbm4b:s4+s21], $0x80, $0x38;
	[tilespmem:$0x1F080] =	vst v63  }
0x9b: {  	_ =	swait.ge @p0 [sflag:s23], $0x80  }
0x9c: {  	[sflag:s23] =	ssyncset.done @p0 $0x0  }
0x9d: {  	s24 =	simm.s32 @p0 $0x80;
	s4 =	simm.s32 @p0 $0x2800;
	[sflag:s23] =	ssyncadd.s32 @p0 $0xFFFFFF80  }
0x9e: {  	[tilespmem:s4], [sflag:$0x1] =	stream.indirect.gather @p0 [hbm4b:s1+s24], $0x80, s22, s24, $0xb8;
	[tilespmem:$0x1F080] =	vst v63  }
0x9f: {  	s22 =	simm.s32 @p0 $0x1  }
0xa0: {  	_ =	swait.ge @p0 [sflag:s22], $0x4000  }
0xa1: {  	[sflag:s22] =	ssyncset.done @p0 $0x0  }
0xa2: {  	[sflag:s22] =	ssyncadd.s32 @p0 $0xFFFFC000;
	s22 =	rddreg [dreg:$0xb]  }
0xa3: {  	[hbm4b:s22+s21] =	stream.linear.scatter @p0 [tilespmem:s4], [sflag:$0x3], $0x4000, $0x38;
	[tilespmem:$0x1F080] =	vst v63  }
0xa4: {  	_ =	swait.ge @p0 [sflag:s23], $0x4000  }
0xa5: {  	[sflag:s23] =	ssyncset.done @p0 $0x0  }
0xa6: {  	[sflag:s23] =	ssyncadd.s32 @p0 $0xFFFFC000  }
0xa7: {  	[bflag:$0x0] =	sbarrier.arrive @p0 $0xFFFF  }
0xa8: {  	s4 =	simm.s32 @!p1 $0x0;
	s21 =	simm.s32 @!p1 $0x1F000;
	s22 =	rddreg [dreg:$0xc]  }
0xa9: {  	[tilespmem:s21], [sflag:$0x3] =	stream.linear.gather @!p1 [hbm4b:s22+s4], $0x80, $0x38;
	[tilespmem:$0x1F080] =	vst v63  }
0xaa: {  	s4 =	simm.s32 @!p1 $0x3  }
0xab: {  	_ =	swait.ge @!p1 [sflag:s4], $0x80  }
0xac: {  	[sflag:s4] =	ssyncset.done @!p1 $0x0  }
0xad: {  	[sflag:s4] =	ssyncadd.s32 @!p1 $0xFFFFFF80  }
0xae: {  	s23 =	simm.s32 @!p1 $0x1EA80;
	s22 =	simm.s32 @!p1 $0x80;
	s24 =	rddreg [dreg:$0x4]  }
0xaf: {  	[spmem:s24] =	stream.indirect.scatter.add.f32 @!p1 [tilespmem:s23], [sflag:$0x3], $0x1, s21, s22, $0xb8;
	[tilespmem:$0x1F080] =	vst v63  }
0xb0: {  	_ =	swait.ge @!p1 [sflag:s4], $0x80  }
0xb1: {  	[sflag:s4] =	ssyncset.done @!p1 $0x0  }
0xb2: {  	[sflag:s4] =	ssyncadd.s32 @!p1 $0xFFFFFF80  }
0xb3: {  	[bflag:$0x0] =	sbarrier.arrive @!p0 $0xFFFF  }
0xb4: {  	s22 =	simm.s32 $0x0;
	s23 =	rddreg [dreg:$0xd]  }
0xb5: {  	[tilespmem:s22], [sflag:$0x3] =	stream.linear.gather [hbm4b:s23+s22], $0x1400, $0x38;
	[tilespmem:$0x1F080] =	vst v63  }
0xb6: {  	_ =	swait.ge [sflag:s0], $0x1400  }
0xb7: {  	[sflag:s0] =	ssyncset.done $0x0  }
0xb8: {  	s24 =	rddreg [dreg:$0xe];
	[sflag:s0] =	ssyncadd.s32 $0xFFFFEC00  }
0xb9: {  	[tilespmem:s13], [sflag:$0x3] =	stream.linear.gather [hbm4b:s24+s22], $0x1400, $0x38;
	[tilespmem:$0x1F080] =	vst v63  }
0xba: {  	_ =	swait.ge [sflag:s0], $0x1400  }
0xbb: {  	[sflag:s0] =	ssyncset.done $0x0  }
0xbc: {  	[sflag:s0] =	ssyncadd.s32 $0xFFFFEC00  }
0xbd: {  	[tilespmem:s31], [sflag:$0x1] =	stream.indirect.gather [hbm4b:s7+s11], $0x80, s22, s11, $0xb8;
	[tilespmem:$0x1F080] =	vst v63  }
0xbe: {  	s21 =	simm.s32 $0x80  }
0xbf: {  	[tilespmem:s14], [sflag:$0x2] =	stream.indirect.gather [hbm4b:s7+s11], $0x80, s21, s11, $0xb8;
	[tilespmem:$0x1F080] =	vst v63  }
0xc0: {  	_ =	swait.ge [sflag:s12], $0x4000  }
0xc1: {  	[sflag:s12] =	ssyncset.done $0x0  }
0xc2: {  	s22 =	simm.s32 $0x1400;
	[sflag:s12] =	ssyncadd.s32 $0xFFFFC000  }
0xc3: {  	[spmem:s2] =	stream.indirect.scatter.add.f32 [tilespmem:s31], [sflag:$0x3], $0x80, s22, s11, $0xb8;
	[tilespmem:$0x1F080] =	vst v63  }
0xc4: {  	_ =	swait.ge [sflag:s0], $0x4000  }
0xc5: {  	[sflag:s0] =	ssyncset.done $0x0  }
0xc6: {  	[sflag:s0] =	ssyncadd.s32 $0xFFFFC000  }
0xc7: {  	[spmem:s3] =	stream.indirect.scatter.add.f32 [tilespmem:s15], [sflag:$0x3], $0x1, s22, s11, $0xb8;
	[tilespmem:$0x1F080] =	vst v63  }
0xc8: {  	_ =	swait.ge [sflag:s0], $0x80  }
0xc9: {  	[sflag:s0] =	ssyncset.done $0x0  }
0xca: {  	s23 =	simm.s32 $0x100;
	[sflag:s0] =	ssyncadd.s32 $0xFFFFFF80  }
0xcb: {  	[tilespmem:s31], [sflag:$0x1] =	stream.indirect.gather [hbm4b:s7+s11], $0x80, s23, s11, $0xb8;
	[tilespmem:$0x1F080] =	vst v63  }
0xcc: {  	_ =	swait.ge [sflag:s16], $0x4000  }
0xcd: {  	[sflag:s16] =	ssyncset.done $0x0  }
0xce: {  	s24 =	simm.s32 $0x1480;
	[sflag:s16] =	ssyncadd.s32 $0xFFFFC000  }
0xcf: {  	[spmem:s2] =	stream.indirect.scatter.add.f32 [tilespmem:s14], [sflag:$0x3], $0x80, s24, s11, $0xb8;
	[tilespmem:$0x1F080] =	vst v63  }
0xd0: {  	_ =	swait.ge [sflag:s0], $0x4000  }
0xd1: {  	[sflag:s0] =	ssyncset.done $0x0  }
0xd2: {  	[sflag:s0] =	ssyncadd.s32 $0xFFFFC000  }
0xd3: {  	[spmem:s3] =	stream.indirect.scatter.add.f32 [tilespmem:s15], [sflag:$0x3], $0x1, s24, s11, $0xb8;
	[tilespmem:$0x1F080] =	vst v63  }
0xd4: {  	_ =	swait.ge [sflag:s0], $0x80  }
0xd5: {  	s21 =	simm.s32 $0x100;
	s22 =	simm.s32 $0x800;
	[sflag:s0] =	ssyncset.done $0x0  }
.LBB2_4:
0xd6: {  	s4 =	sadd.s32 $0x80, s21  }
0xd7: {  	[sflag:s0] =	ssyncadd.s32 $0xFFFFFF80;
	s23 =	smov.u32 s22;
	s24 =	sadd.s32 $0x400, s22  }
0xd8: {  	[tilespmem:s14], [sflag:$0x2] =	stream.indirect.gather [hbm4b:s7+s11], $0x80, s4, s11, $0xb8;
	[tilespmem:$0x1F080] =	vst v63  }
0xd9: {  	p2 =	sne.s32 s22, $0x4800;
	_ =	swait.ge [sflag:s12], $0x4000  }
0xda: {  	[sflag:s12] =	ssyncset.done $0x0  }
0xdb: {  	s4 =	sadd.s32 $0x1400, s21;
	[sflag:s12] =	ssyncadd.s32 $0xFFFFC000  }
0xdc: {  	[spmem:s2] =	stream.indirect.scatter.add.f32 [tilespmem:s31], [sflag:$0x3], $0x80, s4, s11, $0xb8;
	[tilespmem:$0x1F080] =	vst v63  }
0xdd: {  	_ =	swait.ge [sflag:s0], $0x4000  }
0xde: {  	[sflag:s0] =	ssyncset.done $0x0  }
0xdf: {  	[sflag:s0] =	ssyncadd.s32 $0xFFFFC000  }
0xe0: {  	[spmem:s3] =	stream.indirect.scatter.add.f32 [tilespmem:s15], [sflag:$0x3], $0x1, s4, s11, $0xb8;
	[tilespmem:$0x1F080] =	vst v63  }
0xe1: {  	_ =	swait.ge [sflag:s0], $0x80  }
0xe2: {  	[sflag:s0] =	ssyncset.done $0x0  }
0xe3: {  	s4 =	sadd.s32 $0x100, s21;
	[sflag:s0] =	ssyncadd.s32 $0xFFFFFF80  }
0xe4: {  	[tilespmem:s31], [sflag:$0x1] =	stream.indirect.gather [hbm4b:s7+s11], $0x80, s4, s11, $0xb8;
	[tilespmem:$0x1F080] =	vst v63  }
0xe5: {  	_ =	swait.ge [sflag:s16], $0x4000  }
0xe6: {  	[sflag:s16] =	ssyncset.done $0x0  }
0xe7: {  	s4 =	sadd.s32 $0x1480, s21;
	[sflag:s16] =	ssyncadd.s32 $0xFFFFC000  }
0xe8: {  	[spmem:s2] =	stream.indirect.scatter.add.f32 [tilespmem:s14], [sflag:$0x3], $0x80, s4, s11, $0xb8;
	[tilespmem:$0x1F080] =	vst v63  }
0xe9: {  	_ =	swait.ge [sflag:s0], $0x4000  }
.Ltmp1:
0xea: {  	[sflag:s0] =	ssyncset.done $0x0;
	(pc) =	sbr.rel @p2 .LBB2_4-.Ltmp1, $4  }
0xeb: {  	[sflag:s0] =	ssyncadd.s32 $0xFFFFC000  }
0xec: {  	[spmem:s3] =	stream.indirect.scatter.add.f32 [tilespmem:s15], [sflag:$0x3], $0x1, s4, s11, $0xb8;
	[tilespmem:$0x1F080] =	vst v63  }
0xed: {  	_ =	swait.ge [sflag:s0], $0x80  }
0xee: {  	s22 =	smov.u32 s24;
	s21 =	sshra.s32 s23, $0x2;
	[sflag:s0] =	ssyncset.done $0x0  }
0xef: {  	s4 =	sadd.s32 $0x80, s21;
	[sflag:s0] =	ssyncadd.s32 $0xFFFFFF80  }
0xf0: {  	[tilespmem:s14], [sflag:$0x2] =	stream.indirect.gather [hbm4b:s7+s11], $0x80, s4, s11, $0xb8;
	[tilespmem:$0x1F080] =	vst v63  }
0xf1: {  	_ =	swait.ge [sflag:s12], $0x4000  }
0xf2: {  	[sflag:s12] =	ssyncset.done $0x0  }
0xf3: {  	s23 =	sadd.s32 $0x1400, s21;
	[sflag:s12] =	ssyncadd.s32 $0xFFFFC000  }
0xf4: {  	[spmem:s2] =	stream.indirect.scatter.add.f32 [tilespmem:s31], [sflag:$0x3], $0x80, s23, s11, $0xb8;
	[tilespmem:$0x1F080] =	vst v63  }
0xf5: {  	_ =	swait.ge [sflag:s0], $0x4000  }
0xf6: {  	[sflag:s0] =	ssyncset.done $0x0  }
0xf7: {  	[sflag:s0] =	ssyncadd.s32 $0xFFFFC000  }
0xf8: {  	[spmem:s3] =	stream.indirect.scatter.add.f32 [tilespmem:s15], [sflag:$0x3], $0x1, s23, s11, $0xb8;
	[tilespmem:$0x1F080] =	vst v63  }
0xf9: {  	_ =	swait.ge [sflag:s0], $0x80  }
0xfa: {  	[sflag:s0] =	ssyncset.done $0x0  }
0xfb: {  	s24 =	sadd.s32 $0x100, s21;
	[sflag:s0] =	ssyncadd.s32 $0xFFFFFF80  }
0xfc: {  	[tilespmem:s31], [sflag:$0x1] =	stream.indirect.gather [hbm4b:s7+s11], $0x80, s24, s11, $0xb8;
	[tilespmem:$0x1F080] =	vst v63  }
0xfd: {  	_ =	swait.ge [sflag:s16], $0x4000  }
0xfe: {  	[sflag:s16] =	ssyncset.done $0x0  }
0xff: {  	s21 =	sadd.s32 $0x1480, s21;
	[sflag:s16] =	ssyncadd.s32 $0xFFFFC000  }
0x100: {  	[spmem:s2] =	stream.indirect.scatter.add.f32 [tilespmem:s14], [sflag:$0x3], $0x80, s21, s11, $0xb8;
	[tilespmem:$0x1F080] =	vst v63  }
0x101: {  	_ =	swait.ge [sflag:s0], $0x4000  }
0x102: {  	[sflag:s0] =	ssyncset.done $0x0  }
0x103: {  	[sflag:s0] =	ssyncadd.s32 $0xFFFFC000  }
0x104: {  	[spmem:s3] =	stream.indirect.scatter.add.f32 [tilespmem:s15], [sflag:$0x3], $0x1, s21, s11, $0xb8;
	[tilespmem:$0x1F080] =	vst v63  }
0x105: {  	_ =	swait.ge [sflag:s0], $0x80  }
0x106: {  	[sflag:s0] =	ssyncset.done $0x0  }
0x107: {  	[sflag:s0] =	ssyncadd.s32 $0xFFFFFF80  }
0x108: {  	[tilespmem:s14], [sflag:$0x2] =	stream.indirect.gather [hbm4b:s7+s11], $0x80, s17, s11, $0xb8;
	[tilespmem:$0x1F080] =	vst v63  }
0x109: {  	_ =	swait.ge [sflag:s12], $0x4000  }
0x10a: {  	[sflag:s12] =	ssyncset.done $0x0  }
0x10b: {  	[sflag:s12] =	ssyncadd.s32 $0xFFFFC000  }
0x10c: {  	[spmem:s2] =	stream.indirect.scatter.add.f32 [tilespmem:s31], [sflag:$0x3], $0x80, s18, s11, $0xb8;
	[tilespmem:$0x1F080] =	vst v63  }
0x10d: {  	_ =	swait.ge [sflag:s0], $0x4000  }
0x10e: {  	[sflag:s0] =	ssyncset.done $0x0  }
0x10f: {  	[sflag:s0] =	ssyncadd.s32 $0xFFFFC000  }
0x110: {  	[spmem:s3] =	stream.indirect.scatter.add.f32 [tilespmem:s15], [sflag:$0x3], $0x1, s18, s11, $0xb8;
	[tilespmem:$0x1F080] =	vst v63  }
0x111: {  	_ =	swait.ge [sflag:s0], $0x80  }
0x112: {  	[sflag:s0] =	ssyncset.done $0x0  }
0x113: {  	[sflag:s0] =	ssyncadd.s32 $0xFFFFFF80  }
0x114: {  	_ =	swait.ge [sflag:s16], $0x4000  }
0x115: {  	[sflag:s16] =	ssyncset.done $0x0  }
0x116: {  	[sflag:s16] =	ssyncadd.s32 $0xFFFFC000  }
0x117: {  	[spmem:s2] =	stream.indirect.scatter.add.f32 [tilespmem:s14], [sflag:$0x3], $0x80, s19, s11, $0xb8;
	[tilespmem:$0x1F080] =	vst v63  }
0x118: {  	_ =	swait.ge [sflag:s0], $0x4000  }
0x119: {  	[sflag:s0] =	ssyncset.done $0x0  }
0x11a: {  	[sflag:s0] =	ssyncadd.s32 $0xFFFFC000  }
0x11b: {  	[spmem:s3] =	stream.indirect.scatter.add.f32 [tilespmem:s15], [sflag:$0x3], $0x1, s19, s11, $0xb8;
	[tilespmem:$0x1F080] =	vst v63  }
0x11c: {  	_ =	swait.ge [sflag:s0], $0x80  }
0x11d: {  	[sflag:s0] =	ssyncset.done $0x0  }
0x11e: {  	s22 =	simm.s32 $0x0;
	s23 =	rddreg [dreg:$0xf];
	[sflag:s0] =	ssyncadd.s32 $0xFFFFFF80  }
0x11f: {  	[tilespmem:s22], [sflag:$0x3] =	stream.linear.gather [hbm4b:s23+s22], $0x1400, $0x38;
	[tilespmem:$0x1F080] =	vst v63  }
0x120: {  	_ =	swait.ge [sflag:s0], $0x1400  }
0x121: {  	[sflag:s0] =	ssyncset.done $0x0  }
0x122: {  	s24 =	rddreg [dreg:$0x10];
	[sflag:s0] =	ssyncadd.s32 $0xFFFFEC00  }
0x123: {  	[tilespmem:s13], [sflag:$0x3] =	stream.linear.gather [hbm4b:s24+s22], $0x1400, $0x38;
	[tilespmem:$0x1F080] =	vst v63  }
0x124: {  	_ =	swait.ge [sflag:s0], $0x1400  }
0x125: {  	[sflag:s0] =	ssyncset.done $0x0  }
0x126: {  	[sflag:s0] =	ssyncadd.s32 $0xFFFFEC00  }
0x127: {  	[tilespmem:s31], [sflag:$0x1] =	stream.indirect.gather [hbm4b:s7+s11], $0x80, s22, s11, $0xb8;
	[tilespmem:$0x1F080] =	vst v63  }
0x128: {  	s21 =	simm.s32 $0x80  }
0x129: {  	[tilespmem:s14], [sflag:$0x2] =	stream.indirect.gather [hbm4b:s7+s11], $0x80, s21, s11, $0xb8;
	[tilespmem:$0x1F080] =	vst v63  }
0x12a: {  	_ =	swait.ge [sflag:s12], $0x4000  }
0x12b: {  	[sflag:s12] =	ssyncset.done $0x0  }
0x12c: {  	s22 =	simm.s32 $0x1400;
	[sflag:s12] =	ssyncadd.s32 $0xFFFFC000  }
0x12d: {  	[spmem:s2] =	stream.indirect.scatter.add.f32 [tilespmem:s31], [sflag:$0x3], $0x80, s22, s11, $0xb8;
	[tilespmem:$0x1F080] =	vst v63  }
0x12e: {  	_ =	swait.ge [sflag:s0], $0x4000  }
0x12f: {  	[sflag:s0] =	ssyncset.done $0x0  }
0x130: {  	[sflag:s0] =	ssyncadd.s32 $0xFFFFC000  }
0x131: {  	[spmem:s3] =	stream.indirect.scatter.add.f32 [tilespmem:s15], [sflag:$0x3], $0x1, s22, s11, $0xb8;
	[tilespmem:$0x1F080] =	vst v63  }
0x132: {  	_ =	swait.ge [sflag:s0], $0x80  }
0x133: {  	[sflag:s0] =	ssyncset.done $0x0  }
0x134: {  	s23 =	simm.s32 $0x100;
	[sflag:s0] =	ssyncadd.s32 $0xFFFFFF80  }
0x135: {  	[tilespmem:s31], [sflag:$0x1] =	stream.indirect.gather [hbm4b:s7+s11], $0x80, s23, s11, $0xb8;
	[tilespmem:$0x1F080] =	vst v63  }
0x136: {  	_ =	swait.ge [sflag:s16], $0x4000  }
0x137: {  	[sflag:s16] =	ssyncset.done $0x0  }
0x138: {  	s24 =	simm.s32 $0x1480;
	[sflag:s16] =	ssyncadd.s32 $0xFFFFC000  }
0x139: {  	[spmem:s2] =	stream.indirect.scatter.add.f32 [tilespmem:s14], [sflag:$0x3], $0x80, s24, s11, $0xb8;
	[tilespmem:$0x1F080] =	vst v63  }
0x13a: {  	_ =	swait.ge [sflag:s0], $0x4000  }
0x13b: {  	[sflag:s0] =	ssyncset.done $0x0  }
0x13c: {  	[sflag:s0] =	ssyncadd.s32 $0xFFFFC000  }
0x13d: {  	[spmem:s3] =	stream.indirect.scatter.add.f32 [tilespmem:s15], [sflag:$0x3], $0x1, s24, s11, $0xb8;
	[tilespmem:$0x1F080] =	vst v63  }
0x13e: {  	_ =	swait.ge [sflag:s0], $0x80  }
0x13f: {  	s21 =	simm.s32 $0x100;
	s22 =	simm.s32 $0x800;
	[sflag:s0] =	ssyncset.done $0x0  }
.LBB2_6:
0x140: {  	s4 =	sadd.s32 $0x80, s21  }
0x141: {  	[sflag:s0] =	ssyncadd.s32 $0xFFFFFF80;
	s23 =	smov.u32 s22;
	s24 =	sadd.s32 $0x400, s22  }
0x142: {  	[tilespmem:s14], [sflag:$0x2] =	stream.indirect.gather [hbm4b:s7+s11], $0x80, s4, s11, $0xb8;
	[tilespmem:$0x1F080] =	vst v63  }
0x143: {  	p2 =	sne.s32 s22, $0x4800;
	_ =	swait.ge [sflag:s12], $0x4000  }
0x144: {  	[sflag:s12] =	ssyncset.done $0x0  }
0x145: {  	s4 =	sadd.s32 $0x1400, s21;
	[sflag:s12] =	ssyncadd.s32 $0xFFFFC000  }
0x146: {  	[spmem:s2] =	stream.indirect.scatter.add.f32 [tilespmem:s31], [sflag:$0x3], $0x80, s4, s11, $0xb8;
	[tilespmem:$0x1F080] =	vst v63  }
0x147: {  	_ =	swait.ge [sflag:s0], $0x4000  }
0x148: {  	[sflag:s0] =	ssyncset.done $0x0  }
0x149: {  	[sflag:s0] =	ssyncadd.s32 $0xFFFFC000  }
0x14a: {  	[spmem:s3] =	stream.indirect.scatter.add.f32 [tilespmem:s15], [sflag:$0x3], $0x1, s4, s11, $0xb8;
	[tilespmem:$0x1F080] =	vst v63  }
0x14b: {  	_ =	swait.ge [sflag:s0], $0x80  }
0x14c: {  	[sflag:s0] =	ssyncset.done $0x0  }
0x14d: {  	s4 =	sadd.s32 $0x100, s21;
	[sflag:s0] =	ssyncadd.s32 $0xFFFFFF80  }
0x14e: {  	[tilespmem:s31], [sflag:$0x1] =	stream.indirect.gather [hbm4b:s7+s11], $0x80, s4, s11, $0xb8;
	[tilespmem:$0x1F080] =	vst v63  }
0x14f: {  	_ =	swait.ge [sflag:s16], $0x4000  }
0x150: {  	[sflag:s16] =	ssyncset.done $0x0  }
0x151: {  	s4 =	sadd.s32 $0x1480, s21;
	[sflag:s16] =	ssyncadd.s32 $0xFFFFC000  }
0x152: {  	[spmem:s2] =	stream.indirect.scatter.add.f32 [tilespmem:s14], [sflag:$0x3], $0x80, s4, s11, $0xb8;
	[tilespmem:$0x1F080] =	vst v63  }
0x153: {  	_ =	swait.ge [sflag:s0], $0x4000  }
.Ltmp2:
0x154: {  	[sflag:s0] =	ssyncset.done $0x0;
	(pc) =	sbr.rel @p2 .LBB2_6-.Ltmp2, $4  }
0x155: {  	[sflag:s0] =	ssyncadd.s32 $0xFFFFC000  }
0x156: {  	[spmem:s3] =	stream.indirect.scatter.add.f32 [tilespmem:s15], [sflag:$0x3], $0x1, s4, s11, $0xb8;
	[tilespmem:$0x1F080] =	vst v63  }
0x157: {  	_ =	swait.ge [sflag:s0], $0x80  }
0x158: {  	s22 =	smov.u32 s24;
	s21 =	sshra.s32 s23, $0x2;
	[sflag:s0] =	ssyncset.done $0x0  }
0x159: {  	s4 =	sadd.s32 $0x80, s21;
	[sflag:s0] =	ssyncadd.s32 $0xFFFFFF80  }
0x15a: {  	[tilespmem:s14], [sflag:$0x2] =	stream.indirect.gather [hbm4b:s7+s11], $0x80, s4, s11, $0xb8;
	[tilespmem:$0x1F080] =	vst v63  }
0x15b: {  	_ =	swait.ge [sflag:s12], $0x4000  }
0x15c: {  	[sflag:s12] =	ssyncset.done $0x0  }
0x15d: {  	s23 =	sadd.s32 $0x1400, s21;
	[sflag:s12] =	ssyncadd.s32 $0xFFFFC000  }
0x15e: {  	[spmem:s2] =	stream.indirect.scatter.add.f32 [tilespmem:s31], [sflag:$0x3], $0x80, s23, s11, $0xb8;
	[tilespmem:$0x1F080] =	vst v63  }
0x15f: {  	_ =	swait.ge [sflag:s0], $0x4000  }
0x160: {  	[sflag:s0] =	ssyncset.done $0x0  }
0x161: {  	[sflag:s0] =	ssyncadd.s32 $0xFFFFC000  }
0x162: {  	[spmem:s3] =	stream.indirect.scatter.add.f32 [tilespmem:s15], [sflag:$0x3], $0x1, s23, s11, $0xb8;
	[tilespmem:$0x1F080] =	vst v63  }
0x163: {  	_ =	swait.ge [sflag:s0], $0x80  }
0x164: {  	[sflag:s0] =	ssyncset.done $0x0  }
0x165: {  	s24 =	sadd.s32 $0x100, s21;
	[sflag:s0] =	ssyncadd.s32 $0xFFFFFF80  }
0x166: {  	[tilespmem:s31], [sflag:$0x1] =	stream.indirect.gather [hbm4b:s7+s11], $0x80, s24, s11, $0xb8;
	[tilespmem:$0x1F080] =	vst v63  }
0x167: {  	_ =	swait.ge [sflag:s16], $0x4000  }
0x168: {  	[sflag:s16] =	ssyncset.done $0x0  }
0x169: {  	s22 =	sadd.s32 $0x1480, s21;
	[sflag:s16] =	ssyncadd.s32 $0xFFFFC000  }
0x16a: {  	[spmem:s2] =	stream.indirect.scatter.add.f32 [tilespmem:s14], [sflag:$0x3], $0x80, s22, s11, $0xb8;
	[tilespmem:$0x1F080] =	vst v63  }
0x16b: {  	_ =	swait.ge [sflag:s0], $0x4000  }
0x16c: {  	[sflag:s0] =	ssyncset.done $0x0  }
0x16d: {  	[sflag:s0] =	ssyncadd.s32 $0xFFFFC000  }
0x16e: {  	[spmem:s3] =	stream.indirect.scatter.add.f32 [tilespmem:s15], [sflag:$0x3], $0x1, s22, s11, $0xb8;
	[tilespmem:$0x1F080] =	vst v63  }
0x16f: {  	_ =	swait.ge [sflag:s0], $0x80  }
0x170: {  	[sflag:s0] =	ssyncset.done $0x0  }
0x171: {  	[sflag:s0] =	ssyncadd.s32 $0xFFFFFF80  }
0x172: {  	[tilespmem:s14], [sflag:$0x2] =	stream.indirect.gather [hbm4b:s7+s11], $0x80, s17, s11, $0xb8;
	[tilespmem:$0x1F080] =	vst v63  }
0x173: {  	_ =	swait.ge [sflag:s12], $0x4000  }
0x174: {  	[sflag:s12] =	ssyncset.done $0x0  }
0x175: {  	[sflag:s12] =	ssyncadd.s32 $0xFFFFC000  }
0x176: {  	[spmem:s2] =	stream.indirect.scatter.add.f32 [tilespmem:s31], [sflag:$0x3], $0x80, s18, s11, $0xb8;
	[tilespmem:$0x1F080] =	vst v63  }
0x177: {  	_ =	swait.ge [sflag:s0], $0x4000  }
0x178: {  	[sflag:s0] =	ssyncset.done $0x0  }
0x179: {  	[sflag:s0] =	ssyncadd.s32 $0xFFFFC000  }
0x17a: {  	[spmem:s3] =	stream.indirect.scatter.add.f32 [tilespmem:s15], [sflag:$0x3], $0x1, s18, s11, $0xb8;
	[tilespmem:$0x1F080] =	vst v63  }
0x17b: {  	_ =	swait.ge [sflag:s0], $0x80  }
0x17c: {  	[sflag:s0] =	ssyncset.done $0x0  }
0x17d: {  	[sflag:s0] =	ssyncadd.s32 $0xFFFFFF80  }
0x17e: {  	_ =	swait.ge [sflag:s16], $0x4000  }
0x17f: {  	[sflag:s16] =	ssyncset.done $0x0  }
0x180: {  	[sflag:s16] =	ssyncadd.s32 $0xFFFFC000  }
0x181: {  	[spmem:s2] =	stream.indirect.scatter.add.f32 [tilespmem:s14], [sflag:$0x3], $0x80, s19, s11, $0xb8;
	[tilespmem:$0x1F080] =	vst v63  }
0x182: {  	_ =	swait.ge [sflag:s0], $0x4000  }
0x183: {  	[sflag:s0] =	ssyncset.done $0x0  }
0x184: {  	[sflag:s0] =	ssyncadd.s32 $0xFFFFC000  }
0x185: {  	[spmem:s3] =	stream.indirect.scatter.add.f32 [tilespmem:s15], [sflag:$0x3], $0x1, s19, s11, $0xb8;
	[tilespmem:$0x1F080] =	vst v63  }
0x186: {  	_ =	swait.ge [sflag:s0], $0x80  }
0x187: {  	[sflag:s0] =	ssyncset.done $0x0  }
0x188: {  	s23 =	stileid.u32;
	[sflag:s0] =	ssyncadd.s32 $0xFFFFFF80  }
0x189: {  	s4 =	sshll.u32 s23, $0x6;
	[bflag:$0x0] =	sbarrier.arrive $0xFFFF  }
0x18a: {  	s4 =	sor.u32 $0x1C03, s4;
	s24 =	sshrl.u32 s8, $0x3;
	s22 =	rddreg [dreg:$0x11]  }
0x18b: {  	[hbm:s22], [sflag:s4] =	dma.local [spmem:s24], $0x2800  }
0x18c: {  	_ =	swait.ge [sflag:s0], $0x2800  }
0x18d: {  	[sflag:s0] =	ssyncset.done $0x0  }
0x18e: {  	s23 =	sshrl.u32 s9, $0x3;
	s24 =	rddreg [dreg:$0x12];
	[sflag:s0] =	ssyncadd.s32 $0xFFFFD800  }
0x18f: {  	[hbm:s24], [sflag:s4] =	dma.local [spmem:s23], $0x50  }
0x190: {  	s20 =	sadd.s32 $0x1, s20;
	_ =	swait.ge [sflag:s0], $0x50  }
0x191: {  	p2 =	sne.s32 s20, s25;
	s23 =	sshrl.u32 s10, $0x3;
	[sflag:s0] =	ssyncset.done $0x0  }
.Ltmp3:
0x192: {  	s24 =	rddreg [dreg:$0x13];
	[sflag:s0] =	ssyncadd.s32 $0xFFFFFFB0;
	(pc) =	sbr.rel @p2 .LBB2_1-.Ltmp3, $4  }
0x193: {  	[hbm:s24], [sflag:s4] =	dma.local [spmem:s23], $0x50  }
0x194: {  	_ =	swait.ge [sflag:s0], $0x50  }
0x195: {  	[sflag:s0] =	ssyncset.done $0x0  }
0x196: {  	[sflag:s0] =	ssyncadd.s32 $0xFFFFFFB0  }
0x197: {  	_ =	sfence.sel $0x180000  }
0x198: {  	[bflag:$0x0] =	sbarrier.arrive $0xFFFF  }
0x199: {  	_ =	strace $0x90000047  }
0x19a: {  	s0 =	stileid.u32;
	[bflag:$0x2] =	sbarrier.arrive $0xFFFF  }
0x19b: {  	p0 =	sne.s32 s0, $0x0;
	s0 =	rddreg [dreg:$0x5]  }
0x19c: {  	s0 =	sadd.s32 @!p0 $0x100000, s0  }
0x19d: {  	[sflag:s0] =	ssyncadd.tile.s32 @!p0 $0x1;
	_ =	shalt  }
.Lfunc_end2:
_tile_overlayer_lowered:
.L_overlay_start_2:
0x19e: {  	(tag) =	ssettag $0x2  }
0x19f: {  	s0 =	rddreg [dreg:$0x0];
	s2 =	stileid.u32  }
0x1a0: {  	s1 =	rddreg [dreg:$0x1];
	p0 =	sne.s32 s2, $0x0  }
0x1a1: {  	s3 =	rddreg [dreg:$0x2];
	[bflag:$0x3] =	sbarrier.arrive $0xFFFF;
	s2 =	simm.s32 @!p0 $0x1C03  }
0x1a2: {  	[timem:s3], [sflag:s2] =	dma.local @!p0 [hbm:s0], s1  }
0x1a3: {  	s0 =	simm.s32 @!p0 $0x3  }
0x1a4: {  	_ =	swait.ge @!p0 [sflag:s0], s1  }
0x1a5: {  	s1 =	ssub.s32 @!p0 $0x0, s1;
	[sflag:s0] =	ssyncset.done @!p0 $0x0  }
0x1a6: {  	[sflag:s0] =	ssyncadd.s32 @!p0 s1  }
0x1a7: {  	[bflag:$0x3] =	sbarrier.arrive $0xFFFF  }
0x1a8: {  	_ =	shalt  }

</sc_bundles>
